<compile_context>
chip_gen: v7x
topology: tpu7x:2x2x1
jax: 0.10.2.dev20260603
libtpu: 0.0.44.dev20260713+nightly
codegen_flags: <defaults>
</compile_context>

<pallas_src>
import functools

import jax
import jax.numpy as jnp
from jax import lax
from jax.experimental import pallas as pl
from jax.experimental.pallas import tpu as pltpu
from jax.experimental.pallas import tpu_sc as plsc

L = 16


def _sc_pre_act(x, packed_chunks):
    B, N = x.shape
    NCH, K, HC = packed_chunks.shape
    H = NCH * HC
    NW = 32
    rpw = B // NW

    mesh = plsc.VectorSubcoreMesh(core_axis_name="c", subcore_axis_name="s")

    @functools.partial(
        pl.kernel,
        mesh=mesh,
        out_type=jax.ShapeDtypeStruct((B, H), jnp.float32),
        compiler_params=pltpu.CompilerParams(
            use_tc_tiling_on_sc=True, needs_layout_passes=False
        ),
        scratch_types=[
            pltpu.VMEM((N,), jnp.float32),
            pltpu.VMEM((2, K, HC), jnp.uint32),
            pltpu.VMEM((2, H), jnp.float32),
            pltpu.VMEM_SHARED((NCH, K, HC), jnp.uint32),
            pltpu.SemaphoreType.DMA,
            pltpu.SemaphoreType.DMA,
            pltpu.SemaphoreType.DMA,
            pltpu.SemaphoreType.DMA,
        ],
    )
    def sc_fn(x_hbm, pk_hbm, out_hbm, xrow, pkv, accv, pk_sp, s0, s1, o0, o1):
        wid = lax.axis_index("s") * 2 + lax.axis_index("c")
        sems = (s0, s1)
        osems = (o0, o1)

        @pl.when(lax.axis_index("s") == 0)
        def _():
            pltpu.sync_copy(pk_hbm, pk_sp)

        plsc.subcore_barrier()

        def start_fetch(c, parity):
            pltpu.async_copy(pk_sp.at[c % NCH], pkv.at[parity], sems[parity])

        def wait_fetch(parity):
            pltpu.make_async_copy(pk_sp.at[0], pkv.at[parity], sems[parity]).wait()

        start_fetch(0, 0)
        start_fetch(1, 1)

        def do_chunk(c, parity, oslot):
            wait_fetch(parity)

            @plsc.parallel_loop(0, HC // L, unroll=2)
            def blk_body(j):
                accs = [jnp.zeros((L,), jnp.float32) for _ in range(4)]
                for half in range(2):
                    ks = range(half * 8, half * 8 + 8)
                    pvs = [pkv[parity, k, pl.ds(j * L, L)] for k in ks]
                    ivs = [
                        plsc.bitcast(jnp.right_shift(pv, jnp.uint32(15)), jnp.int32)
                        for pv in pvs
                    ]
                    wvs = [
                        plsc.bitcast(jnp.left_shift(pv, jnp.uint32(17)), jnp.float32)
                        for pv in pvs
                    ]
                    gs = [plsc.load_gather(xrow, [iv]) for iv in ivs]
                    for t in range(8):
                        accs[t % 4] = accs[t % 4] + gs[t] * wvs[t]
                acc = (accs[0] + accs[1]) + (accs[2] + accs[3])
                accv[oslot, pl.ds(c * HC + j * L, L)] = acc

            start_fetch(c + 2, parity)

        def do_row(i, oslot):
            r = wid * rpw + i
            pltpu.sync_copy(x_hbm.at[r], xrow)

            @pl.when(i >= 2)
            def _():
                pltpu.make_async_copy(
                    accv.at[oslot], out_hbm.at[r], osems[oslot]
                ).wait()

            def chunk_pair(p, carry2):
                c = p * 2
                do_chunk(c, 0, oslot)
                do_chunk(c + 1, 1, oslot)
                return carry2

            lax.fori_loop(0, NCH // 2, chunk_pair, 0)
            pltpu.async_copy(accv.at[oslot], out_hbm.at[r], osems[oslot])

        def row_pair(i2, carry):
            do_row(i2 * 2, 0)
            do_row(i2 * 2 + 1, 1)
            return carry

        lax.fori_loop(0, rpw // 2, row_pair, 0)
        pltpu.make_async_copy(accv.at[0], out_hbm.at[0], osems[0]).wait()
        pltpu.make_async_copy(accv.at[1], out_hbm.at[0], osems[1]).wait()
        wait_fetch(0)
        wait_fetch(1)

    return sc_fn(x, packed_chunks)


def _tc_head(pre, b1, w2, b2):
    B, H = pre.shape
    BT = 256

    w2_pad = jnp.zeros((128, H), jnp.float32).at[0].set(w2[0])

    def body(b2_ref, pre_ref, b1_ref, w2_ref, out_ref):
        z = jnp.tanh(pre_ref[...] + b1_ref[...])
        s = lax.dot_general(z, w2_ref[...], (((1,), (1,)), ((), ())))
        out_ref[...] = jnp.tanh(s + b2_ref[0])

    out = pl.pallas_call(
        body,
        grid=(B // BT,),
        in_specs=[
            pl.BlockSpec(memory_space=pltpu.SMEM),
            pl.BlockSpec((BT, H), lambda i: (i, 0)),
            pl.BlockSpec((1, H), lambda i: (0, 0)),
            pl.BlockSpec((128, H), lambda i: (0, 0)),
        ],
        out_specs=pl.BlockSpec((BT, 128), lambda i: (i, 0)),
        out_shape=jax.ShapeDtypeStruct((B, 128), jnp.float32),
    )(b2, pre, b1.reshape(1, H), w2_pad)
    return out[:, 0]


def _pack_wiring(input_indices, w1, NCH, HC):
    K = input_indices.shape[1]
    wbits = lax.bitcast_convert_type(w1, jnp.uint32)
    wtop = jnp.right_shift(wbits + jnp.uint32(1 << 16), jnp.uint32(17))
    packed = jnp.left_shift(input_indices.astype(jnp.uint32), jnp.uint32(15)) | wtop
    return packed.T.reshape(K, NCH, HC).transpose(1, 0, 2)


def kernel(x, input_indices, w1, b1, w2, b2):
    H, K = input_indices.shape
    HC = 512
    NCH = H // HC
    packed_chunks = _pack_wiring(input_indices, w1, NCH, HC)
    pre = _sc_pre_act(x, packed_chunks)
    return _tc_head(pre, b1, w2, b2)

# --- scband reference (transcript-rebuilt; emitter-appended) ---
"""Pipeline reference for scband-sparse-backprop-controller-75763223102098 (READ-ONLY COPY).

The authoritative reference and input builder live on the scoring server;
editing this copy changes nothing except your own understanding.
"""

import jax, jax.numpy as jnp
import numpy as np

INPUT_SIZE = 100000
HIDDEN_SIZE = 2048
K = 16
BATCH = 1024


def setup_inputs(seed: int = 0) -> dict:
    key = jax.random.key(seed)
    k_x, k_idx, k_w1, k_w2 = jax.random.split(key, 4)
    x = jax.random.normal(k_x, (BATCH, INPUT_SIZE), dtype=jnp.float32)
    # frozen random wiring (buffer in the torch module)
    input_indices = jax.random.randint(k_idx, (HIDDEN_SIZE, K), 0, INPUT_SIZE, dtype=jnp.int32)
    w1 = jax.random.normal(k_w1, (HIDDEN_SIZE, K), dtype=jnp.float32) * np.sqrt(2.0 / K)
    b1 = jnp.zeros((HIDDEN_SIZE,), dtype=jnp.float32)
    w2 = jax.random.normal(k_w2, (1, HIDDEN_SIZE), dtype=jnp.float32) * np.sqrt(2.0 / HIDDEN_SIZE)
    b2 = jnp.zeros((1,), dtype=jnp.float32)
    return {"x": x, "input_indices": input_indices, "w1": w1, "b1": b1, "w2": w2, "b2": b2}


def reference(x, input_indices, w1, b1, w2, b2):
    # torch: selected = stack([x[:, input_indices[h]] for h in range(H)], dim=1)
    # vectorized gather: [B, H, K]
    selected = jnp.take(x, input_indices, axis=1)
    pre_act = jnp.sum(selected * w1[None, :, :], axis=2) + b1  # [B, H]
    hidden = jnp.tanh(pre_act)
    output = jnp.tanh(hidden @ w2.T + b2)  # [B, 1]
    return jnp.squeeze(output)

if __name__ == "__main__":
    import jax
    _d = setup_inputs()
    print(jax.jit(kernel)(*tuple(_d.values())))

</pallas_src>

<mosaic_0001>
#map = affine_map<(d0, d1) -> (0, 0)>
#map1 = affine_map<(d0, d1) -> (0, 0, 0)>
module attributes {stable_mosaic.version = 14 : i64} {
  func.func @sc_fn(%arg0: i32, %arg1: i32, %arg2: memref<1024x100000xf32, #tpu.memory_space<hbm>>, %arg3: memref<4x16x512xi32, #tpu.memory_space<hbm>>, %arg4: memref<1024x2048xf32, #tpu.memory_space<hbm>>, %arg5: memref<100000xf32, #tpu.memory_space<vmem>>, %arg6: memref<2x16x512xi32, #tpu.memory_space<vmem>>, %arg7: memref<2x2048xf32, #tpu.memory_space<vmem>>, %arg8: memref<4x16x512xi32, #tpu.memory_space<vmem_shared>>, %arg9: memref<!tpu.dma_semaphore, #tpu.memory_space<semaphore_mem>>, %arg10: memref<!tpu.dma_semaphore, #tpu.memory_space<semaphore_mem>>, %arg11: memref<!tpu.dma_semaphore, #tpu.memory_space<semaphore_mem>>, %arg12: memref<!tpu.dma_semaphore, #tpu.memory_space<semaphore_mem>>) attributes {dimension_semantics = [#tpu.dimension_semantics<core_parallel>, #tpu.dimension_semantics<subcore_parallel>], iteration_bounds = array<i64: 2, 16>, scalar_prefetch = 0 : i64, scratch_operands = 8 : i64, tpu.core_type = #tpu.core_type<sc_vector_subcore>, window_params = [{transform_indices = #map}, {transform_indices = #map1}, {transform_indices = #map}]} {
    %mul3A = arith.constant 2 : i32
    %mul3A_0 = arith.muli %arg1, %mul3A : i32
    %add3A = arith.addi %mul3A_0, %arg0 : i32
    %eq3A = arith.constant 0 : i32
    %eq3A_1 = arith.cmpi eq, %arg1, %eq3A : i32
    %convert_element_type3A = arith.extui %eq3A_1 : i1 to i32
    %cond3A = arith.constant 0 : i32
    %cond3A_2 = arith.cmpi ne, %convert_element_type3A, %cond3A : i32
    scf.if %cond3A_2 {
      "tpu.region"() ({
        %run_scoped3A = tpu.sem_alloc : memref<!tpu.dma_semaphore, #tpu.memory_space<semaphore_mem>>
        tpu.enqueue_dma source(%arg3 : memref<4x16x512xi32, #tpu.memory_space<hbm>>) target(%arg8 : memref<4x16x512xi32, #tpu.memory_space<vmem_shared>>) target_semaphore(%run_scoped3A : memref<!tpu.dma_semaphore, #tpu.memory_space<semaphore_mem>>)
        tpu.wait_dma2 semaphore(%run_scoped3A : memref<!tpu.dma_semaphore, #tpu.memory_space<semaphore_mem>>) src(%arg3 : memref<4x16x512xi32, #tpu.memory_space<hbm>>) dst(%arg8 : memref<4x16x512xi32, #tpu.memory_space<vmem_shared>>)
        tpu.yield
      }) : () -> ()
    } else {
    }
    %barrier3A = arith.constant 0 : index
    tpu.barrier barrier_id(%barrier3A)
    %dma_start3A = arith.constant 0 : i32
    %dma_start3A_3 = arith.constant 0 : i32
    %dma_start3A_4 = arith.constant 0 : i32
    %dma_start3A_5 = arith.constant 0 : i32
    %dma_start3A_6 = tpu.memref_slice %arg6[%dma_start3A_3, %dma_start3A_4, %dma_start3A_5] : memref<2x16x512xi32, #tpu.memory_space<vmem>> -> memref<1x16x512xi32, #tpu.memory_space<vmem>>
    %dma_start3A_7 = tpu.memref_squeeze %dma_start3A_6 : memref<1x16x512xi32, #tpu.memory_space<vmem>> -> memref<16x512xi32, #tpu.memory_space<vmem>>
    %dma_start3A_8 = arith.constant 0 : i32
    %dma_start3A_9 = arith.constant 0 : i32
    %dma_start3A_10 = tpu.memref_slice %arg8[%dma_start3A, %dma_start3A_8, %dma_start3A_9] : memref<4x16x512xi32, #tpu.memory_space<vmem_shared>> -> memref<1x16x512xi32, #tpu.memory_space<vmem_shared>>
    %dma_start3A_11 = tpu.memref_squeeze %dma_start3A_10 : memref<1x16x512xi32, #tpu.memory_space<vmem_shared>> -> memref<16x512xi32, #tpu.memory_space<vmem_shared>>
    %dma_start3A_12 = arith.constant 0 : i32
    %dma_start3A_13 = arith.constant 0 : i32
    %dma_start3A_14 = tpu.memref_slice %arg6[%dma_start3A_3, %dma_start3A_12, %dma_start3A_13] : memref<2x16x512xi32, #tpu.memory_space<vmem>> -> memref<1x16x512xi32, #tpu.memory_space<vmem>>
    %dma_start3A_15 = tpu.memref_squeeze %dma_start3A_14 : memref<1x16x512xi32, #tpu.memory_space<vmem>> -> memref<16x512xi32, #tpu.memory_space<vmem>>
    %dma_start3A_16 = arith.constant 0 : i32
    %dma_start3A_17 = arith.constant 0 : i32
    %dma_start3A_18 = tpu.memref_slice %arg8[%dma_start3A, %dma_start3A_16, %dma_start3A_17] : memref<4x16x512xi32, #tpu.memory_space<vmem_shared>> -> memref<1x16x512xi32, #tpu.memory_space<vmem_shared>>
    %dma_start3A_19 = tpu.memref_squeeze %dma_start3A_18 : memref<1x16x512xi32, #tpu.memory_space<vmem_shared>> -> memref<16x512xi32, #tpu.memory_space<vmem_shared>>
    tpu.enqueue_dma source(%dma_start3A_19 : memref<16x512xi32, #tpu.memory_space<vmem_shared>>) target(%dma_start3A_15 : memref<16x512xi32, #tpu.memory_space<vmem>>) target_semaphore(%arg9 : memref<!tpu.dma_semaphore, #tpu.memory_space<semaphore_mem>>)
    %dma_start3A_20 = arith.constant 1 : i32
    %dma_start3A_21 = arith.constant 1 : i32
    %dma_start3A_22 = arith.constant 0 : i32
    %dma_start3A_23 = arith.constant 0 : i32
    %dma_start3A_24 = tpu.memref_slice %arg6[%dma_start3A_21, %dma_start3A_22, %dma_start3A_23] : memref<2x16x512xi32, #tpu.memory_space<vmem>> -> memref<1x16x512xi32, #tpu.memory_space<vmem>>
    %dma_start3A_25 = tpu.memref_squeeze %dma_start3A_24 : memref<1x16x512xi32, #tpu.memory_space<vmem>> -> memref<16x512xi32, #tpu.memory_space<vmem>>
    %dma_start3A_26 = arith.constant 0 : i32
    %dma_start3A_27 = arith.constant 0 : i32
    %dma_start3A_28 = tpu.memref_slice %arg8[%dma_start3A_20, %dma_start3A_26, %dma_start3A_27] : memref<4x16x512xi32, #tpu.memory_space<vmem_shared>> -> memref<1x16x512xi32, #tpu.memory_space<vmem_shared>>
    %dma_start3A_29 = tpu.memref_squeeze %dma_start3A_28 : memref<1x16x512xi32, #tpu.memory_space<vmem_shared>> -> memref<16x512xi32, #tpu.memory_space<vmem_shared>>
    %dma_start3A_30 = arith.constant 0 : i32
    %dma_start3A_31 = arith.constant 0 : i32
    %dma_start3A_32 = tpu.memref_slice %arg6[%dma_start3A_21, %dma_start3A_30, %dma_start3A_31] : memref<2x16x512xi32, #tpu.memory_space<vmem>> -> memref<1x16x512xi32, #tpu.memory_space<vmem>>
    %dma_start3A_33 = tpu.memref_squeeze %dma_start3A_32 : memref<1x16x512xi32, #tpu.memory_space<vmem>> -> memref<16x512xi32, #tpu.memory_space<vmem>>
    %dma_start3A_34 = arith.constant 0 : i32
    %dma_start3A_35 = arith.constant 0 : i32
    %dma_start3A_36 = tpu.memref_slice %arg8[%dma_start3A_20, %dma_start3A_34, %dma_start3A_35] : memref<4x16x512xi32, #tpu.memory_space<vmem_shared>> -> memref<1x16x512xi32, #tpu.memory_space<vmem_shared>>
    %dma_start3A_37 = tpu.memref_squeeze %dma_start3A_36 : memref<1x16x512xi32, #tpu.memory_space<vmem_shared>> -> memref<16x512xi32, #tpu.memory_space<vmem_shared>>
    tpu.enqueue_dma source(%dma_start3A_37 : memref<16x512xi32, #tpu.memory_space<vmem_shared>>) target(%dma_start3A_33 : memref<16x512xi32, #tpu.memory_space<vmem>>) target_semaphore(%arg10 : memref<!tpu.dma_semaphore, #tpu.memory_space<semaphore_mem>>)
    %scan3A = arith.constant 0 : i32
    %scan3A_38 = arith.constant 0 : i32
    %scan3A_39 = arith.constant 16 : i32
    %scan3A_40 = arith.addi %scan3A_38, %scan3A_39 : i32
    %scan3A_41 = arith.constant 1 : i32
    scf.for %scan3A_106 = %scan3A_38 to %scan3A_40 step %scan3A_41  : i32 {
      %mul3A_107 = arith.constant 2 : i32
      %mul3A_108 = arith.muli %scan3A_106, %mul3A_107 : i32
      %mul3A_109 = arith.constant 32 : i32
      %mul3A_110 = arith.muli %add3A, %mul3A_109 : i32
      %add3A_111 = arith.addi %mul3A_110, %mul3A_108 : i32
      "tpu.region"() ({
        %run_scoped3A = tpu.sem_alloc : memref<!tpu.dma_semaphore, #tpu.memory_space<semaphore_mem>>
        %dma_start3A_166 = arith.constant 0 : i32
        %dma_start3A_167 = tpu.memref_slice %arg2[%add3A_111, %dma_start3A_166] : memref<1024x100000xf32, #tpu.memory_space<hbm>> -> memref<1x100000xf32, #tpu.memory_space<hbm>>
        %dma_start3A_168 = tpu.memref_squeeze %dma_start3A_167 : memref<1x100000xf32, #tpu.memory_space<hbm>> -> memref<100000xf32, #tpu.memory_space<hbm>>
        %dma_start3A_169 = arith.constant 0 : i32
        %dma_start3A_170 = tpu.memref_slice %arg2[%add3A_111, %dma_start3A_169] : memref<1024x100000xf32, #tpu.memory_space<hbm>> -> memref<1x100000xf32, #tpu.memory_space<hbm>>
        %dma_start3A_171 = tpu.memref_squeeze %dma_start3A_170 : memref<1x100000xf32, #tpu.memory_space<hbm>> -> memref<100000xf32, #tpu.memory_space<hbm>>
        tpu.enqueue_dma source(%dma_start3A_171 : memref<100000xf32, #tpu.memory_space<hbm>>) target(%arg5 : memref<100000xf32, #tpu.memory_space<vmem>>) target_semaphore(%run_scoped3A : memref<!tpu.dma_semaphore, #tpu.memory_space<semaphore_mem>>)
        %dma_wait3A_172 = arith.constant 0 : i32
        %dma_wait3A_173 = tpu.memref_slice %arg2[%add3A_111, %dma_wait3A_172] : memref<1024x100000xf32, #tpu.memory_space<hbm>> -> memref<1x100000xf32, #tpu.memory_space<hbm>>
        %dma_wait3A_174 = tpu.memref_squeeze %dma_wait3A_173 : memref<1x100000xf32, #tpu.memory_space<hbm>> -> memref<100000xf32, #tpu.memory_space<hbm>>
        %dma_wait3A_175 = arith.constant 0 : i32
        %dma_wait3A_176 = tpu.memref_slice %arg2[%add3A_111, %dma_wait3A_175] : memref<1024x100000xf32, #tpu.memory_space<hbm>> -> memref<1x100000xf32, #tpu.memory_space<hbm>>
        %dma_wait3A_177 = tpu.memref_squeeze %dma_wait3A_176 : memref<1x100000xf32, #tpu.memory_space<hbm>> -> memref<100000xf32, #tpu.memory_space<hbm>>
        tpu.wait_dma2 semaphore(%run_scoped3A : memref<!tpu.dma_semaphore, #tpu.memory_space<semaphore_mem>>) src(%dma_wait3A_177 : memref<100000xf32, #tpu.memory_space<hbm>>) dst(%arg5 : memref<100000xf32, #tpu.memory_space<vmem>>)
        tpu.yield
      }) : () -> ()
      %ge3A = arith.constant 2 : i32
      %ge3A_112 = arith.cmpi sge, %mul3A_108, %ge3A : i32
      %convert_element_type3A_113 = arith.extui %ge3A_112 : i1 to i32
      %cond3A_114 = arith.constant 0 : i32
      %cond3A_115 = arith.cmpi ne, %convert_element_type3A_113, %cond3A_114 : i32
      scf.if %cond3A_115 {
        %dma_wait3A_166 = arith.constant 0 : i32
        %dma_wait3A_167 = arith.constant 0 : i32
        %dma_wait3A_168 = tpu.memref_slice %arg7[%dma_wait3A_166, %dma_wait3A_167] : memref<2x2048xf32, #tpu.memory_space<vmem>> -> memref<1x2048xf32, #tpu.memory_space<vmem>>
        %dma_wait3A_169 = tpu.memref_squeeze %dma_wait3A_168 : memref<1x2048xf32, #tpu.memory_space<vmem>> -> memref<2048xf32, #tpu.memory_space<vmem>>
        %dma_wait3A_170 = arith.constant 0 : i32
        %dma_wait3A_171 = tpu.memref_slice %arg4[%add3A_111, %dma_wait3A_170] : memref<1024x2048xf32, #tpu.memory_space<hbm>> -> memref<1x2048xf32, #tpu.memory_space<hbm>>
        %dma_wait3A_172 = tpu.memref_squeeze %dma_wait3A_171 : memref<1x2048xf32, #tpu.memory_space<hbm>> -> memref<2048xf32, #tpu.memory_space<hbm>>
        %dma_wait3A_173 = arith.constant 0 : i32
        %dma_wait3A_174 = tpu.memref_slice %arg4[%add3A_111, %dma_wait3A_173] : memref<1024x2048xf32, #tpu.memory_space<hbm>> -> memref<1x2048xf32, #tpu.memory_space<hbm>>
        %dma_wait3A_175 = tpu.memref_squeeze %dma_wait3A_174 : memref<1x2048xf32, #tpu.memory_space<hbm>> -> memref<2048xf32, #tpu.memory_space<hbm>>
        %dma_wait3A_176 = arith.constant 0 : i32
        %dma_wait3A_177 = tpu.memref_slice %arg7[%dma_wait3A_166, %dma_wait3A_176] : memref<2x2048xf32, #tpu.memory_space<vmem>> -> memref<1x2048xf32, #tpu.memory_space<vmem>>
        %dma_wait3A_178 = tpu.memref_squeeze %dma_wait3A_177 : memref<1x2048xf32, #tpu.memory_space<vmem>> -> memref<2048xf32, #tpu.memory_space<vmem>>
        tpu.wait_dma2 semaphore(%arg11 : memref<!tpu.dma_semaphore, #tpu.memory_space<semaphore_mem>>) src(%dma_wait3A_178 : memref<2048xf32, #tpu.memory_space<vmem>>) dst(%dma_wait3A_175 : memref<2048xf32, #tpu.memory_space<hbm>>)
      } else {
      }
      %scan3A_116 = arith.constant 0 : i32
      %scan3A_117 = arith.constant 0 : i32
      %scan3A_118 = arith.constant 2 : i32
      %scan3A_119 = arith.addi %scan3A_117, %scan3A_118 : i32
      %scan3A_120 = arith.constant 1 : i32
      scf.for %scan3A_166 = %scan3A_117 to %scan3A_119 step %scan3A_120  : i32 {
        %mul3A_167 = arith.constant 2 : i32
        %mul3A_168 = arith.muli %scan3A_166, %mul3A_167 : i32
        %dma_wait3A_169 = arith.constant 0 : i32
        %dma_wait3A_170 = arith.constant 0 : i32
        %dma_wait3A_171 = arith.constant 0 : i32
        %dma_wait3A_172 = arith.constant 0 : i32
        %dma_wait3A_173 = tpu.memref_slice %arg6[%dma_wait3A_170, %dma_wait3A_171, %dma_wait3A_172] : memref<2x16x512xi32, #tpu.memory_space<vmem>> -> memref<1x16x512xi32, #tpu.memory_space<vmem>>
        %dma_wait3A_174 = tpu.memref_squeeze %dma_wait3A_173 : memref<1x16x512xi32, #tpu.memory_space<vmem>> -> memref<16x512xi32, #tpu.memory_space<vmem>>
        %dma_wait3A_175 = arith.constant 0 : i32
        %dma_wait3A_176 = arith.constant 0 : i32
        %dma_wait3A_177 = tpu.memref_slice %arg8[%dma_wait3A_169, %dma_wait3A_175, %dma_wait3A_176] : memref<4x16x512xi32, #tpu.memory_space<vmem_shared>> -> memref<1x16x512xi32, #tpu.memory_space<vmem_shared>>
        %dma_wait3A_178 = tpu.memref_squeeze %dma_wait3A_177 : memref<1x16x512xi32, #tpu.memory_space<vmem_shared>> -> memref<16x512xi32, #tpu.memory_space<vmem_shared>>
        %dma_wait3A_179 = arith.constant 0 : i32
        %dma_wait3A_180 = arith.constant 0 : i32
        %dma_wait3A_181 = tpu.memref_slice %arg6[%dma_wait3A_170, %dma_wait3A_179, %dma_wait3A_180] : memref<2x16x512xi32, #tpu.memory_space<vmem>> -> memref<1x16x512xi32, #tpu.memory_space<vmem>>
        %dma_wait3A_182 = tpu.memref_squeeze %dma_wait3A_181 : memref<1x16x512xi32, #tpu.memory_space<vmem>> -> memref<16x512xi32, #tpu.memory_space<vmem>>
        %dma_wait3A_183 = arith.constant 0 : i32
        %dma_wait3A_184 = arith.constant 0 : i32
        %dma_wait3A_185 = tpu.memref_slice %arg8[%dma_wait3A_169, %dma_wait3A_183, %dma_wait3A_184] : memref<4x16x512xi32, #tpu.memory_space<vmem_shared>> -> memref<1x16x512xi32, #tpu.memory_space<vmem_shared>>
        %dma_wait3A_186 = tpu.memref_squeeze %dma_wait3A_185 : memref<1x16x512xi32, #tpu.memory_space<vmem_shared>> -> memref<16x512xi32, #tpu.memory_space<vmem_shared>>
        tpu.wait_dma2 semaphore(%arg9 : memref<!tpu.dma_semaphore, #tpu.memory_space<semaphore_mem>>) src(%dma_wait3A_186 : memref<16x512xi32, #tpu.memory_space<vmem_shared>>) dst(%dma_wait3A_182 : memref<16x512xi32, #tpu.memory_space<vmem>>)
        %parallel_loop3A = arith.constant 0 : i32
        %parallel_loop3A_187 = arith.constant 32 : i32
        %parallel_loop3A_188 = arith.constant 1 : i32
        scf.for %parallel_loop3A_276 = %parallel_loop3A to %parallel_loop3A_187 step %parallel_loop3A_188  : i32 {
          %parallel_loop3A_277 = arith.constant 0.000000e+00 : f32
          %parallel_loop3A_278 = vector.broadcast %parallel_loop3A_277 : f32 to vector<16xf32>
          %parallel_loop3A_279 = arith.constant 0.000000e+00 : f32
          %parallel_loop3A_280 = vector.broadcast %parallel_loop3A_279 : f32 to vector<16xf32>
          %parallel_loop3A_281 = arith.constant 0.000000e+00 : f32
          %parallel_loop3A_282 = vector.broadcast %parallel_loop3A_281 : f32 to vector<16xf32>
          %parallel_loop3A_283 = arith.constant 0.000000e+00 : f32
          %parallel_loop3A_284 = vector.broadcast %parallel_loop3A_283 : f32 to vector<16xf32>
          %parallel_loop3A_285 = arith.constant 16 : i32
          %parallel_loop3A_286 = arith.muli %parallel_loop3A_276, %parallel_loop3A_285 : i32
          %parallel_loop3A_287 = arith.constant 0 : i32
          %parallel_loop3A_288 = arith.constant 0 : i32
          %parallel_loop3A_289 = arith.index_cast %parallel_loop3A_287 : i32 to index
          %parallel_loop3A_290 = arith.index_cast %parallel_loop3A_288 : i32 to index
          %parallel_loop3A_291 = arith.index_cast %parallel_loop3A_286 : i32 to index
          %parallel_loop3A_292 = tpu.vector_load %arg6[%parallel_loop3A_289, %parallel_loop3A_290, %parallel_loop3A_291] {strides = array<i32>} : memref<2x16x512xi32, #tpu.memory_space<vmem>>, vector<16xi32>,
          %parallel_loop3A_293 = arith.constant 16 : i32
          %parallel_loop3A_294 = arith.muli %parallel_loop3A_276, %parallel_loop3A_293 : i32
          %parallel_loop3A_295 = arith.constant 0 : i32
          %parallel_loop3A_296 = arith.constant 1 : i32
          %parallel_loop3A_297 = arith.index_cast %parallel_loop3A_295 : i32 to index
          %parallel_loop3A_298 = arith.index_cast %parallel_loop3A_296 : i32 to index
          %parallel_loop3A_299 = arith.index_cast %parallel_loop3A_294 : i32 to index
          %parallel_loop3A_300 = tpu.vector_load %arg6[%parallel_loop3A_297, %parallel_loop3A_298, %parallel_loop3A_299] {strides = array<i32>} : memref<2x16x512xi32, #tpu.memory_space<vmem>>, vector<16xi32>,
          %parallel_loop3A_301 = arith.constant 16 : i32
          %parallel_loop3A_302 = arith.muli %parallel_loop3A_276, %parallel_loop3A_301 : i32
          %parallel_loop3A_303 = arith.constant 0 : i32
          %parallel_loop3A_304 = arith.constant 2 : i32
          %parallel_loop3A_305 = arith.index_cast %parallel_loop3A_303 : i32 to index
          %parallel_loop3A_306 = arith.index_cast %parallel_loop3A_304 : i32 to index
          %parallel_loop3A_307 = arith.index_cast %parallel_loop3A_302 : i32 to index
          %parallel_loop3A_308 = tpu.vector_load %arg6[%parallel_loop3A_305, %parallel_loop3A_306, %parallel_loop3A_307] {strides = array<i32>} : memref<2x16x512xi32, #tpu.memory_space<vmem>>, vector<16xi32>,
          %parallel_loop3A_309 = arith.constant 16 : i32
          %parallel_loop3A_310 = arith.muli %parallel_loop3A_276, %parallel_loop3A_309 : i32
          %parallel_loop3A_311 = arith.constant 0 : i32
          %parallel_loop3A_312 = arith.constant 3 : i32
          %parallel_loop3A_313 = arith.index_cast %parallel_loop3A_311 : i32 to index
          %parallel_loop3A_314 = arith.index_cast %parallel_loop3A_312 : i32 to index
          %parallel_loop3A_315 = arith.index_cast %parallel_loop3A_310 : i32 to index
          %parallel_loop3A_316 = tpu.vector_load %arg6[%parallel_loop3A_313, %parallel_loop3A_314, %parallel_loop3A_315] {strides = array<i32>} : memref<2x16x512xi32, #tpu.memory_space<vmem>>, vector<16xi32>,
          %parallel_loop3A_317 = arith.constant 16 : i32
          %parallel_loop3A_318 = arith.muli %parallel_loop3A_276, %parallel_loop3A_317 : i32
          %parallel_loop3A_319 = arith.constant 0 : i32
          %parallel_loop3A_320 = arith.constant 4 : i32
          %parallel_loop3A_321 = arith.index_cast %parallel_loop3A_319 : i32 to index
          %parallel_loop3A_322 = arith.index_cast %parallel_loop3A_320 : i32 to index
          %parallel_loop3A_323 = arith.index_cast %parallel_loop3A_318 : i32 to index
          %parallel_loop3A_324 = tpu.vector_load %arg6[%parallel_loop3A_321, %parallel_loop3A_322, %parallel_loop3A_323] {strides = array<i32>} : memref<2x16x512xi32, #tpu.memory_space<vmem>>, vector<16xi32>,
          %parallel_loop3A_325 = arith.constant 16 : i32
          %parallel_loop3A_326 = arith.muli %parallel_loop3A_276, %parallel_loop3A_325 : i32
          %parallel_loop3A_327 = arith.constant 0 : i32
          %parallel_loop3A_328 = arith.constant 5 : i32
          %parallel_loop3A_329 = arith.index_cast %parallel_loop3A_327 : i32 to index
          %parallel_loop3A_330 = arith.index_cast %parallel_loop3A_328 : i32 to index
          %parallel_loop3A_331 = arith.index_cast %parallel_loop3A_326 : i32 to index
          %parallel_loop3A_332 = tpu.vector_load %arg6[%parallel_loop3A_329, %parallel_loop3A_330, %parallel_loop3A_331] {strides = array<i32>} : memref<2x16x512xi32, #tpu.memory_space<vmem>>, vector<16xi32>,
          %parallel_loop3A_333 = arith.constant 16 : i32
          %parallel_loop3A_334 = arith.muli %parallel_loop3A_276, %parallel_loop3A_333 : i32
          %parallel_loop3A_335 = arith.constant 0 : i32
          %parallel_loop3A_336 = arith.constant 6 : i32
          %parallel_loop3A_337 = arith.index_cast %parallel_loop3A_335 : i32 to index
          %parallel_loop3A_338 = arith.index_cast %parallel_loop3A_336 : i32 to index
          %parallel_loop3A_339 = arith.index_cast %parallel_loop3A_334 : i32 to index
          %parallel_loop3A_340 = tpu.vector_load %arg6[%parallel_loop3A_337, %parallel_loop3A_338, %parallel_loop3A_339] {strides = array<i32>} : memref<2x16x512xi32, #tpu.memory_space<vmem>>, vector<16xi32>,
          %parallel_loop3A_341 = arith.constant 16 : i32
          %parallel_loop3A_342 = arith.muli %parallel_loop3A_276, %parallel_loop3A_341 : i32
          %parallel_loop3A_343 = arith.constant 0 : i32
          %parallel_loop3A_344 = arith.constant 7 : i32
          %parallel_loop3A_345 = arith.index_cast %parallel_loop3A_343 : i32 to index
          %parallel_loop3A_346 = arith.index_cast %parallel_loop3A_344 : i32 to index
          %parallel_loop3A_347 = arith.index_cast %parallel_loop3A_342 : i32 to index
          %parallel_loop3A_348 = tpu.vector_load %arg6[%parallel_loop3A_345, %parallel_loop3A_346, %parallel_loop3A_347] {strides = array<i32>} : memref<2x16x512xi32, #tpu.memory_space<vmem>>, vector<16xi32>,
          %parallel_loop3A_349 = arith.constant 15 : i32
          %parallel_loop3A_350 = vector.broadcast %parallel_loop3A_349 : i32 to vector<16xi32>
          %parallel_loop3A_351 = arith.shrui %parallel_loop3A_292, %parallel_loop3A_350 : vector<16xi32>
          %parallel_loop3A_352 = vector.bitcast %parallel_loop3A_351 : vector<16xi32> to vector<16xi32>
          %parallel_loop3A_353 = arith.constant 15 : i32
          %parallel_loop3A_354 = vector.broadcast %parallel_loop3A_353 : i32 to vector<16xi32>
          %parallel_loop3A_355 = arith.shrui %parallel_loop3A_300, %parallel_loop3A_354 : vector<16xi32>
          %parallel_loop3A_356 = vector.bitcast %parallel_loop3A_355 : vector<16xi32> to vector<16xi32>
          %parallel_loop3A_357 = arith.constant 15 : i32
          %parallel_loop3A_358 = vector.broadcast %parallel_loop3A_357 : i32 to vector<16xi32>
          %parallel_loop3A_359 = arith.shrui %parallel_loop3A_308, %parallel_loop3A_358 : vector<16xi32>
          %parallel_loop3A_360 = vector.bitcast %parallel_loop3A_359 : vector<16xi32> to vector<16xi32>
          %parallel_loop3A_361 = arith.constant 15 : i32
          %parallel_loop3A_362 = vector.broadcast %parallel_loop3A_361 : i32 to vector<16xi32>
          %parallel_loop3A_363 = arith.shrui %parallel_loop3A_316, %parallel_loop3A_362 : vector<16xi32>
          %parallel_loop3A_364 = vector.bitcast %parallel_loop3A_363 : vector<16xi32> to vector<16xi32>
          %parallel_loop3A_365 = arith.constant 15 : i32
          %parallel_loop3A_366 = vector.broadcast %parallel_loop3A_365 : i32 to vector<16xi32>
          %parallel_loop3A_367 = arith.shrui %parallel_loop3A_324, %parallel_loop3A_366 : vector<16xi32>
          %parallel_loop3A_368 = vector.bitcast %parallel_loop3A_367 : vector<16xi32> to vector<16xi32>
          %parallel_loop3A_369 = arith.constant 15 : i32
          %parallel_loop3A_370 = vector.broadcast %parallel_loop3A_369 : i32 to vector<16xi32>
          %parallel_loop3A_371 = arith.shrui %parallel_loop3A_332, %parallel_loop3A_370 : vector<16xi32>
          %parallel_loop3A_372 = vector.bitcast %parallel_loop3A_371 : vector<16xi32> to vector<16xi32>
          %parallel_loop3A_373 = arith.constant 15 : i32
          %parallel_loop3A_374 = vector.broadcast %parallel_loop3A_373 : i32 to vector<16xi32>
          %parallel_loop3A_375 = arith.shrui %parallel_loop3A_340, %parallel_loop3A_374 : vector<16xi32>
          %parallel_loop3A_376 = vector.bitcast %parallel_loop3A_375 : vector<16xi32> to vector<16xi32>
          %parallel_loop3A_377 = arith.constant 15 : i32
          %parallel_loop3A_378 = vector.broadcast %parallel_loop3A_377 : i32 to vector<16xi32>
          %parallel_loop3A_379 = arith.shrui %parallel_loop3A_348, %parallel_loop3A_378 : vector<16xi32>
          %parallel_loop3A_380 = vector.bitcast %parallel_loop3A_379 : vector<16xi32> to vector<16xi32>
          %parallel_loop3A_381 = arith.constant 17 : i32
          %parallel_loop3A_382 = vector.broadcast %parallel_loop3A_381 : i32 to vector<16xi32>
          %parallel_loop3A_383 = arith.shli %parallel_loop3A_292, %parallel_loop3A_382 : vector<16xi32>
          %parallel_loop3A_384 = vector.bitcast %parallel_loop3A_383 : vector<16xi32> to vector<16xf32>
          %parallel_loop3A_385 = arith.constant 17 : i32
          %parallel_loop3A_386 = vector.broadcast %parallel_loop3A_385 : i32 to vector<16xi32>
          %parallel_loop3A_387 = arith.shli %parallel_loop3A_300, %parallel_loop3A_386 : vector<16xi32>
          %parallel_loop3A_388 = vector.bitcast %parallel_loop3A_387 : vector<16xi32> to vector<16xf32>
          %parallel_loop3A_389 = arith.constant 17 : i32
          %parallel_loop3A_390 = vector.broadcast %parallel_loop3A_389 : i32 to vector<16xi32>
          %parallel_loop3A_391 = arith.shli %parallel_loop3A_308, %parallel_loop3A_390 : vector<16xi32>
          %parallel_loop3A_392 = vector.bitcast %parallel_loop3A_391 : vector<16xi32> to vector<16xf32>
          %parallel_loop3A_393 = arith.constant 17 : i32
          %parallel_loop3A_394 = vector.broadcast %parallel_loop3A_393 : i32 to vector<16xi32>
          %parallel_loop3A_395 = arith.shli %parallel_loop3A_316, %parallel_loop3A_394 : vector<16xi32>
          %parallel_loop3A_396 = vector.bitcast %parallel_loop3A_395 : vector<16xi32> to vector<16xf32>
          %parallel_loop3A_397 = arith.constant 17 : i32
          %parallel_loop3A_398 = vector.broadcast %parallel_loop3A_397 : i32 to vector<16xi32>
          %parallel_loop3A_399 = arith.shli %parallel_loop3A_324, %parallel_loop3A_398 : vector<16xi32>
          %parallel_loop3A_400 = vector.bitcast %parallel_loop3A_399 : vector<16xi32> to vector<16xf32>
          %parallel_loop3A_401 = arith.constant 17 : i32
          %parallel_loop3A_402 = vector.broadcast %parallel_loop3A_401 : i32 to vector<16xi32>
          %parallel_loop3A_403 = arith.shli %parallel_loop3A_332, %parallel_loop3A_402 : vector<16xi32>
          %parallel_loop3A_404 = vector.bitcast %parallel_loop3A_403 : vector<16xi32> to vector<16xf32>
          %parallel_loop3A_405 = arith.constant 17 : i32
          %parallel_loop3A_406 = vector.broadcast %parallel_loop3A_405 : i32 to vector<16xi32>
          %parallel_loop3A_407 = arith.shli %parallel_loop3A_340, %parallel_loop3A_406 : vector<16xi32>
          %parallel_loop3A_408 = vector.bitcast %parallel_loop3A_407 : vector<16xi32> to vector<16xf32>
          %parallel_loop3A_409 = arith.constant 17 : i32
          %parallel_loop3A_410 = vector.broadcast %parallel_loop3A_409 : i32 to vector<16xi32>
          %parallel_loop3A_411 = arith.shli %parallel_loop3A_348, %parallel_loop3A_410 : vector<16xi32>
          %parallel_loop3A_412 = vector.bitcast %parallel_loop3A_411 : vector<16xi32> to vector<16xf32>
          %parallel_loop3A_413 = tpu.vector_load_idx %arg5[%parallel_loop3A_352] : memref<100000xf32, #tpu.memory_space<vmem>>[vector<16xi32>], vector<16xf32>,
          %parallel_loop3A_414 = tpu.vector_load_idx %arg5[%parallel_loop3A_356] : memref<100000xf32, #tpu.memory_space<vmem>>[vector<16xi32>], vector<16xf32>,
          %parallel_loop3A_415 = tpu.vector_load_idx %arg5[%parallel_loop3A_360] : memref<100000xf32, #tpu.memory_space<vmem>>[vector<16xi32>], vector<16xf32>,
          %parallel_loop3A_416 = tpu.vector_load_idx %arg5[%parallel_loop3A_364] : memref<100000xf32, #tpu.memory_space<vmem>>[vector<16xi32>], vector<16xf32>,
          %parallel_loop3A_417 = tpu.vector_load_idx %arg5[%parallel_loop3A_368] : memref<100000xf32, #tpu.memory_space<vmem>>[vector<16xi32>], vector<16xf32>,
          %parallel_loop3A_418 = tpu.vector_load_idx %arg5[%parallel_loop3A_372] : memref<100000xf32, #tpu.memory_space<vmem>>[vector<16xi32>], vector<16xf32>,
          %parallel_loop3A_419 = tpu.vector_load_idx %arg5[%parallel_loop3A_376] : memref<100000xf32, #tpu.memory_space<vmem>>[vector<16xi32>], vector<16xf32>,
          %parallel_loop3A_420 = tpu.vector_load_idx %arg5[%parallel_loop3A_380] : memref<100000xf32, #tpu.memory_space<vmem>>[vector<16xi32>], vector<16xf32>,
          %parallel_loop3A_421 = arith.mulf %parallel_loop3A_413, %parallel_loop3A_384 : vector<16xf32>
          %parallel_loop3A_422 = arith.addf %parallel_loop3A_278, %parallel_loop3A_421 : vector<16xf32>
          %parallel_loop3A_423 = arith.mulf %parallel_loop3A_414, %parallel_loop3A_388 : vector<16xf32>
          %parallel_loop3A_424 = arith.addf %parallel_loop3A_280, %parallel_loop3A_423 : vector<16xf32>
          %parallel_loop3A_425 = arith.mulf %parallel_loop3A_415, %parallel_loop3A_392 : vector<16xf32>
          %parallel_loop3A_426 = arith.addf %parallel_loop3A_282, %parallel_loop3A_425 : vector<16xf32>
          %parallel_loop3A_427 = arith.mulf %parallel_loop3A_416, %parallel_loop3A_396 : vector<16xf32>
          %parallel_loop3A_428 = arith.addf %parallel_loop3A_284, %parallel_loop3A_427 : vector<16xf32>
          %parallel_loop3A_429 = arith.mulf %parallel_loop3A_417, %parallel_loop3A_400 : vector<16xf32>
          %parallel_loop3A_430 = arith.addf %parallel_loop3A_422, %parallel_loop3A_429 : vector<16xf32>
          %parallel_loop3A_431 = arith.mulf %parallel_loop3A_418, %parallel_loop3A_404 : vector<16xf32>
          %parallel_loop3A_432 = arith.addf %parallel_loop3A_424, %parallel_loop3A_431 : vector<16xf32>
          %parallel_loop3A_433 = arith.mulf %parallel_loop3A_419, %parallel_loop3A_408 : vector<16xf32>
          %parallel_loop3A_434 = arith.addf %parallel_loop3A_426, %parallel_loop3A_433 : vector<16xf32>
          %parallel_loop3A_435 = arith.mulf %parallel_loop3A_420, %parallel_loop3A_412 : vector<16xf32>
          %parallel_loop3A_436 = arith.addf %parallel_loop3A_428, %parallel_loop3A_435 : vector<16xf32>
          %parallel_loop3A_437 = arith.constant 16 : i32
          %parallel_loop3A_438 = arith.muli %parallel_loop3A_276, %parallel_loop3A_437 : i32
          %parallel_loop3A_439 = arith.constant 0 : i32
          %parallel_loop3A_440 = arith.constant 8 : i32
          %parallel_loop3A_441 = arith.index_cast %parallel_loop3A_439 : i32 to index
          %parallel_loop3A_442 = arith.index_cast %parallel_loop3A_440 : i32 to index
          %parallel_loop3A_443 = arith.index_cast %parallel_loop3A_438 : i32 to index
          %parallel_loop3A_444 = tpu.vector_load %arg6[%parallel_loop3A_441, %parallel_loop3A_442, %parallel_loop3A_443] {strides = array<i32>} : memref<2x16x512xi32, #tpu.memory_space<vmem>>, vector<16xi32>,
          %parallel_loop3A_445 = arith.constant 16 : i32
          %parallel_loop3A_446 = arith.muli %parallel_loop3A_276, %parallel_loop3A_445 : i32
          %parallel_loop3A_447 = arith.constant 0 : i32
          %parallel_loop3A_448 = arith.constant 9 : i32
          %parallel_loop3A_449 = arith.index_cast %parallel_loop3A_447 : i32 to index
          %parallel_loop3A_450 = arith.index_cast %parallel_loop3A_448 : i32 to index
          %parallel_loop3A_451 = arith.index_cast %parallel_loop3A_446 : i32 to index
          %parallel_loop3A_452 = tpu.vector_load %arg6[%parallel_loop3A_449, %parallel_loop3A_450, %parallel_loop3A_451] {strides = array<i32>} : memref<2x16x512xi32, #tpu.memory_space<vmem>>, vector<16xi32>,
          %parallel_loop3A_453 = arith.constant 16 : i32
          %parallel_loop3A_454 = arith.muli %parallel_loop3A_276, %parallel_loop3A_453 : i32
          %parallel_loop3A_455 = arith.constant 0 : i32
          %parallel_loop3A_456 = arith.constant 10 : i32
          %parallel_loop3A_457 = arith.index_cast %parallel_loop3A_455 : i32 to index
          %parallel_loop3A_458 = arith.index_cast %parallel_loop3A_456 : i32 to index
          %parallel_loop3A_459 = arith.index_cast %parallel_loop3A_454 : i32 to index
          %parallel_loop3A_460 = tpu.vector_load %arg6[%parallel_loop3A_457, %parallel_loop3A_458, %parallel_loop3A_459] {strides = array<i32>} : memref<2x16x512xi32, #tpu.memory_space<vmem>>, vector<16xi32>,
          %parallel_loop3A_461 = arith.constant 16 : i32
          %parallel_loop3A_462 = arith.muli %parallel_loop3A_276, %parallel_loop3A_461 : i32
          %parallel_loop3A_463 = arith.constant 0 : i32
          %parallel_loop3A_464 = arith.constant 11 : i32
          %parallel_loop3A_465 = arith.index_cast %parallel_loop3A_463 : i32 to index
          %parallel_loop3A_466 = arith.index_cast %parallel_loop3A_464 : i32 to index
          %parallel_loop3A_467 = arith.index_cast %parallel_loop3A_462 : i32 to index
          %parallel_loop3A_468 = tpu.vector_load %arg6[%parallel_loop3A_465, %parallel_loop3A_466, %parallel_loop3A_467] {strides = array<i32>} : memref<2x16x512xi32, #tpu.memory_space<vmem>>, vector<16xi32>,
          %parallel_loop3A_469 = arith.constant 16 : i32
          %parallel_loop3A_470 = arith.muli %parallel_loop3A_276, %parallel_loop3A_469 : i32
          %parallel_loop3A_471 = arith.constant 0 : i32
          %parallel_loop3A_472 = arith.constant 12 : i32
          %parallel_loop3A_473 = arith.index_cast %parallel_loop3A_471 : i32 to index
          %parallel_loop3A_474 = arith.index_cast %parallel_loop3A_472 : i32 to index
          %parallel_loop3A_475 = arith.index_cast %parallel_loop3A_470 : i32 to index
          %parallel_loop3A_476 = tpu.vector_load %arg6[%parallel_loop3A_473, %parallel_loop3A_474, %parallel_loop3A_475] {strides = array<i32>} : memref<2x16x512xi32, #tpu.memory_space<vmem>>, vector<16xi32>,
          %parallel_loop3A_477 = arith.constant 16 : i32
          %parallel_loop3A_478 = arith.muli %parallel_loop3A_276, %parallel_loop3A_477 : i32
          %parallel_loop3A_479 = arith.constant 0 : i32
          %parallel_loop3A_480 = arith.constant 13 : i32
          %parallel_loop3A_481 = arith.index_cast %parallel_loop3A_479 : i32 to index
          %parallel_loop3A_482 = arith.index_cast %parallel_loop3A_480 : i32 to index
          %parallel_loop3A_483 = arith.index_cast %parallel_loop3A_478 : i32 to index
          %parallel_loop3A_484 = tpu.vector_load %arg6[%parallel_loop3A_481, %parallel_loop3A_482, %parallel_loop3A_483] {strides = array<i32>} : memref<2x16x512xi32, #tpu.memory_space<vmem>>, vector<16xi32>,
          %parallel_loop3A_485 = arith.constant 16 : i32
          %parallel_loop3A_486 = arith.muli %parallel_loop3A_276, %parallel_loop3A_485 : i32
          %parallel_loop3A_487 = arith.constant 0 : i32
          %parallel_loop3A_488 = arith.constant 14 : i32
          %parallel_loop3A_489 = arith.index_cast %parallel_loop3A_487 : i32 to index
          %parallel_loop3A_490 = arith.index_cast %parallel_loop3A_488 : i32 to index
          %parallel_loop3A_491 = arith.index_cast %parallel_loop3A_486 : i32 to index
          %parallel_loop3A_492 = tpu.vector_load %arg6[%parallel_loop3A_489, %parallel_loop3A_490, %parallel_loop3A_491] {strides = array<i32>} : memref<2x16x512xi32, #tpu.memory_space<vmem>>, vector<16xi32>,
          %parallel_loop3A_493 = arith.constant 16 : i32
          %parallel_loop3A_494 = arith.muli %parallel_loop3A_276, %parallel_loop3A_493 : i32
          %parallel_loop3A_495 = arith.constant 0 : i32
          %parallel_loop3A_496 = arith.constant 15 : i32
          %parallel_loop3A_497 = arith.index_cast %parallel_loop3A_495 : i32 to index
          %parallel_loop3A_498 = arith.index_cast %parallel_loop3A_496 : i32 to index
          %parallel_loop3A_499 = arith.index_cast %parallel_loop3A_494 : i32 to index
          %parallel_loop3A_500 = tpu.vector_load %arg6[%parallel_loop3A_497, %parallel_loop3A_498, %parallel_loop3A_499] {strides = array<i32>} : memref<2x16x512xi32, #tpu.memory_space<vmem>>, vector<16xi32>,
          %parallel_loop3A_501 = arith.constant 15 : i32
          %parallel_loop3A_502 = vector.broadcast %parallel_loop3A_501 : i32 to vector<16xi32>
          %parallel_loop3A_503 = arith.shrui %parallel_loop3A_444, %parallel_loop3A_502 : vector<16xi32>
          %parallel_loop3A_504 = vector.bitcast %parallel_loop3A_503 : vector<16xi32> to vector<16xi32>
          %parallel_loop3A_505 = arith.constant 15 : i32
          %parallel_loop3A_506 = vector.broadcast %parallel_loop3A_505 : i32 to vector<16xi32>
          %parallel_loop3A_507 = arith.shrui %parallel_loop3A_452, %parallel_loop3A_506 : vector<16xi32>
          %parallel_loop3A_508 = vector.bitcast %parallel_loop3A_507 : vector<16xi32> to vector<16xi32>
          %parallel_loop3A_509 = arith.constant 15 : i32
          %parallel_loop3A_510 = vector.broadcast %parallel_loop3A_509 : i32 to vector<16xi32>
          %parallel_loop3A_511 = arith.shrui %parallel_loop3A_460, %parallel_loop3A_510 : vector<16xi32>
          %parallel_loop3A_512 = vector.bitcast %parallel_loop3A_511 : vector<16xi32> to vector<16xi32>
          %parallel_loop3A_513 = arith.constant 15 : i32
          %parallel_loop3A_514 = vector.broadcast %parallel_loop3A_513 : i32 to vector<16xi32>
          %parallel_loop3A_515 = arith.shrui %parallel_loop3A_468, %parallel_loop3A_514 : vector<16xi32>
          %parallel_loop3A_516 = vector.bitcast %parallel_loop3A_515 : vector<16xi32> to vector<16xi32>
          %parallel_loop3A_517 = arith.constant 15 : i32
          %parallel_loop3A_518 = vector.broadcast %parallel_loop3A_517 : i32 to vector<16xi32>
          %parallel_loop3A_519 = arith.shrui %parallel_loop3A_476, %parallel_loop3A_518 : vector<16xi32>
          %parallel_loop3A_520 = vector.bitcast %parallel_loop3A_519 : vector<16xi32> to vector<16xi32>
          %parallel_loop3A_521 = arith.constant 15 : i32
          %parallel_loop3A_522 = vector.broadcast %parallel_loop3A_521 : i32 to vector<16xi32>
          %parallel_loop3A_523 = arith.shrui %parallel_loop3A_484, %parallel_loop3A_522 : vector<16xi32>
          %parallel_loop3A_524 = vector.bitcast %parallel_loop3A_523 : vector<16xi32> to vector<16xi32>
          %parallel_loop3A_525 = arith.constant 15 : i32
          %parallel_loop3A_526 = vector.broadcast %parallel_loop3A_525 : i32 to vector<16xi32>
          %parallel_loop3A_527 = arith.shrui %parallel_loop3A_492, %parallel_loop3A_526 : vector<16xi32>
          %parallel_loop3A_528 = vector.bitcast %parallel_loop3A_527 : vector<16xi32> to vector<16xi32>
          %parallel_loop3A_529 = arith.constant 15 : i32
          %parallel_loop3A_530 = vector.broadcast %parallel_loop3A_529 : i32 to vector<16xi32>
          %parallel_loop3A_531 = arith.shrui %parallel_loop3A_500, %parallel_loop3A_530 : vector<16xi32>
          %parallel_loop3A_532 = vector.bitcast %parallel_loop3A_531 : vector<16xi32> to vector<16xi32>
          %parallel_loop3A_533 = arith.constant 17 : i32
          %parallel_loop3A_534 = vector.broadcast %parallel_loop3A_533 : i32 to vector<16xi32>
          %parallel_loop3A_535 = arith.shli %parallel_loop3A_444, %parallel_loop3A_534 : vector<16xi32>
          %parallel_loop3A_536 = vector.bitcast %parallel_loop3A_535 : vector<16xi32> to vector<16xf32>
          %parallel_loop3A_537 = arith.constant 17 : i32
          %parallel_loop3A_538 = vector.broadcast %parallel_loop3A_537 : i32 to vector<16xi32>
          %parallel_loop3A_539 = arith.shli %parallel_loop3A_452, %parallel_loop3A_538 : vector<16xi32>
          %parallel_loop3A_540 = vector.bitcast %parallel_loop3A_539 : vector<16xi32> to vector<16xf32>
          %parallel_loop3A_541 = arith.constant 17 : i32
          %parallel_loop3A_542 = vector.broadcast %parallel_loop3A_541 : i32 to vector<16xi32>
          %parallel_loop3A_543 = arith.shli %parallel_loop3A_460, %parallel_loop3A_542 : vector<16xi32>
          %parallel_loop3A_544 = vector.bitcast %parallel_loop3A_543 : vector<16xi32> to vector<16xf32>
          %parallel_loop3A_545 = arith.constant 17 : i32
          %parallel_loop3A_546 = vector.broadcast %parallel_loop3A_545 : i32 to vector<16xi32>
          %parallel_loop3A_547 = arith.shli %parallel_loop3A_468, %parallel_loop3A_546 : vector<16xi32>
          %parallel_loop3A_548 = vector.bitcast %parallel_loop3A_547 : vector<16xi32> to vector<16xf32>
          %parallel_loop3A_549 = arith.constant 17 : i32
          %parallel_loop3A_550 = vector.broadcast %parallel_loop3A_549 : i32 to vector<16xi32>
          %parallel_loop3A_551 = arith.shli %parallel_loop3A_476, %parallel_loop3A_550 : vector<16xi32>
          %parallel_loop3A_552 = vector.bitcast %parallel_loop3A_551 : vector<16xi32> to vector<16xf32>
          %parallel_loop3A_553 = arith.constant 17 : i32
          %parallel_loop3A_554 = vector.broadcast %parallel_loop3A_553 : i32 to vector<16xi32>
          %parallel_loop3A_555 = arith.shli %parallel_loop3A_484, %parallel_loop3A_554 : vector<16xi32>
          %parallel_loop3A_556 = vector.bitcast %parallel_loop3A_555 : vector<16xi32> to vector<16xf32>
          %parallel_loop3A_557 = arith.constant 17 : i32
          %parallel_loop3A_558 = vector.broadcast %parallel_loop3A_557 : i32 to vector<16xi32>
          %parallel_loop3A_559 = arith.shli %parallel_loop3A_492, %parallel_loop3A_558 : vector<16xi32>
          %parallel_loop3A_560 = vector.bitcast %parallel_loop3A_559 : vector<16xi32> to vector<16xf32>
          %parallel_loop3A_561 = arith.constant 17 : i32
          %parallel_loop3A_562 = vector.broadcast %parallel_loop3A_561 : i32 to vector<16xi32>
          %parallel_loop3A_563 = arith.shli %parallel_loop3A_500, %parallel_loop3A_562 : vector<16xi32>
          %parallel_loop3A_564 = vector.bitcast %parallel_loop3A_563 : vector<16xi32> to vector<16xf32>
          %parallel_loop3A_565 = tpu.vector_load_idx %arg5[%parallel_loop3A_504] : memref<100000xf32, #tpu.memory_space<vmem>>[vector<16xi32>], vector<16xf32>,
          %parallel_loop3A_566 = tpu.vector_load_idx %arg5[%parallel_loop3A_508] : memref<100000xf32, #tpu.memory_space<vmem>>[vector<16xi32>], vector<16xf32>,
          %parallel_loop3A_567 = tpu.vector_load_idx %arg5[%parallel_loop3A_512] : memref<100000xf32, #tpu.memory_space<vmem>>[vector<16xi32>], vector<16xf32>,
          %parallel_loop3A_568 = tpu.vector_load_idx %arg5[%parallel_loop3A_516] : memref<100000xf32, #tpu.memory_space<vmem>>[vector<16xi32>], vector<16xf32>,
          %parallel_loop3A_569 = tpu.vector_load_idx %arg5[%parallel_loop3A_520] : memref<100000xf32, #tpu.memory_space<vmem>>[vector<16xi32>], vector<16xf32>,
          %parallel_loop3A_570 = tpu.vector_load_idx %arg5[%parallel_loop3A_524] : memref<100000xf32, #tpu.memory_space<vmem>>[vector<16xi32>], vector<16xf32>,
          %parallel_loop3A_571 = tpu.vector_load_idx %arg5[%parallel_loop3A_528] : memref<100000xf32, #tpu.memory_space<vmem>>[vector<16xi32>], vector<16xf32>,
          %parallel_loop3A_572 = tpu.vector_load_idx %arg5[%parallel_loop3A_532] : memref<100000xf32, #tpu.memory_space<vmem>>[vector<16xi32>], vector<16xf32>,
          %parallel_loop3A_573 = arith.mulf %parallel_loop3A_565, %parallel_loop3A_536 : vector<16xf32>
          %parallel_loop3A_574 = arith.addf %parallel_loop3A_430, %parallel_loop3A_573 : vector<16xf32>
          %parallel_loop3A_575 = arith.mulf %parallel_loop3A_566, %parallel_loop3A_540 : vector<16xf32>
          %parallel_loop3A_576 = arith.addf %parallel_loop3A_432, %parallel_loop3A_575 : vector<16xf32>
          %parallel_loop3A_577 = arith.mulf %parallel_loop3A_567, %parallel_loop3A_544 : vector<16xf32>
          %parallel_loop3A_578 = arith.addf %parallel_loop3A_434, %parallel_loop3A_577 : vector<16xf32>
          %parallel_loop3A_579 = arith.mulf %parallel_loop3A_568, %parallel_loop3A_548 : vector<16xf32>
          %parallel_loop3A_580 = arith.addf %parallel_loop3A_436, %parallel_loop3A_579 : vector<16xf32>
          %parallel_loop3A_581 = arith.mulf %parallel_loop3A_569, %parallel_loop3A_552 : vector<16xf32>
          %parallel_loop3A_582 = arith.addf %parallel_loop3A_574, %parallel_loop3A_581 : vector<16xf32>
          %parallel_loop3A_583 = arith.mulf %parallel_loop3A_570, %parallel_loop3A_556 : vector<16xf32>
          %parallel_loop3A_584 = arith.addf %parallel_loop3A_576, %parallel_loop3A_583 : vector<16xf32>
          %parallel_loop3A_585 = arith.mulf %parallel_loop3A_571, %parallel_loop3A_560 : vector<16xf32>
          %parallel_loop3A_586 = arith.addf %parallel_loop3A_578, %parallel_loop3A_585 : vector<16xf32>
          %parallel_loop3A_587 = arith.mulf %parallel_loop3A_572, %parallel_loop3A_564 : vector<16xf32>
          %parallel_loop3A_588 = arith.addf %parallel_loop3A_580, %parallel_loop3A_587 : vector<16xf32>
          %parallel_loop3A_589 = arith.addf %parallel_loop3A_582, %parallel_loop3A_584 : vector<16xf32>
          %parallel_loop3A_590 = arith.addf %parallel_loop3A_586, %parallel_loop3A_588 : vector<16xf32>
          %parallel_loop3A_591 = arith.addf %parallel_loop3A_589, %parallel_loop3A_590 : vector<16xf32>
          %parallel_loop3A_592 = arith.constant 512 : i32
          %parallel_loop3A_593 = arith.muli %mul3A_168, %parallel_loop3A_592 : i32
          %parallel_loop3A_594 = arith.constant 16 : i32
          %parallel_loop3A_595 = arith.muli %parallel_loop3A_276, %parallel_loop3A_594 : i32
          %parallel_loop3A_596 = arith.addi %parallel_loop3A_593, %parallel_loop3A_595 : i32
          %parallel_loop3A_597 = arith.constant 0 : i32
          %parallel_loop3A_598 = arith.index_cast %parallel_loop3A_597 : i32 to index
          %parallel_loop3A_599 = arith.index_cast %parallel_loop3A_596 : i32 to index
          %parallel_loop3A_600 = tpu.vector_load %arg7[%parallel_loop3A_598, %parallel_loop3A_599] {strides = array<i32>} : memref<2x2048xf32, #tpu.memory_space<vmem>>, vector<16xf32>,
          tpu.vector_store %arg7[%parallel_loop3A_598, %parallel_loop3A_599], %parallel_loop3A_591 {strides = array<i32>} : memref<2x2048xf32, #tpu.memory_space<vmem>>, vector<16xf32>,
        } {sc.loop_unroll_factor = 2 : i64, sc.parallel_access}
        %add3A_189 = arith.constant 2 : i32
        %add3A_190 = arith.addi %mul3A_168, %add3A_189 : i32
        %jit3A = arith.constant 4 : i32
        %eq3A_191 = arith.constant 0 : i32
        %eq3A_192 = arith.cmpi eq, %jit3A, %eq3A_191 : i32
        %jit3A_193 = arith.constant 1 : i32
        %select_n3A = arith.select %eq3A_192, %jit3A_193, %jit3A : i32
        %rem3A = arith.remsi %add3A_190, %select_n3A : i32
        %ne3A = arith.constant 0 : i32
        %ne3A_194 = arith.cmpi ne, %rem3A, %ne3A : i32
        %lt3A = arith.constant 0 : i32
        %lt3A_195 = arith.cmpi slt, %rem3A, %lt3A : i32
        %lt3A_196 = arith.constant 0 : i32
        %lt3A_197 = arith.cmpi slt, %select_n3A, %lt3A_196 : i32
        %ne3A_198 = arith.xori %lt3A_195, %lt3A_197 : i1
        %and3A = arith.andi %ne3A_198, %ne3A_194 : i1
        %add3A_199 = arith.addi %rem3A, %select_n3A : i32
        %select_n3A_200 = arith.select %and3A, %add3A_199, %rem3A : i32
        %dma_start3A_201 = arith.constant 0 : i32
        %dma_start3A_202 = arith.constant 0 : i32
        %dma_start3A_203 = arith.constant 0 : i32
        %dma_start3A_204 = tpu.memref_slice %arg6[%dma_start3A_201, %dma_start3A_202, %dma_start3A_203] : memref<2x16x512xi32, #tpu.memory_space<vmem>> -> memref<1x16x512xi32, #tpu.memory_space<vmem>>
        %dma_start3A_205 = tpu.memref_squeeze %dma_start3A_204 : memref<1x16x512xi32, #tpu.memory_space<vmem>> -> memref<16x512xi32, #tpu.memory_space<vmem>>
        %dma_start3A_206 = arith.constant 0 : i32
        %dma_start3A_207 = arith.constant 0 : i32
        %dma_start3A_208 = tpu.memref_slice %arg8[%select_n3A_200, %dma_start3A_206, %dma_start3A_207] : memref<4x16x512xi32, #tpu.memory_space<vmem_shared>> -> memref<1x16x512xi32, #tpu.memory_space<vmem_shared>>
        %dma_start3A_209 = tpu.memref_squeeze %dma_start3A_208 : memref<1x16x512xi32, #tpu.memory_space<vmem_shared>> -> memref<16x512xi32, #tpu.memory_space<vmem_shared>>
        %dma_start3A_210 = arith.constant 0 : i32
        %dma_start3A_211 = arith.constant 0 : i32
        %dma_start3A_212 = tpu.memref_slice %arg6[%dma_start3A_201, %dma_start3A_210, %dma_start3A_211] : memref<2x16x512xi32, #tpu.memory_space<vmem>> -> memref<1x16x512xi32, #tpu.memory_space<vmem>>
        %dma_start3A_213 = tpu.memref_squeeze %dma_start3A_212 : memref<1x16x512xi32, #tpu.memory_space<vmem>> -> memref<16x512xi32, #tpu.memory_space<vmem>>
        %dma_start3A_214 = arith.constant 0 : i32
        %dma_start3A_215 = arith.constant 0 : i32
        %dma_start3A_216 = tpu.memref_slice %arg8[%select_n3A_200, %dma_start3A_214, %dma_start3A_215] : memref<4x16x512xi32, #tpu.memory_space<vmem_shared>> -> memref<1x16x512xi32, #tpu.memory_space<vmem_shared>>
        %dma_start3A_217 = tpu.memref_squeeze %dma_start3A_216 : memref<1x16x512xi32, #tpu.memory_space<vmem_shared>> -> memref<16x512xi32, #tpu.memory_space<vmem_shared>>
        tpu.enqueue_dma source(%dma_start3A_217 : memref<16x512xi32, #tpu.memory_space<vmem_shared>>) target(%dma_start3A_213 : memref<16x512xi32, #tpu.memory_space<vmem>>) target_semaphore(%arg9 : memref<!tpu.dma_semaphore, #tpu.memory_space<semaphore_mem>>)
        %add3A_218 = arith.constant 1 : i32
        %add3A_219 = arith.addi %mul3A_168, %add3A_218 : i32
        %dma_wait3A_220 = arith.constant 0 : i32
        %dma_wait3A_221 = arith.constant 1 : i32
        %dma_wait3A_222 = arith.constant 0 : i32
        %dma_wait3A_223 = arith.constant 0 : i32
        %dma_wait3A_224 = tpu.memref_slice %arg6[%dma_wait3A_221, %dma_wait3A_222, %dma_wait3A_223] : memref<2x16x512xi32, #tpu.memory_space<vmem>> -> memref<1x16x512xi32, #tpu.memory_space<vmem>>
        %dma_wait3A_225 = tpu.memref_squeeze %dma_wait3A_224 : memref<1x16x512xi32, #tpu.memory_space<vmem>> -> memref<16x512xi32, #tpu.memory_space<vmem>>
        %dma_wait3A_226 = arith.constant 0 : i32
        %dma_wait3A_227 = arith.constant 0 : i32
        %dma_wait3A_228 = tpu.memref_slice %arg8[%dma_wait3A_220, %dma_wait3A_226, %dma_wait3A_227] : memref<4x16x512xi32, #tpu.memory_space<vmem_shared>> -> memref<1x16x512xi32, #tpu.memory_space<vmem_shared>>
        %dma_wait3A_229 = tpu.memref_squeeze %dma_wait3A_228 : memref<1x16x512xi32, #tpu.memory_space<vmem_shared>> -> memref<16x512xi32, #tpu.memory_space<vmem_shared>>
        %dma_wait3A_230 = arith.constant 0 : i32
        %dma_wait3A_231 = arith.constant 0 : i32
        %dma_wait3A_232 = tpu.memref_slice %arg6[%dma_wait3A_221, %dma_wait3A_230, %dma_wait3A_231] : memref<2x16x512xi32, #tpu.memory_space<vmem>> -> memref<1x16x512xi32, #tpu.memory_space<vmem>>
        %dma_wait3A_233 = tpu.memref_squeeze %dma_wait3A_232 : memref<1x16x512xi32, #tpu.memory_space<vmem>> -> memref<16x512xi32, #tpu.memory_space<vmem>>
        %dma_wait3A_234 = arith.constant 0 : i32
        %dma_wait3A_235 = arith.constant 0 : i32
        %dma_wait3A_236 = tpu.memref_slice %arg8[%dma_wait3A_220, %dma_wait3A_234, %dma_wait3A_235] : memref<4x16x512xi32, #tpu.memory_space<vmem_shared>> -> memref<1x16x512xi32, #tpu.memory_space<vmem_shared>>
        %dma_wait3A_237 = tpu.memref_squeeze %dma_wait3A_236 : memref<1x16x512xi32, #tpu.memory_space<vmem_shared>> -> memref<16x512xi32, #tpu.memory_space<vmem_shared>>
        tpu.wait_dma2 semaphore(%arg10 : memref<!tpu.dma_semaphore, #tpu.memory_space<semaphore_mem>>) src(%dma_wait3A_237 : memref<16x512xi32, #tpu.memory_space<vmem_shared>>) dst(%dma_wait3A_233 : memref<16x512xi32, #tpu.memory_space<vmem>>)
        %parallel_loop3A_238 = arith.constant 0 : i32
        %parallel_loop3A_239 = arith.constant 32 : i32
        %parallel_loop3A_240 = arith.constant 1 : i32
        scf.for %parallel_loop3A_276 = %parallel_loop3A_238 to %parallel_loop3A_239 step %parallel_loop3A_240  : i32 {
          %parallel_loop3A_277 = arith.constant 0.000000e+00 : f32
          %parallel_loop3A_278 = vector.broadcast %parallel_loop3A_277 : f32 to vector<16xf32>
          %parallel_loop3A_279 = arith.constant 0.000000e+00 : f32
          %parallel_loop3A_280 = vector.broadcast %parallel_loop3A_279 : f32 to vector<16xf32>
          %parallel_loop3A_281 = arith.constant 0.000000e+00 : f32
          %parallel_loop3A_282 = vector.broadcast %parallel_loop3A_281 : f32 to vector<16xf32>
          %parallel_loop3A_283 = arith.constant 0.000000e+00 : f32
          %parallel_loop3A_284 = vector.broadcast %parallel_loop3A_283 : f32 to vector<16xf32>
          %parallel_loop3A_285 = arith.constant 16 : i32
          %parallel_loop3A_286 = arith.muli %parallel_loop3A_276, %parallel_loop3A_285 : i32
          %parallel_loop3A_287 = arith.constant 1 : i32
          %parallel_loop3A_288 = arith.constant 0 : i32
          %parallel_loop3A_289 = arith.index_cast %parallel_loop3A_287 : i32 to index
          %parallel_loop3A_290 = arith.index_cast %parallel_loop3A_288 : i32 to index
          %parallel_loop3A_291 = arith.index_cast %parallel_loop3A_286 : i32 to index
          %parallel_loop3A_292 = tpu.vector_load %arg6[%parallel_loop3A_289, %parallel_loop3A_290, %parallel_loop3A_291] {strides = array<i32>} : memref<2x16x512xi32, #tpu.memory_space<vmem>>, vector<16xi32>,
          %parallel_loop3A_293 = arith.constant 16 : i32
          %parallel_loop3A_294 = arith.muli %parallel_loop3A_276, %parallel_loop3A_293 : i32
          %parallel_loop3A_295 = arith.constant 1 : i32
          %parallel_loop3A_296 = arith.constant 1 : i32
          %parallel_loop3A_297 = arith.index_cast %parallel_loop3A_295 : i32 to index
          %parallel_loop3A_298 = arith.index_cast %parallel_loop3A_296 : i32 to index
          %parallel_loop3A_299 = arith.index_cast %parallel_loop3A_294 : i32 to index
          %parallel_loop3A_300 = tpu.vector_load %arg6[%parallel_loop3A_297, %parallel_loop3A_298, %parallel_loop3A_299] {strides = array<i32>} : memref<2x16x512xi32, #tpu.memory_space<vmem>>, vector<16xi32>,
          %parallel_loop3A_301 = arith.constant 16 : i32
          %parallel_loop3A_302 = arith.muli %parallel_loop3A_276, %parallel_loop3A_301 : i32
          %parallel_loop3A_303 = arith.constant 1 : i32
          %parallel_loop3A_304 = arith.constant 2 : i32
          %parallel_loop3A_305 = arith.index_cast %parallel_loop3A_303 : i32 to index
          %parallel_loop3A_306 = arith.index_cast %parallel_loop3A_304 : i32 to index
          %parallel_loop3A_307 = arith.index_cast %parallel_loop3A_302 : i32 to index
          %parallel_loop3A_308 = tpu.vector_load %arg6[%parallel_loop3A_305, %parallel_loop3A_306, %parallel_loop3A_307] {strides = array<i32>} : memref<2x16x512xi32, #tpu.memory_space<vmem>>, vector<16xi32>,
          %parallel_loop3A_309 = arith.constant 16 : i32
          %parallel_loop3A_310 = arith.muli %parallel_loop3A_276, %parallel_loop3A_309 : i32
          %parallel_loop3A_311 = arith.constant 1 : i32
          %parallel_loop3A_312 = arith.constant 3 : i32
          %parallel_loop3A_313 = arith.index_cast %parallel_loop3A_311 : i32 to index
          %parallel_loop3A_314 = arith.index_cast %parallel_loop3A_312 : i32 to index
          %parallel_loop3A_315 = arith.index_cast %parallel_loop3A_310 : i32 to index
          %parallel_loop3A_316 = tpu.vector_load %arg6[%parallel_loop3A_313, %parallel_loop3A_314, %parallel_loop3A_315] {strides = array<i32>} : memref<2x16x512xi32, #tpu.memory_space<vmem>>, vector<16xi32>,
          %parallel_loop3A_317 = arith.constant 16 : i32
          %parallel_loop3A_318 = arith.muli %parallel_loop3A_276, %parallel_loop3A_317 : i32
          %parallel_loop3A_319 = arith.constant 1 : i32
          %parallel_loop3A_320 = arith.constant 4 : i32
          %parallel_loop3A_321 = arith.index_cast %parallel_loop3A_319 : i32 to index
          %parallel_loop3A_322 = arith.index_cast %parallel_loop3A_320 : i32 to index
          %parallel_loop3A_323 = arith.index_cast %parallel_loop3A_318 : i32 to index
          %parallel_loop3A_324 = tpu.vector_load %arg6[%parallel_loop3A_321, %parallel_loop3A_322, %parallel_loop3A_323] {strides = array<i32>} : memref<2x16x512xi32, #tpu.memory_space<vmem>>, vector<16xi32>,
          %parallel_loop3A_325 = arith.constant 16 : i32
          %parallel_loop3A_326 = arith.muli %parallel_loop3A_276, %parallel_loop3A_325 : i32
          %parallel_loop3A_327 = arith.constant 1 : i32
          %parallel_loop3A_328 = arith.constant 5 : i32
          %parallel_loop3A_329 = arith.index_cast %parallel_loop3A_327 : i32 to index
          %parallel_loop3A_330 = arith.index_cast %parallel_loop3A_328 : i32 to index
          %parallel_loop3A_331 = arith.index_cast %parallel_loop3A_326 : i32 to index
          %parallel_loop3A_332 = tpu.vector_load %arg6[%parallel_loop3A_329, %parallel_loop3A_330, %parallel_loop3A_331] {strides = array<i32>} : memref<2x16x512xi32, #tpu.memory_space<vmem>>, vector<16xi32>,
          %parallel_loop3A_333 = arith.constant 16 : i32
          %parallel_loop3A_334 = arith.muli %parallel_loop3A_276, %parallel_loop3A_333 : i32
          %parallel_loop3A_335 = arith.constant 1 : i32
          %parallel_loop3A_336 = arith.constant 6 : i32
          %parallel_loop3A_337 = arith.index_cast %parallel_loop3A_335 : i32 to index
          %parallel_loop3A_338 = arith.index_cast %parallel_loop3A_336 : i32 to index
          %parallel_loop3A_339 = arith.index_cast %parallel_loop3A_334 : i32 to index
          %parallel_loop3A_340 = tpu.vector_load %arg6[%parallel_loop3A_337, %parallel_loop3A_338, %parallel_loop3A_339] {strides = array<i32>} : memref<2x16x512xi32, #tpu.memory_space<vmem>>, vector<16xi32>,
          %parallel_loop3A_341 = arith.constant 16 : i32
          %parallel_loop3A_342 = arith.muli %parallel_loop3A_276, %parallel_loop3A_341 : i32
          %parallel_loop3A_343 = arith.constant 1 : i32
          %parallel_loop3A_344 = arith.constant 7 : i32
          %parallel_loop3A_345 = arith.index_cast %parallel_loop3A_343 : i32 to index
          %parallel_loop3A_346 = arith.index_cast %parallel_loop3A_344 : i32 to index
          %parallel_loop3A_347 = arith.index_cast %parallel_loop3A_342 : i32 to index
          %parallel_loop3A_348 = tpu.vector_load %arg6[%parallel_loop3A_345, %parallel_loop3A_346, %parallel_loop3A_347] {strides = array<i32>} : memref<2x16x512xi32, #tpu.memory_space<vmem>>, vector<16xi32>,
          %parallel_loop3A_349 = arith.constant 15 : i32
          %parallel_loop3A_350 = vector.broadcast %parallel_loop3A_349 : i32 to vector<16xi32>
          %parallel_loop3A_351 = arith.shrui %parallel_loop3A_292, %parallel_loop3A_350 : vector<16xi32>
          %parallel_loop3A_352 = vector.bitcast %parallel_loop3A_351 : vector<16xi32> to vector<16xi32>
          %parallel_loop3A_353 = arith.constant 15 : i32
          %parallel_loop3A_354 = vector.broadcast %parallel_loop3A_353 : i32 to vector<16xi32>
          %parallel_loop3A_355 = arith.shrui %parallel_loop3A_300, %parallel_loop3A_354 : vector<16xi32>
          %parallel_loop3A_356 = vector.bitcast %parallel_loop3A_355 : vector<16xi32> to vector<16xi32>
          %parallel_loop3A_357 = arith.constant 15 : i32
          %parallel_loop3A_358 = vector.broadcast %parallel_loop3A_357 : i32 to vector<16xi32>
          %parallel_loop3A_359 = arith.shrui %parallel_loop3A_308, %parallel_loop3A_358 : vector<16xi32>
          %parallel_loop3A_360 = vector.bitcast %parallel_loop3A_359 : vector<16xi32> to vector<16xi32>
          %parallel_loop3A_361 = arith.constant 15 : i32
          %parallel_loop3A_362 = vector.broadcast %parallel_loop3A_361 : i32 to vector<16xi32>
          %parallel_loop3A_363 = arith.shrui %parallel_loop3A_316, %parallel_loop3A_362 : vector<16xi32>
          %parallel_loop3A_364 = vector.bitcast %parallel_loop3A_363 : vector<16xi32> to vector<16xi32>
          %parallel_loop3A_365 = arith.constant 15 : i32
          %parallel_loop3A_366 = vector.broadcast %parallel_loop3A_365 : i32 to vector<16xi32>
          %parallel_loop3A_367 = arith.shrui %parallel_loop3A_324, %parallel_loop3A_366 : vector<16xi32>
          %parallel_loop3A_368 = vector.bitcast %parallel_loop3A_367 : vector<16xi32> to vector<16xi32>
          %parallel_loop3A_369 = arith.constant 15 : i32
          %parallel_loop3A_370 = vector.broadcast %parallel_loop3A_369 : i32 to vector<16xi32>
          %parallel_loop3A_371 = arith.shrui %parallel_loop3A_332, %parallel_loop3A_370 : vector<16xi32>
          %parallel_loop3A_372 = vector.bitcast %parallel_loop3A_371 : vector<16xi32> to vector<16xi32>
          %parallel_loop3A_373 = arith.constant 15 : i32
          %parallel_loop3A_374 = vector.broadcast %parallel_loop3A_373 : i32 to vector<16xi32>
          %parallel_loop3A_375 = arith.shrui %parallel_loop3A_340, %parallel_loop3A_374 : vector<16xi32>
          %parallel_loop3A_376 = vector.bitcast %parallel_loop3A_375 : vector<16xi32> to vector<16xi32>
          %parallel_loop3A_377 = arith.constant 15 : i32
          %parallel_loop3A_378 = vector.broadcast %parallel_loop3A_377 : i32 to vector<16xi32>
          %parallel_loop3A_379 = arith.shrui %parallel_loop3A_348, %parallel_loop3A_378 : vector<16xi32>
          %parallel_loop3A_380 = vector.bitcast %parallel_loop3A_379 : vector<16xi32> to vector<16xi32>
          %parallel_loop3A_381 = arith.constant 17 : i32
          %parallel_loop3A_382 = vector.broadcast %parallel_loop3A_381 : i32 to vector<16xi32>
          %parallel_loop3A_383 = arith.shli %parallel_loop3A_292, %parallel_loop3A_382 : vector<16xi32>
          %parallel_loop3A_384 = vector.bitcast %parallel_loop3A_383 : vector<16xi32> to vector<16xf32>
          %parallel_loop3A_385 = arith.constant 17 : i32
          %parallel_loop3A_386 = vector.broadcast %parallel_loop3A_385 : i32 to vector<16xi32>
          %parallel_loop3A_387 = arith.shli %parallel_loop3A_300, %parallel_loop3A_386 : vector<16xi32>
          %parallel_loop3A_388 = vector.bitcast %parallel_loop3A_387 : vector<16xi32> to vector<16xf32>
          %parallel_loop3A_389 = arith.constant 17 : i32
          %parallel_loop3A_390 = vector.broadcast %parallel_loop3A_389 : i32 to vector<16xi32>
          %parallel_loop3A_391 = arith.shli %parallel_loop3A_308, %parallel_loop3A_390 : vector<16xi32>
          %parallel_loop3A_392 = vector.bitcast %parallel_loop3A_391 : vector<16xi32> to vector<16xf32>
          %parallel_loop3A_393 = arith.constant 17 : i32
          %parallel_loop3A_394 = vector.broadcast %parallel_loop3A_393 : i32 to vector<16xi32>
          %parallel_loop3A_395 = arith.shli %parallel_loop3A_316, %parallel_loop3A_394 : vector<16xi32>
          %parallel_loop3A_396 = vector.bitcast %parallel_loop3A_395 : vector<16xi32> to vector<16xf32>
          %parallel_loop3A_397 = arith.constant 17 : i32
          %parallel_loop3A_398 = vector.broadcast %parallel_loop3A_397 : i32 to vector<16xi32>
          %parallel_loop3A_399 = arith.shli %parallel_loop3A_324, %parallel_loop3A_398 : vector<16xi32>
          %parallel_loop3A_400 = vector.bitcast %parallel_loop3A_399 : vector<16xi32> to vector<16xf32>
          %parallel_loop3A_401 = arith.constant 17 : i32
          %parallel_loop3A_402 = vector.broadcast %parallel_loop3A_401 : i32 to vector<16xi32>
          %parallel_loop3A_403 = arith.shli %parallel_loop3A_332, %parallel_loop3A_402 : vector<16xi32>
          %parallel_loop3A_404 = vector.bitcast %parallel_loop3A_403 : vector<16xi32> to vector<16xf32>
          %parallel_loop3A_405 = arith.constant 17 : i32
          %parallel_loop3A_406 = vector.broadcast %parallel_loop3A_405 : i32 to vector<16xi32>
          %parallel_loop3A_407 = arith.shli %parallel_loop3A_340, %parallel_loop3A_406 : vector<16xi32>
          %parallel_loop3A_408 = vector.bitcast %parallel_loop3A_407 : vector<16xi32> to vector<16xf32>
          %parallel_loop3A_409 = arith.constant 17 : i32
          %parallel_loop3A_410 = vector.broadcast %parallel_loop3A_409 : i32 to vector<16xi32>
          %parallel_loop3A_411 = arith.shli %parallel_loop3A_348, %parallel_loop3A_410 : vector<16xi32>
          %parallel_loop3A_412 = vector.bitcast %parallel_loop3A_411 : vector<16xi32> to vector<16xf32>
          %parallel_loop3A_413 = tpu.vector_load_idx %arg5[%parallel_loop3A_352] : memref<100000xf32, #tpu.memory_space<vmem>>[vector<16xi32>], vector<16xf32>,
          %parallel_loop3A_414 = tpu.vector_load_idx %arg5[%parallel_loop3A_356] : memref<100000xf32, #tpu.memory_space<vmem>>[vector<16xi32>], vector<16xf32>,
          %parallel_loop3A_415 = tpu.vector_load_idx %arg5[%parallel_loop3A_360] : memref<100000xf32, #tpu.memory_space<vmem>>[vector<16xi32>], vector<16xf32>,
          %parallel_loop3A_416 = tpu.vector_load_idx %arg5[%parallel_loop3A_364] : memref<100000xf32, #tpu.memory_space<vmem>>[vector<16xi32>], vector<16xf32>,
          %parallel_loop3A_417 = tpu.vector_load_idx %arg5[%parallel_loop3A_368] : memref<100000xf32, #tpu.memory_space<vmem>>[vector<16xi32>], vector<16xf32>,
          %parallel_loop3A_418 = tpu.vector_load_idx %arg5[%parallel_loop3A_372] : memref<100000xf32, #tpu.memory_space<vmem>>[vector<16xi32>], vector<16xf32>,
          %parallel_loop3A_419 = tpu.vector_load_idx %arg5[%parallel_loop3A_376] : memref<100000xf32, #tpu.memory_space<vmem>>[vector<16xi32>], vector<16xf32>,
          %parallel_loop3A_420 = tpu.vector_load_idx %arg5[%parallel_loop3A_380] : memref<100000xf32, #tpu.memory_space<vmem>>[vector<16xi32>], vector<16xf32>,
          %parallel_loop3A_421 = arith.mulf %parallel_loop3A_413, %parallel_loop3A_384 : vector<16xf32>
          %parallel_loop3A_422 = arith.addf %parallel_loop3A_278, %parallel_loop3A_421 : vector<16xf32>
          %parallel_loop3A_423 = arith.mulf %parallel_loop3A_414, %parallel_loop3A_388 : vector<16xf32>
          %parallel_loop3A_424 = arith.addf %parallel_loop3A_280, %parallel_loop3A_423 : vector<16xf32>
          %parallel_loop3A_425 = arith.mulf %parallel_loop3A_415, %parallel_loop3A_392 : vector<16xf32>
          %parallel_loop3A_426 = arith.addf %parallel_loop3A_282, %parallel_loop3A_425 : vector<16xf32>
          %parallel_loop3A_427 = arith.mulf %parallel_loop3A_416, %parallel_loop3A_396 : vector<16xf32>
          %parallel_loop3A_428 = arith.addf %parallel_loop3A_284, %parallel_loop3A_427 : vector<16xf32>
          %parallel_loop3A_429 = arith.mulf %parallel_loop3A_417, %parallel_loop3A_400 : vector<16xf32>
          %parallel_loop3A_430 = arith.addf %parallel_loop3A_422, %parallel_loop3A_429 : vector<16xf32>
          %parallel_loop3A_431 = arith.mulf %parallel_loop3A_418, %parallel_loop3A_404 : vector<16xf32>
          %parallel_loop3A_432 = arith.addf %parallel_loop3A_424, %parallel_loop3A_431 : vector<16xf32>
          %parallel_loop3A_433 = arith.mulf %parallel_loop3A_419, %parallel_loop3A_408 : vector<16xf32>
          %parallel_loop3A_434 = arith.addf %parallel_loop3A_426, %parallel_loop3A_433 : vector<16xf32>
          %parallel_loop3A_435 = arith.mulf %parallel_loop3A_420, %parallel_loop3A_412 : vector<16xf32>
          %parallel_loop3A_436 = arith.addf %parallel_loop3A_428, %parallel_loop3A_435 : vector<16xf32>
          %parallel_loop3A_437 = arith.constant 16 : i32
          %parallel_loop3A_438 = arith.muli %parallel_loop3A_276, %parallel_loop3A_437 : i32
          %parallel_loop3A_439 = arith.constant 1 : i32
          %parallel_loop3A_440 = arith.constant 8 : i32
          %parallel_loop3A_441 = arith.index_cast %parallel_loop3A_439 : i32 to index
          %parallel_loop3A_442 = arith.index_cast %parallel_loop3A_440 : i32 to index
          %parallel_loop3A_443 = arith.index_cast %parallel_loop3A_438 : i32 to index
          %parallel_loop3A_444 = tpu.vector_load %arg6[%parallel_loop3A_441, %parallel_loop3A_442, %parallel_loop3A_443] {strides = array<i32>} : memref<2x16x512xi32, #tpu.memory_space<vmem>>, vector<16xi32>,
          %parallel_loop3A_445 = arith.constant 16 : i32
          %parallel_loop3A_446 = arith.muli %parallel_loop3A_276, %parallel_loop3A_445 : i32
          %parallel_loop3A_447 = arith.constant 1 : i32
          %parallel_loop3A_448 = arith.constant 9 : i32
          %parallel_loop3A_449 = arith.index_cast %parallel_loop3A_447 : i32 to index
          %parallel_loop3A_450 = arith.index_cast %parallel_loop3A_448 : i32 to index
          %parallel_loop3A_451 = arith.index_cast %parallel_loop3A_446 : i32 to index
          %parallel_loop3A_452 = tpu.vector_load %arg6[%parallel_loop3A_449, %parallel_loop3A_450, %parallel_loop3A_451] {strides = array<i32>} : memref<2x16x512xi32, #tpu.memory_space<vmem>>, vector<16xi32>,
          %parallel_loop3A_453 = arith.constant 16 : i32
          %parallel_loop3A_454 = arith.muli %parallel_loop3A_276, %parallel_loop3A_453 : i32
          %parallel_loop3A_455 = arith.constant 1 : i32
          %parallel_loop3A_456 = arith.constant 10 : i32
          %parallel_loop3A_457 = arith.index_cast %parallel_loop3A_455 : i32 to index
          %parallel_loop3A_458 = arith.index_cast %parallel_loop3A_456 : i32 to index
          %parallel_loop3A_459 = arith.index_cast %parallel_loop3A_454 : i32 to index
          %parallel_loop3A_460 = tpu.vector_load %arg6[%parallel_loop3A_457, %parallel_loop3A_458, %parallel_loop3A_459] {strides = array<i32>} : memref<2x16x512xi32, #tpu.memory_space<vmem>>, vector<16xi32>,
          %parallel_loop3A_461 = arith.constant 16 : i32
          %parallel_loop3A_462 = arith.muli %parallel_loop3A_276, %parallel_loop3A_461 : i32
          %parallel_loop3A_463 = arith.constant 1 : i32
          %parallel_loop3A_464 = arith.constant 11 : i32
          %parallel_loop3A_465 = arith.index_cast %parallel_loop3A_463 : i32 to index
          %parallel_loop3A_466 = arith.index_cast %parallel_loop3A_464 : i32 to index
          %parallel_loop3A_467 = arith.index_cast %parallel_loop3A_462 : i32 to index
          %parallel_loop3A_468 = tpu.vector_load %arg6[%parallel_loop3A_465, %parallel_loop3A_466, %parallel_loop3A_467] {strides = array<i32>} : memref<2x16x512xi32, #tpu.memory_space<vmem>>, vector<16xi32>,
          %parallel_loop3A_469 = arith.constant 16 : i32
          %parallel_loop3A_470 = arith.muli %parallel_loop3A_276, %parallel_loop3A_469 : i32
          %parallel_loop3A_471 = arith.constant 1 : i32
          %parallel_loop3A_472 = arith.constant 12 : i32
          %parallel_loop3A_473 = arith.index_cast %parallel_loop3A_471 : i32 to index
          %parallel_loop3A_474 = arith.index_cast %parallel_loop3A_472 : i32 to index
          %parallel_loop3A_475 = arith.index_cast %parallel_loop3A_470 : i32 to index
          %parallel_loop3A_476 = tpu.vector_load %arg6[%parallel_loop3A_473, %parallel_loop3A_474, %parallel_loop3A_475] {strides = array<i32>} : memref<2x16x512xi32, #tpu.memory_space<vmem>>, vector<16xi32>,
          %parallel_loop3A_477 = arith.constant 16 : i32
          %parallel_loop3A_478 = arith.muli %parallel_loop3A_276, %parallel_loop3A_477 : i32
          %parallel_loop3A_479 = arith.constant 1 : i32
          %parallel_loop3A_480 = arith.constant 13 : i32
          %parallel_loop3A_481 = arith.index_cast %parallel_loop3A_479 : i32 to index
          %parallel_loop3A_482 = arith.index_cast %parallel_loop3A_480 : i32 to index
          %parallel_loop3A_483 = arith.index_cast %parallel_loop3A_478 : i32 to index
          %parallel_loop3A_484 = tpu.vector_load %arg6[%parallel_loop3A_481, %parallel_loop3A_482, %parallel_loop3A_483] {strides = array<i32>} : memref<2x16x512xi32, #tpu.memory_space<vmem>>, vector<16xi32>,
          %parallel_loop3A_485 = arith.constant 16 : i32
          %parallel_loop3A_486 = arith.muli %parallel_loop3A_276, %parallel_loop3A_485 : i32
          %parallel_loop3A_487 = arith.constant 1 : i32
          %parallel_loop3A_488 = arith.constant 14 : i32
          %parallel_loop3A_489 = arith.index_cast %parallel_loop3A_487 : i32 to index
          %parallel_loop3A_490 = arith.index_cast %parallel_loop3A_488 : i32 to index
          %parallel_loop3A_491 = arith.index_cast %parallel_loop3A_486 : i32 to index
          %parallel_loop3A_492 = tpu.vector_load %arg6[%parallel_loop3A_489, %parallel_loop3A_490, %parallel_loop3A_491] {strides = array<i32>} : memref<2x16x512xi32, #tpu.memory_space<vmem>>, vector<16xi32>,
          %parallel_loop3A_493 = arith.constant 16 : i32
          %parallel_loop3A_494 = arith.muli %parallel_loop3A_276, %parallel_loop3A_493 : i32
          %parallel_loop3A_495 = arith.constant 1 : i32
          %parallel_loop3A_496 = arith.constant 15 : i32
          %parallel_loop3A_497 = arith.index_cast %parallel_loop3A_495 : i32 to index
          %parallel_loop3A_498 = arith.index_cast %parallel_loop3A_496 : i32 to index
          %parallel_loop3A_499 = arith.index_cast %parallel_loop3A_494 : i32 to index
          %parallel_loop3A_500 = tpu.vector_load %arg6[%parallel_loop3A_497, %parallel_loop3A_498, %parallel_loop3A_499] {strides = array<i32>} : memref<2x16x512xi32, #tpu.memory_space<vmem>>, vector<16xi32>,
          %parallel_loop3A_501 = arith.constant 15 : i32
          %parallel_loop3A_502 = vector.broadcast %parallel_loop3A_501 : i32 to vector<16xi32>
          %parallel_loop3A_503 = arith.shrui %parallel_loop3A_444, %parallel_loop3A_502 : vector<16xi32>
          %parallel_loop3A_504 = vector.bitcast %parallel_loop3A_503 : vector<16xi32> to vector<16xi32>
          %parallel_loop3A_505 = arith.constant 15 : i32
          %parallel_loop3A_506 = vector.broadcast %parallel_loop3A_505 : i32 to vector<16xi32>
          %parallel_loop3A_507 = arith.shrui %parallel_loop3A_452, %parallel_loop3A_506 : vector<16xi32>
          %parallel_loop3A_508 = vector.bitcast %parallel_loop3A_507 : vector<16xi32> to vector<16xi32>
          %parallel_loop3A_509 = arith.constant 15 : i32
          %parallel_loop3A_510 = vector.broadcast %parallel_loop3A_509 : i32 to vector<16xi32>
          %parallel_loop3A_511 = arith.shrui %parallel_loop3A_460, %parallel_loop3A_510 : vector<16xi32>
          %parallel_loop3A_512 = vector.bitcast %parallel_loop3A_511 : vector<16xi32> to vector<16xi32>
          %parallel_loop3A_513 = arith.constant 15 : i32
          %parallel_loop3A_514 = vector.broadcast %parallel_loop3A_513 : i32 to vector<16xi32>
          %parallel_loop3A_515 = arith.shrui %parallel_loop3A_468, %parallel_loop3A_514 : vector<16xi32>
          %parallel_loop3A_516 = vector.bitcast %parallel_loop3A_515 : vector<16xi32> to vector<16xi32>
          %parallel_loop3A_517 = arith.constant 15 : i32
          %parallel_loop3A_518 = vector.broadcast %parallel_loop3A_517 : i32 to vector<16xi32>
          %parallel_loop3A_519 = arith.shrui %parallel_loop3A_476, %parallel_loop3A_518 : vector<16xi32>
          %parallel_loop3A_520 = vector.bitcast %parallel_loop3A_519 : vector<16xi32> to vector<16xi32>
          %parallel_loop3A_521 = arith.constant 15 : i32
          %parallel_loop3A_522 = vector.broadcast %parallel_loop3A_521 : i32 to vector<16xi32>
          %parallel_loop3A_523 = arith.shrui %parallel_loop3A_484, %parallel_loop3A_522 : vector<16xi32>
          %parallel_loop3A_524 = vector.bitcast %parallel_loop3A_523 : vector<16xi32> to vector<16xi32>
          %parallel_loop3A_525 = arith.constant 15 : i32
          %parallel_loop3A_526 = vector.broadcast %parallel_loop3A_525 : i32 to vector<16xi32>
          %parallel_loop3A_527 = arith.shrui %parallel_loop3A_492, %parallel_loop3A_526 : vector<16xi32>
          %parallel_loop3A_528 = vector.bitcast %parallel_loop3A_527 : vector<16xi32> to vector<16xi32>
          %parallel_loop3A_529 = arith.constant 15 : i32
          %parallel_loop3A_530 = vector.broadcast %parallel_loop3A_529 : i32 to vector<16xi32>
          %parallel_loop3A_531 = arith.shrui %parallel_loop3A_500, %parallel_loop3A_530 : vector<16xi32>
          %parallel_loop3A_532 = vector.bitcast %parallel_loop3A_531 : vector<16xi32> to vector<16xi32>
          %parallel_loop3A_533 = arith.constant 17 : i32
          %parallel_loop3A_534 = vector.broadcast %parallel_loop3A_533 : i32 to vector<16xi32>
          %parallel_loop3A_535 = arith.shli %parallel_loop3A_444, %parallel_loop3A_534 : vector<16xi32>
          %parallel_loop3A_536 = vector.bitcast %parallel_loop3A_535 : vector<16xi32> to vector<16xf32>
          %parallel_loop3A_537 = arith.constant 17 : i32
          %parallel_loop3A_538 = vector.broadcast %parallel_loop3A_537 : i32 to vector<16xi32>
          %parallel_loop3A_539 = arith.shli %parallel_loop3A_452, %parallel_loop3A_538 : vector<16xi32>
          %parallel_loop3A_540 = vector.bitcast %parallel_loop3A_539 : vector<16xi32> to vector<16xf32>
          %parallel_loop3A_541 = arith.constant 17 : i32
          %parallel_loop3A_542 = vector.broadcast %parallel_loop3A_541 : i32 to vector<16xi32>
          %parallel_loop3A_543 = arith.shli %parallel_loop3A_460, %parallel_loop3A_542 : vector<16xi32>
          %parallel_loop3A_544 = vector.bitcast %parallel_loop3A_543 : vector<16xi32> to vector<16xf32>
          %parallel_loop3A_545 = arith.constant 17 : i32
          %parallel_loop3A_546 = vector.broadcast %parallel_loop3A_545 : i32 to vector<16xi32>
          %parallel_loop3A_547 = arith.shli %parallel_loop3A_468, %parallel_loop3A_546 : vector<16xi32>
          %parallel_loop3A_548 = vector.bitcast %parallel_loop3A_547 : vector<16xi32> to vector<16xf32>
          %parallel_loop3A_549 = arith.constant 17 : i32
          %parallel_loop3A_550 = vector.broadcast %parallel_loop3A_549 : i32 to vector<16xi32>
          %parallel_loop3A_551 = arith.shli %parallel_loop3A_476, %parallel_loop3A_550 : vector<16xi32>
          %parallel_loop3A_552 = vector.bitcast %parallel_loop3A_551 : vector<16xi32> to vector<16xf32>
          %parallel_loop3A_553 = arith.constant 17 : i32
          %parallel_loop3A_554 = vector.broadcast %parallel_loop3A_553 : i32 to vector<16xi32>
          %parallel_loop3A_555 = arith.shli %parallel_loop3A_484, %parallel_loop3A_554 : vector<16xi32>
          %parallel_loop3A_556 = vector.bitcast %parallel_loop3A_555 : vector<16xi32> to vector<16xf32>
          %parallel_loop3A_557 = arith.constant 17 : i32
          %parallel_loop3A_558 = vector.broadcast %parallel_loop3A_557 : i32 to vector<16xi32>
          %parallel_loop3A_559 = arith.shli %parallel_loop3A_492, %parallel_loop3A_558 : vector<16xi32>
          %parallel_loop3A_560 = vector.bitcast %parallel_loop3A_559 : vector<16xi32> to vector<16xf32>
          %parallel_loop3A_561 = arith.constant 17 : i32
          %parallel_loop3A_562 = vector.broadcast %parallel_loop3A_561 : i32 to vector<16xi32>
          %parallel_loop3A_563 = arith.shli %parallel_loop3A_500, %parallel_loop3A_562 : vector<16xi32>
          %parallel_loop3A_564 = vector.bitcast %parallel_loop3A_563 : vector<16xi32> to vector<16xf32>
          %parallel_loop3A_565 = tpu.vector_load_idx %arg5[%parallel_loop3A_504] : memref<100000xf32, #tpu.memory_space<vmem>>[vector<16xi32>], vector<16xf32>,
          %parallel_loop3A_566 = tpu.vector_load_idx %arg5[%parallel_loop3A_508] : memref<100000xf32, #tpu.memory_space<vmem>>[vector<16xi32>], vector<16xf32>,
          %parallel_loop3A_567 = tpu.vector_load_idx %arg5[%parallel_loop3A_512] : memref<100000xf32, #tpu.memory_space<vmem>>[vector<16xi32>], vector<16xf32>,
          %parallel_loop3A_568 = tpu.vector_load_idx %arg5[%parallel_loop3A_516] : memref<100000xf32, #tpu.memory_space<vmem>>[vector<16xi32>], vector<16xf32>,
          %parallel_loop3A_569 = tpu.vector_load_idx %arg5[%parallel_loop3A_520] : memref<100000xf32, #tpu.memory_space<vmem>>[vector<16xi32>], vector<16xf32>,
          %parallel_loop3A_570 = tpu.vector_load_idx %arg5[%parallel_loop3A_524] : memref<100000xf32, #tpu.memory_space<vmem>>[vector<16xi32>], vector<16xf32>,
          %parallel_loop3A_571 = tpu.vector_load_idx %arg5[%parallel_loop3A_528] : memref<100000xf32, #tpu.memory_space<vmem>>[vector<16xi32>], vector<16xf32>,
          %parallel_loop3A_572 = tpu.vector_load_idx %arg5[%parallel_loop3A_532] : memref<100000xf32, #tpu.memory_space<vmem>>[vector<16xi32>], vector<16xf32>,
          %parallel_loop3A_573 = arith.mulf %parallel_loop3A_565, %parallel_loop3A_536 : vector<16xf32>
          %parallel_loop3A_574 = arith.addf %parallel_loop3A_430, %parallel_loop3A_573 : vector<16xf32>
          %parallel_loop3A_575 = arith.mulf %parallel_loop3A_566, %parallel_loop3A_540 : vector<16xf32>
          %parallel_loop3A_576 = arith.addf %parallel_loop3A_432, %parallel_loop3A_575 : vector<16xf32>
          %parallel_loop3A_577 = arith.mulf %parallel_loop3A_567, %parallel_loop3A_544 : vector<16xf32>
          %parallel_loop3A_578 = arith.addf %parallel_loop3A_434, %parallel_loop3A_577 : vector<16xf32>
          %parallel_loop3A_579 = arith.mulf %parallel_loop3A_568, %parallel_loop3A_548 : vector<16xf32>
          %parallel_loop3A_580 = arith.addf %parallel_loop3A_436, %parallel_loop3A_579 : vector<16xf32>
          %parallel_loop3A_581 = arith.mulf %parallel_loop3A_569, %parallel_loop3A_552 : vector<16xf32>
          %parallel_loop3A_582 = arith.addf %parallel_loop3A_574, %parallel_loop3A_581 : vector<16xf32>
          %parallel_loop3A_583 = arith.mulf %parallel_loop3A_570, %parallel_loop3A_556 : vector<16xf32>
          %parallel_loop3A_584 = arith.addf %parallel_loop3A_576, %parallel_loop3A_583 : vector<16xf32>
          %parallel_loop3A_585 = arith.mulf %parallel_loop3A_571, %parallel_loop3A_560 : vector<16xf32>
          %parallel_loop3A_586 = arith.addf %parallel_loop3A_578, %parallel_loop3A_585 : vector<16xf32>
          %parallel_loop3A_587 = arith.mulf %parallel_loop3A_572, %parallel_loop3A_564 : vector<16xf32>
          %parallel_loop3A_588 = arith.addf %parallel_loop3A_580, %parallel_loop3A_587 : vector<16xf32>
          %parallel_loop3A_589 = arith.addf %parallel_loop3A_582, %parallel_loop3A_584 : vector<16xf32>
          %parallel_loop3A_590 = arith.addf %parallel_loop3A_586, %parallel_loop3A_588 : vector<16xf32>
          %parallel_loop3A_591 = arith.addf %parallel_loop3A_589, %parallel_loop3A_590 : vector<16xf32>
          %parallel_loop3A_592 = arith.constant 512 : i32
          %parallel_loop3A_593 = arith.muli %add3A_219, %parallel_loop3A_592 : i32
          %parallel_loop3A_594 = arith.constant 16 : i32
          %parallel_loop3A_595 = arith.muli %parallel_loop3A_276, %parallel_loop3A_594 : i32
          %parallel_loop3A_596 = arith.addi %parallel_loop3A_593, %parallel_loop3A_595 : i32
          %parallel_loop3A_597 = arith.constant 0 : i32
          %parallel_loop3A_598 = arith.index_cast %parallel_loop3A_597 : i32 to index
          %parallel_loop3A_599 = arith.index_cast %parallel_loop3A_596 : i32 to index
          %parallel_loop3A_600 = tpu.vector_load %arg7[%parallel_loop3A_598, %parallel_loop3A_599] {strides = array<i32>} : memref<2x2048xf32, #tpu.memory_space<vmem>>, vector<16xf32>,
          tpu.vector_store %arg7[%parallel_loop3A_598, %parallel_loop3A_599], %parallel_loop3A_591 {strides = array<i32>} : memref<2x2048xf32, #tpu.memory_space<vmem>>, vector<16xf32>,
        } {sc.loop_unroll_factor = 2 : i64, sc.parallel_access}
        %add3A_241 = arith.constant 2 : i32
        %add3A_242 = arith.addi %add3A_219, %add3A_241 : i32
        %jit3A_243 = arith.constant 4 : i32
        %eq3A_244 = arith.constant 0 : i32
        %eq3A_245 = arith.cmpi eq, %jit3A_243, %eq3A_244 : i32
        %jit3A_246 = arith.constant 1 : i32
        %select_n3A_247 = arith.select %eq3A_245, %jit3A_246, %jit3A_243 : i32
        %rem3A_248 = arith.remsi %add3A_242, %select_n3A_247 : i32
        %ne3A_249 = arith.constant 0 : i32
        %ne3A_250 = arith.cmpi ne, %rem3A_248, %ne3A_249 : i32
        %lt3A_251 = arith.constant 0 : i32
        %lt3A_252 = arith.cmpi slt, %rem3A_248, %lt3A_251 : i32
        %lt3A_253 = arith.constant 0 : i32
        %lt3A_254 = arith.cmpi slt, %select_n3A_247, %lt3A_253 : i32
        %ne3A_255 = arith.xori %lt3A_252, %lt3A_254 : i1
        %and3A_256 = arith.andi %ne3A_255, %ne3A_250 : i1
        %add3A_257 = arith.addi %rem3A_248, %select_n3A_247 : i32
        %select_n3A_258 = arith.select %and3A_256, %add3A_257, %rem3A_248 : i32
        %dma_start3A_259 = arith.constant 1 : i32
        %dma_start3A_260 = arith.constant 0 : i32
        %dma_start3A_261 = arith.constant 0 : i32
        %dma_start3A_262 = tpu.memref_slice %arg6[%dma_start3A_259, %dma_start3A_260, %dma_start3A_261] : memref<2x16x512xi32, #tpu.memory_space<vmem>> -> memref<1x16x512xi32, #tpu.memory_space<vmem>>
        %dma_start3A_263 = tpu.memref_squeeze %dma_start3A_262 : memref<1x16x512xi32, #tpu.memory_space<vmem>> -> memref<16x512xi32, #tpu.memory_space<vmem>>
        %dma_start3A_264 = arith.constant 0 : i32
        %dma_start3A_265 = arith.constant 0 : i32
        %dma_start3A_266 = tpu.memref_slice %arg8[%select_n3A_258, %dma_start3A_264, %dma_start3A_265] : memref<4x16x512xi32, #tpu.memory_space<vmem_shared>> -> memref<1x16x512xi32, #tpu.memory_space<vmem_shared>>
        %dma_start3A_267 = tpu.memref_squeeze %dma_start3A_266 : memref<1x16x512xi32, #tpu.memory_space<vmem_shared>> -> memref<16x512xi32, #tpu.memory_space<vmem_shared>>
        %dma_start3A_268 = arith.constant 0 : i32
        %dma_start3A_269 = arith.constant 0 : i32
        %dma_start3A_270 = tpu.memref_slice %arg6[%dma_start3A_259, %dma_start3A_268, %dma_start3A_269] : memref<2x16x512xi32, #tpu.memory_space<vmem>> -> memref<1x16x512xi32, #tpu.memory_space<vmem>>
        %dma_start3A_271 = tpu.memref_squeeze %dma_start3A_270 : memref<1x16x512xi32, #tpu.memory_space<vmem>> -> memref<16x512xi32, #tpu.memory_space<vmem>>
        %dma_start3A_272 = arith.constant 0 : i32
        %dma_start3A_273 = arith.constant 0 : i32
        %dma_start3A_274 = tpu.memref_slice %arg8[%select_n3A_258, %dma_start3A_272, %dma_start3A_273] : memref<4x16x512xi32, #tpu.memory_space<vmem_shared>> -> memref<1x16x512xi32, #tpu.memory_space<vmem_shared>>
        %dma_start3A_275 = tpu.memref_squeeze %dma_start3A_274 : memref<1x16x512xi32, #tpu.memory_space<vmem_shared>> -> memref<16x512xi32, #tpu.memory_space<vmem_shared>>
        tpu.enqueue_dma source(%dma_start3A_275 : memref<16x512xi32, #tpu.memory_space<vmem_shared>>) target(%dma_start3A_271 : memref<16x512xi32, #tpu.memory_space<vmem>>) target_semaphore(%arg10 : memref<!tpu.dma_semaphore, #tpu.memory_space<semaphore_mem>>)
      }
      %scan3A_121 = arith.constant 2 : i32
      %dma_start3A_122 = arith.constant 0 : i32
      %dma_start3A_123 = arith.constant 0 : i32
      %dma_start3A_124 = tpu.memref_slice %arg7[%dma_start3A_122, %dma_start3A_123] : memref<2x2048xf32, #tpu.memory_space<vmem>> -> memref<1x2048xf32, #tpu.memory_space<vmem>>
      %dma_start3A_125 = tpu.memref_squeeze %dma_start3A_124 : memref<1x2048xf32, #tpu.memory_space<vmem>> -> memref<2048xf32, #tpu.memory_space<vmem>>
      %dma_start3A_126 = arith.constant 0 : i32
      %dma_start3A_127 = tpu.memref_slice %arg4[%add3A_111, %dma_start3A_126] : memref<1024x2048xf32, #tpu.memory_space<hbm>> -> memref<1x2048xf32, #tpu.memory_space<hbm>>
      %dma_start3A_128 = tpu.memref_squeeze %dma_start3A_127 : memref<1x2048xf32, #tpu.memory_space<hbm>> -> memref<2048xf32, #tpu.memory_space<hbm>>
      %dma_start3A_129 = arith.constant 0 : i32
      %dma_start3A_130 = tpu.memref_slice %arg4[%add3A_111, %dma_start3A_129] : memref<1024x2048xf32, #tpu.memory_space<hbm>> -> memref<1x2048xf32, #tpu.memory_space<hbm>>
      %dma_start3A_131 = tpu.memref_squeeze %dma_start3A_130 : memref<1x2048xf32, #tpu.memory_space<hbm>> -> memref<2048xf32, #tpu.memory_space<hbm>>
      %dma_start3A_132 = arith.constant 0 : i32
      %dma_start3A_133 = tpu.memref_slice %arg7[%dma_start3A_122, %dma_start3A_132] : memref<2x2048xf32, #tpu.memory_space<vmem>> -> memref<1x2048xf32, #tpu.memory_space<vmem>>
      %dma_start3A_134 = tpu.memref_squeeze %dma_start3A_133 : memref<1x2048xf32, #tpu.memory_space<vmem>> -> memref<2048xf32, #tpu.memory_space<vmem>>
      tpu.enqueue_dma source(%dma_start3A_134 : memref<2048xf32, #tpu.memory_space<vmem>>) target(%dma_start3A_131 : memref<2048xf32, #tpu.memory_space<hbm>>) target_semaphore(%arg11 : memref<!tpu.dma_semaphore, #tpu.memory_space<semaphore_mem>>)
      %mul3A_135 = arith.constant 2 : i32
      %mul3A_136 = arith.muli %scan3A_106, %mul3A_135 : i32
      %add3A_137 = arith.constant 1 : i32
      %add3A_138 = arith.addi %mul3A_136, %add3A_137 : i32
      %mul3A_139 = arith.constant 32 : i32
      %mul3A_140 = arith.muli %add3A, %mul3A_139 : i32
      %add3A_141 = arith.addi %mul3A_140, %add3A_138 : i32
      "tpu.region"() ({
        %run_scoped3A = tpu.sem_alloc : memref<!tpu.dma_semaphore, #tpu.memory_space<semaphore_mem>>
        %dma_start3A_166 = arith.constant 0 : i32
        %dma_start3A_167 = tpu.memref_slice %arg2[%add3A_141, %dma_start3A_166] : memref<1024x100000xf32, #tpu.memory_space<hbm>> -> memref<1x100000xf32, #tpu.memory_space<hbm>>
        %dma_start3A_168 = tpu.memref_squeeze %dma_start3A_167 : memref<1x100000xf32, #tpu.memory_space<hbm>> -> memref<100000xf32, #tpu.memory_space<hbm>>
        %dma_start3A_169 = arith.constant 0 : i32
        %dma_start3A_170 = tpu.memref_slice %arg2[%add3A_141, %dma_start3A_169] : memref<1024x100000xf32, #tpu.memory_space<hbm>> -> memref<1x100000xf32, #tpu.memory_space<hbm>>
        %dma_start3A_171 = tpu.memref_squeeze %dma_start3A_170 : memref<1x100000xf32, #tpu.memory_space<hbm>> -> memref<100000xf32, #tpu.memory_space<hbm>>
        tpu.enqueue_dma source(%dma_start3A_171 : memref<100000xf32, #tpu.memory_space<hbm>>) target(%arg5 : memref<100000xf32, #tpu.memory_space<vmem>>) target_semaphore(%run_scoped3A : memref<!tpu.dma_semaphore, #tpu.memory_space<semaphore_mem>>)
        %dma_wait3A_172 = arith.constant 0 : i32
        %dma_wait3A_173 = tpu.memref_slice %arg2[%add3A_141, %dma_wait3A_172] : memref<1024x100000xf32, #tpu.memory_space<hbm>> -> memref<1x100000xf32, #tpu.memory_space<hbm>>
        %dma_wait3A_174 = tpu.memref_squeeze %dma_wait3A_173 : memref<1x100000xf32, #tpu.memory_space<hbm>> -> memref<100000xf32, #tpu.memory_space<hbm>>
        %dma_wait3A_175 = arith.constant 0 : i32
        %dma_wait3A_176 = tpu.memref_slice %arg2[%add3A_141, %dma_wait3A_175] : memref<1024x100000xf32, #tpu.memory_space<hbm>> -> memref<1x100000xf32, #tpu.memory_space<hbm>>
        %dma_wait3A_177 = tpu.memref_squeeze %dma_wait3A_176 : memref<1x100000xf32, #tpu.memory_space<hbm>> -> memref<100000xf32, #tpu.memory_space<hbm>>
        tpu.wait_dma2 semaphore(%run_scoped3A : memref<!tpu.dma_semaphore, #tpu.memory_space<semaphore_mem>>) src(%dma_wait3A_177 : memref<100000xf32, #tpu.memory_space<hbm>>) dst(%arg5 : memref<100000xf32, #tpu.memory_space<vmem>>)
        tpu.yield
      }) : () -> ()
      %ge3A_142 = arith.constant 2 : i32
      %ge3A_143 = arith.cmpi sge, %add3A_138, %ge3A_142 : i32
      %convert_element_type3A_144 = arith.extui %ge3A_143 : i1 to i32
      %cond3A_145 = arith.constant 0 : i32
      %cond3A_146 = arith.cmpi ne, %convert_element_type3A_144, %cond3A_145 : i32
      scf.if %cond3A_146 {
        %dma_wait3A_166 = arith.constant 1 : i32
        %dma_wait3A_167 = arith.constant 0 : i32
        %dma_wait3A_168 = tpu.memref_slice %arg7[%dma_wait3A_166, %dma_wait3A_167] : memref<2x2048xf32, #tpu.memory_space<vmem>> -> memref<1x2048xf32, #tpu.memory_space<vmem>>
        %dma_wait3A_169 = tpu.memref_squeeze %dma_wait3A_168 : memref<1x2048xf32, #tpu.memory_space<vmem>> -> memref<2048xf32, #tpu.memory_space<vmem>>
        %dma_wait3A_170 = arith.constant 0 : i32
        %dma_wait3A_171 = tpu.memref_slice %arg4[%add3A_141, %dma_wait3A_170] : memref<1024x2048xf32, #tpu.memory_space<hbm>> -> memref<1x2048xf32, #tpu.memory_space<hbm>>
        %dma_wait3A_172 = tpu.memref_squeeze %dma_wait3A_171 : memref<1x2048xf32, #tpu.memory_space<hbm>> -> memref<2048xf32, #tpu.memory_space<hbm>>
        %dma_wait3A_173 = arith.constant 0 : i32
        %dma_wait3A_174 = tpu.memref_slice %arg4[%add3A_141, %dma_wait3A_173] : memref<1024x2048xf32, #tpu.memory_space<hbm>> -> memref<1x2048xf32, #tpu.memory_space<hbm>>
        %dma_wait3A_175 = tpu.memref_squeeze %dma_wait3A_174 : memref<1x2048xf32, #tpu.memory_space<hbm>> -> memref<2048xf32, #tpu.memory_space<hbm>>
        %dma_wait3A_176 = arith.constant 0 : i32
        %dma_wait3A_177 = tpu.memref_slice %arg7[%dma_wait3A_166, %dma_wait3A_176] : memref<2x2048xf32, #tpu.memory_space<vmem>> -> memref<1x2048xf32, #tpu.memory_space<vmem>>
        %dma_wait3A_178 = tpu.memref_squeeze %dma_wait3A_177 : memref<1x2048xf32, #tpu.memory_space<vmem>> -> memref<2048xf32, #tpu.memory_space<vmem>>
        tpu.wait_dma2 semaphore(%arg12 : memref<!tpu.dma_semaphore, #tpu.memory_space<semaphore_mem>>) src(%dma_wait3A_178 : memref<2048xf32, #tpu.memory_space<vmem>>) dst(%dma_wait3A_175 : memref<2048xf32, #tpu.memory_space<hbm>>)
      } else {
      }
      %scan3A_147 = arith.constant 0 : i32
      %scan3A_148 = arith.constant 0 : i32
      %scan3A_149 = arith.constant 2 : i32
      %scan3A_150 = arith.addi %scan3A_148, %scan3A_149 : i32
      %scan3A_151 = arith.constant 1 : i32
      scf.for %scan3A_166 = %scan3A_148 to %scan3A_150 step %scan3A_151  : i32 {
        %mul3A_167 = arith.constant 2 : i32
        %mul3A_168 = arith.muli %scan3A_166, %mul3A_167 : i32
        %dma_wait3A_169 = arith.constant 0 : i32
        %dma_wait3A_170 = arith.constant 0 : i32
        %dma_wait3A_171 = arith.constant 0 : i32
        %dma_wait3A_172 = arith.constant 0 : i32
        %dma_wait3A_173 = tpu.memref_slice %arg6[%dma_wait3A_170, %dma_wait3A_171, %dma_wait3A_172] : memref<2x16x512xi32, #tpu.memory_space<vmem>> -> memref<1x16x512xi32, #tpu.memory_space<vmem>>
        %dma_wait3A_174 = tpu.memref_squeeze %dma_wait3A_173 : memref<1x16x512xi32, #tpu.memory_space<vmem>> -> memref<16x512xi32, #tpu.memory_space<vmem>>
        %dma_wait3A_175 = arith.constant 0 : i32
        %dma_wait3A_176 = arith.constant 0 : i32
        %dma_wait3A_177 = tpu.memref_slice %arg8[%dma_wait3A_169, %dma_wait3A_175, %dma_wait3A_176] : memref<4x16x512xi32, #tpu.memory_space<vmem_shared>> -> memref<1x16x512xi32, #tpu.memory_space<vmem_shared>>
        %dma_wait3A_178 = tpu.memref_squeeze %dma_wait3A_177 : memref<1x16x512xi32, #tpu.memory_space<vmem_shared>> -> memref<16x512xi32, #tpu.memory_space<vmem_shared>>
        %dma_wait3A_179 = arith.constant 0 : i32
        %dma_wait3A_180 = arith.constant 0 : i32
        %dma_wait3A_181 = tpu.memref_slice %arg6[%dma_wait3A_170, %dma_wait3A_179, %dma_wait3A_180] : memref<2x16x512xi32, #tpu.memory_space<vmem>> -> memref<1x16x512xi32, #tpu.memory_space<vmem>>
        %dma_wait3A_182 = tpu.memref_squeeze %dma_wait3A_181 : memref<1x16x512xi32, #tpu.memory_space<vmem>> -> memref<16x512xi32, #tpu.memory_space<vmem>>
        %dma_wait3A_183 = arith.constant 0 : i32
        %dma_wait3A_184 = arith.constant 0 : i32
        %dma_wait3A_185 = tpu.memref_slice %arg8[%dma_wait3A_169, %dma_wait3A_183, %dma_wait3A_184] : memref<4x16x512xi32, #tpu.memory_space<vmem_shared>> -> memref<1x16x512xi32, #tpu.memory_space<vmem_shared>>
        %dma_wait3A_186 = tpu.memref_squeeze %dma_wait3A_185 : memref<1x16x512xi32, #tpu.memory_space<vmem_shared>> -> memref<16x512xi32, #tpu.memory_space<vmem_shared>>
        tpu.wait_dma2 semaphore(%arg9 : memref<!tpu.dma_semaphore, #tpu.memory_space<semaphore_mem>>) src(%dma_wait3A_186 : memref<16x512xi32, #tpu.memory_space<vmem_shared>>) dst(%dma_wait3A_182 : memref<16x512xi32, #tpu.memory_space<vmem>>)
        %parallel_loop3A = arith.constant 0 : i32
        %parallel_loop3A_187 = arith.constant 32 : i32
        %parallel_loop3A_188 = arith.constant 1 : i32
        scf.for %parallel_loop3A_276 = %parallel_loop3A to %parallel_loop3A_187 step %parallel_loop3A_188  : i32 {
          %parallel_loop3A_277 = arith.constant 0.000000e+00 : f32
          %parallel_loop3A_278 = vector.broadcast %parallel_loop3A_277 : f32 to vector<16xf32>
          %parallel_loop3A_279 = arith.constant 0.000000e+00 : f32
          %parallel_loop3A_280 = vector.broadcast %parallel_loop3A_279 : f32 to vector<16xf32>
          %parallel_loop3A_281 = arith.constant 0.000000e+00 : f32
          %parallel_loop3A_282 = vector.broadcast %parallel_loop3A_281 : f32 to vector<16xf32>
          %parallel_loop3A_283 = arith.constant 0.000000e+00 : f32
          %parallel_loop3A_284 = vector.broadcast %parallel_loop3A_283 : f32 to vector<16xf32>
          %parallel_loop3A_285 = arith.constant 16 : i32
          %parallel_loop3A_286 = arith.muli %parallel_loop3A_276, %parallel_loop3A_285 : i32
          %parallel_loop3A_287 = arith.constant 0 : i32
          %parallel_loop3A_288 = arith.constant 0 : i32
          %parallel_loop3A_289 = arith.index_cast %parallel_loop3A_287 : i32 to index
          %parallel_loop3A_290 = arith.index_cast %parallel_loop3A_288 : i32 to index
          %parallel_loop3A_291 = arith.index_cast %parallel_loop3A_286 : i32 to index
          %parallel_loop3A_292 = tpu.vector_load %arg6[%parallel_loop3A_289, %parallel_loop3A_290, %parallel_loop3A_291] {strides = array<i32>} : memref<2x16x512xi32, #tpu.memory_space<vmem>>, vector<16xi32>,
          %parallel_loop3A_293 = arith.constant 16 : i32
          %parallel_loop3A_294 = arith.muli %parallel_loop3A_276, %parallel_loop3A_293 : i32
          %parallel_loop3A_295 = arith.constant 0 : i32
          %parallel_loop3A_296 = arith.constant 1 : i32
          %parallel_loop3A_297 = arith.index_cast %parallel_loop3A_295 : i32 to index
          %parallel_loop3A_298 = arith.index_cast %parallel_loop3A_296 : i32 to index
          %parallel_loop3A_299 = arith.index_cast %parallel_loop3A_294 : i32 to index
          %parallel_loop3A_300 = tpu.vector_load %arg6[%parallel_loop3A_297, %parallel_loop3A_298, %parallel_loop3A_299] {strides = array<i32>} : memref<2x16x512xi32, #tpu.memory_space<vmem>>, vector<16xi32>,
          %parallel_loop3A_301 = arith.constant 16 : i32
          %parallel_loop3A_302 = arith.muli %parallel_loop3A_276, %parallel_loop3A_301 : i32
          %parallel_loop3A_303 = arith.constant 0 : i32
          %parallel_loop3A_304 = arith.constant 2 : i32
          %parallel_loop3A_305 = arith.index_cast %parallel_loop3A_303 : i32 to index
          %parallel_loop3A_306 = arith.index_cast %parallel_loop3A_304 : i32 to index
          %parallel_loop3A_307 = arith.index_cast %parallel_loop3A_302 : i32 to index
          %parallel_loop3A_308 = tpu.vector_load %arg6[%parallel_loop3A_305, %parallel_loop3A_306, %parallel_loop3A_307] {strides = array<i32>} : memref<2x16x512xi32, #tpu.memory_space<vmem>>, vector<16xi32>,
          %parallel_loop3A_309 = arith.constant 16 : i32
          %parallel_loop3A_310 = arith.muli %parallel_loop3A_276, %parallel_loop3A_309 : i32
          %parallel_loop3A_311 = arith.constant 0 : i32
          %parallel_loop3A_312 = arith.constant 3 : i32
          %parallel_loop3A_313 = arith.index_cast %parallel_loop3A_311 : i32 to index
          %parallel_loop3A_314 = arith.index_cast %parallel_loop3A_312 : i32 to index
          %parallel_loop3A_315 = arith.index_cast %parallel_loop3A_310 : i32 to index
          %parallel_loop3A_316 = tpu.vector_load %arg6[%parallel_loop3A_313, %parallel_loop3A_314, %parallel_loop3A_315] {strides = array<i32>} : memref<2x16x512xi32, #tpu.memory_space<vmem>>, vector<16xi32>,
          %parallel_loop3A_317 = arith.constant 16 : i32
          %parallel_loop3A_318 = arith.muli %parallel_loop3A_276, %parallel_loop3A_317 : i32
          %parallel_loop3A_319 = arith.constant 0 : i32
          %parallel_loop3A_320 = arith.constant 4 : i32
          %parallel_loop3A_321 = arith.index_cast %parallel_loop3A_319 : i32 to index
          %parallel_loop3A_322 = arith.index_cast %parallel_loop3A_320 : i32 to index
          %parallel_loop3A_323 = arith.index_cast %parallel_loop3A_318 : i32 to index
          %parallel_loop3A_324 = tpu.vector_load %arg6[%parallel_loop3A_321, %parallel_loop3A_322, %parallel_loop3A_323] {strides = array<i32>} : memref<2x16x512xi32, #tpu.memory_space<vmem>>, vector<16xi32>,
          %parallel_loop3A_325 = arith.constant 16 : i32
          %parallel_loop3A_326 = arith.muli %parallel_loop3A_276, %parallel_loop3A_325 : i32
          %parallel_loop3A_327 = arith.constant 0 : i32
          %parallel_loop3A_328 = arith.constant 5 : i32
          %parallel_loop3A_329 = arith.index_cast %parallel_loop3A_327 : i32 to index
          %parallel_loop3A_330 = arith.index_cast %parallel_loop3A_328 : i32 to index
          %parallel_loop3A_331 = arith.index_cast %parallel_loop3A_326 : i32 to index
          %parallel_loop3A_332 = tpu.vector_load %arg6[%parallel_loop3A_329, %parallel_loop3A_330, %parallel_loop3A_331] {strides = array<i32>} : memref<2x16x512xi32, #tpu.memory_space<vmem>>, vector<16xi32>,
          %parallel_loop3A_333 = arith.constant 16 : i32
          %parallel_loop3A_334 = arith.muli %parallel_loop3A_276, %parallel_loop3A_333 : i32
          %parallel_loop3A_335 = arith.constant 0 : i32
          %parallel_loop3A_336 = arith.constant 6 : i32
          %parallel_loop3A_337 = arith.index_cast %parallel_loop3A_335 : i32 to index
          %parallel_loop3A_338 = arith.index_cast %parallel_loop3A_336 : i32 to index
          %parallel_loop3A_339 = arith.index_cast %parallel_loop3A_334 : i32 to index
          %parallel_loop3A_340 = tpu.vector_load %arg6[%parallel_loop3A_337, %parallel_loop3A_338, %parallel_loop3A_339] {strides = array<i32>} : memref<2x16x512xi32, #tpu.memory_space<vmem>>, vector<16xi32>,
          %parallel_loop3A_341 = arith.constant 16 : i32
          %parallel_loop3A_342 = arith.muli %parallel_loop3A_276, %parallel_loop3A_341 : i32
          %parallel_loop3A_343 = arith.constant 0 : i32
          %parallel_loop3A_344 = arith.constant 7 : i32
          %parallel_loop3A_345 = arith.index_cast %parallel_loop3A_343 : i32 to index
          %parallel_loop3A_346 = arith.index_cast %parallel_loop3A_344 : i32 to index
          %parallel_loop3A_347 = arith.index_cast %parallel_loop3A_342 : i32 to index
          %parallel_loop3A_348 = tpu.vector_load %arg6[%parallel_loop3A_345, %parallel_loop3A_346, %parallel_loop3A_347] {strides = array<i32>} : memref<2x16x512xi32, #tpu.memory_space<vmem>>, vector<16xi32>,
          %parallel_loop3A_349 = arith.constant 15 : i32
          %parallel_loop3A_350 = vector.broadcast %parallel_loop3A_349 : i32 to vector<16xi32>
          %parallel_loop3A_351 = arith.shrui %parallel_loop3A_292, %parallel_loop3A_350 : vector<16xi32>
          %parallel_loop3A_352 = vector.bitcast %parallel_loop3A_351 : vector<16xi32> to vector<16xi32>
          %parallel_loop3A_353 = arith.constant 15 : i32
          %parallel_loop3A_354 = vector.broadcast %parallel_loop3A_353 : i32 to vector<16xi32>
          %parallel_loop3A_355 = arith.shrui %parallel_loop3A_300, %parallel_loop3A_354 : vector<16xi32>
          %parallel_loop3A_356 = vector.bitcast %parallel_loop3A_355 : vector<16xi32> to vector<16xi32>
          %parallel_loop3A_357 = arith.constant 15 : i32
          %parallel_loop3A_358 = vector.broadcast %parallel_loop3A_357 : i32 to vector<16xi32>
          %parallel_loop3A_359 = arith.shrui %parallel_loop3A_308, %parallel_loop3A_358 : vector<16xi32>
          %parallel_loop3A_360 = vector.bitcast %parallel_loop3A_359 : vector<16xi32> to vector<16xi32>
          %parallel_loop3A_361 = arith.constant 15 : i32
          %parallel_loop3A_362 = vector.broadcast %parallel_loop3A_361 : i32 to vector<16xi32>
          %parallel_loop3A_363 = arith.shrui %parallel_loop3A_316, %parallel_loop3A_362 : vector<16xi32>
          %parallel_loop3A_364 = vector.bitcast %parallel_loop3A_363 : vector<16xi32> to vector<16xi32>
          %parallel_loop3A_365 = arith.constant 15 : i32
          %parallel_loop3A_366 = vector.broadcast %parallel_loop3A_365 : i32 to vector<16xi32>
          %parallel_loop3A_367 = arith.shrui %parallel_loop3A_324, %parallel_loop3A_366 : vector<16xi32>
          %parallel_loop3A_368 = vector.bitcast %parallel_loop3A_367 : vector<16xi32> to vector<16xi32>
          %parallel_loop3A_369 = arith.constant 15 : i32
          %parallel_loop3A_370 = vector.broadcast %parallel_loop3A_369 : i32 to vector<16xi32>
          %parallel_loop3A_371 = arith.shrui %parallel_loop3A_332, %parallel_loop3A_370 : vector<16xi32>
          %parallel_loop3A_372 = vector.bitcast %parallel_loop3A_371 : vector<16xi32> to vector<16xi32>
          %parallel_loop3A_373 = arith.constant 15 : i32
          %parallel_loop3A_374 = vector.broadcast %parallel_loop3A_373 : i32 to vector<16xi32>
          %parallel_loop3A_375 = arith.shrui %parallel_loop3A_340, %parallel_loop3A_374 : vector<16xi32>
          %parallel_loop3A_376 = vector.bitcast %parallel_loop3A_375 : vector<16xi32> to vector<16xi32>
          %parallel_loop3A_377 = arith.constant 15 : i32
          %parallel_loop3A_378 = vector.broadcast %parallel_loop3A_377 : i32 to vector<16xi32>
          %parallel_loop3A_379 = arith.shrui %parallel_loop3A_348, %parallel_loop3A_378 : vector<16xi32>
          %parallel_loop3A_380 = vector.bitcast %parallel_loop3A_379 : vector<16xi32> to vector<16xi32>
          %parallel_loop3A_381 = arith.constant 17 : i32
          %parallel_loop3A_382 = vector.broadcast %parallel_loop3A_381 : i32 to vector<16xi32>
          %parallel_loop3A_383 = arith.shli %parallel_loop3A_292, %parallel_loop3A_382 : vector<16xi32>
          %parallel_loop3A_384 = vector.bitcast %parallel_loop3A_383 : vector<16xi32> to vector<16xf32>
          %parallel_loop3A_385 = arith.constant 17 : i32
          %parallel_loop3A_386 = vector.broadcast %parallel_loop3A_385 : i32 to vector<16xi32>
          %parallel_loop3A_387 = arith.shli %parallel_loop3A_300, %parallel_loop3A_386 : vector<16xi32>
          %parallel_loop3A_388 = vector.bitcast %parallel_loop3A_387 : vector<16xi32> to vector<16xf32>
          %parallel_loop3A_389 = arith.constant 17 : i32
          %parallel_loop3A_390 = vector.broadcast %parallel_loop3A_389 : i32 to vector<16xi32>
          %parallel_loop3A_391 = arith.shli %parallel_loop3A_308, %parallel_loop3A_390 : vector<16xi32>
          %parallel_loop3A_392 = vector.bitcast %parallel_loop3A_391 : vector<16xi32> to vector<16xf32>
          %parallel_loop3A_393 = arith.constant 17 : i32
          %parallel_loop3A_394 = vector.broadcast %parallel_loop3A_393 : i32 to vector<16xi32>
          %parallel_loop3A_395 = arith.shli %parallel_loop3A_316, %parallel_loop3A_394 : vector<16xi32>
          %parallel_loop3A_396 = vector.bitcast %parallel_loop3A_395 : vector<16xi32> to vector<16xf32>
          %parallel_loop3A_397 = arith.constant 17 : i32
          %parallel_loop3A_398 = vector.broadcast %parallel_loop3A_397 : i32 to vector<16xi32>
          %parallel_loop3A_399 = arith.shli %parallel_loop3A_324, %parallel_loop3A_398 : vector<16xi32>
          %parallel_loop3A_400 = vector.bitcast %parallel_loop3A_399 : vector<16xi32> to vector<16xf32>
          %parallel_loop3A_401 = arith.constant 17 : i32
          %parallel_loop3A_402 = vector.broadcast %parallel_loop3A_401 : i32 to vector<16xi32>
          %parallel_loop3A_403 = arith.shli %parallel_loop3A_332, %parallel_loop3A_402 : vector<16xi32>
          %parallel_loop3A_404 = vector.bitcast %parallel_loop3A_403 : vector<16xi32> to vector<16xf32>
          %parallel_loop3A_405 = arith.constant 17 : i32
          %parallel_loop3A_406 = vector.broadcast %parallel_loop3A_405 : i32 to vector<16xi32>
          %parallel_loop3A_407 = arith.shli %parallel_loop3A_340, %parallel_loop3A_406 : vector<16xi32>
          %parallel_loop3A_408 = vector.bitcast %parallel_loop3A_407 : vector<16xi32> to vector<16xf32>
          %parallel_loop3A_409 = arith.constant 17 : i32
          %parallel_loop3A_410 = vector.broadcast %parallel_loop3A_409 : i32 to vector<16xi32>
          %parallel_loop3A_411 = arith.shli %parallel_loop3A_348, %parallel_loop3A_410 : vector<16xi32>
          %parallel_loop3A_412 = vector.bitcast %parallel_loop3A_411 : vector<16xi32> to vector<16xf32>
          %parallel_loop3A_413 = tpu.vector_load_idx %arg5[%parallel_loop3A_352] : memref<100000xf32, #tpu.memory_space<vmem>>[vector<16xi32>], vector<16xf32>,
          %parallel_loop3A_414 = tpu.vector_load_idx %arg5[%parallel_loop3A_356] : memref<100000xf32, #tpu.memory_space<vmem>>[vector<16xi32>], vector<16xf32>,
          %parallel_loop3A_415 = tpu.vector_load_idx %arg5[%parallel_loop3A_360] : memref<100000xf32, #tpu.memory_space<vmem>>[vector<16xi32>], vector<16xf32>,
          %parallel_loop3A_416 = tpu.vector_load_idx %arg5[%parallel_loop3A_364] : memref<100000xf32, #tpu.memory_space<vmem>>[vector<16xi32>], vector<16xf32>,
          %parallel_loop3A_417 = tpu.vector_load_idx %arg5[%parallel_loop3A_368] : memref<100000xf32, #tpu.memory_space<vmem>>[vector<16xi32>], vector<16xf32>,
          %parallel_loop3A_418 = tpu.vector_load_idx %arg5[%parallel_loop3A_372] : memref<100000xf32, #tpu.memory_space<vmem>>[vector<16xi32>], vector<16xf32>,
          %parallel_loop3A_419 = tpu.vector_load_idx %arg5[%parallel_loop3A_376] : memref<100000xf32, #tpu.memory_space<vmem>>[vector<16xi32>], vector<16xf32>,
          %parallel_loop3A_420 = tpu.vector_load_idx %arg5[%parallel_loop3A_380] : memref<100000xf32, #tpu.memory_space<vmem>>[vector<16xi32>], vector<16xf32>,
          %parallel_loop3A_421 = arith.mulf %parallel_loop3A_413, %parallel_loop3A_384 : vector<16xf32>
          %parallel_loop3A_422 = arith.addf %parallel_loop3A_278, %parallel_loop3A_421 : vector<16xf32>
          %parallel_loop3A_423 = arith.mulf %parallel_loop3A_414, %parallel_loop3A_388 : vector<16xf32>
          %parallel_loop3A_424 = arith.addf %parallel_loop3A_280, %parallel_loop3A_423 : vector<16xf32>
          %parallel_loop3A_425 = arith.mulf %parallel_loop3A_415, %parallel_loop3A_392 : vector<16xf32>
          %parallel_loop3A_426 = arith.addf %parallel_loop3A_282, %parallel_loop3A_425 : vector<16xf32>
          %parallel_loop3A_427 = arith.mulf %parallel_loop3A_416, %parallel_loop3A_396 : vector<16xf32>
          %parallel_loop3A_428 = arith.addf %parallel_loop3A_284, %parallel_loop3A_427 : vector<16xf32>
          %parallel_loop3A_429 = arith.mulf %parallel_loop3A_417, %parallel_loop3A_400 : vector<16xf32>
          %parallel_loop3A_430 = arith.addf %parallel_loop3A_422, %parallel_loop3A_429 : vector<16xf32>
          %parallel_loop3A_431 = arith.mulf %parallel_loop3A_418, %parallel_loop3A_404 : vector<16xf32>
          %parallel_loop3A_432 = arith.addf %parallel_loop3A_424, %parallel_loop3A_431 : vector<16xf32>
          %parallel_loop3A_433 = arith.mulf %parallel_loop3A_419, %parallel_loop3A_408 : vector<16xf32>
          %parallel_loop3A_434 = arith.addf %parallel_loop3A_426, %parallel_loop3A_433 : vector<16xf32>
          %parallel_loop3A_435 = arith.mulf %parallel_loop3A_420, %parallel_loop3A_412 : vector<16xf32>
          %parallel_loop3A_436 = arith.addf %parallel_loop3A_428, %parallel_loop3A_435 : vector<16xf32>
          %parallel_loop3A_437 = arith.constant 16 : i32
          %parallel_loop3A_438 = arith.muli %parallel_loop3A_276, %parallel_loop3A_437 : i32
          %parallel_loop3A_439 = arith.constant 0 : i32
          %parallel_loop3A_440 = arith.constant 8 : i32
          %parallel_loop3A_441 = arith.index_cast %parallel_loop3A_439 : i32 to index
          %parallel_loop3A_442 = arith.index_cast %parallel_loop3A_440 : i32 to index
          %parallel_loop3A_443 = arith.index_cast %parallel_loop3A_438 : i32 to index
          %parallel_loop3A_444 = tpu.vector_load %arg6[%parallel_loop3A_441, %parallel_loop3A_442, %parallel_loop3A_443] {strides = array<i32>} : memref<2x16x512xi32, #tpu.memory_space<vmem>>, vector<16xi32>,
          %parallel_loop3A_445 = arith.constant 16 : i32
          %parallel_loop3A_446 = arith.muli %parallel_loop3A_276, %parallel_loop3A_445 : i32
          %parallel_loop3A_447 = arith.constant 0 : i32
          %parallel_loop3A_448 = arith.constant 9 : i32
          %parallel_loop3A_449 = arith.index_cast %parallel_loop3A_447 : i32 to index
          %parallel_loop3A_450 = arith.index_cast %parallel_loop3A_448 : i32 to index
          %parallel_loop3A_451 = arith.index_cast %parallel_loop3A_446 : i32 to index
          %parallel_loop3A_452 = tpu.vector_load %arg6[%parallel_loop3A_449, %parallel_loop3A_450, %parallel_loop3A_451] {strides = array<i32>} : memref<2x16x512xi32, #tpu.memory_space<vmem>>, vector<16xi32>,
          %parallel_loop3A_453 = arith.constant 16 : i32
          %parallel_loop3A_454 = arith.muli %parallel_loop3A_276, %parallel_loop3A_453 : i32
          %parallel_loop3A_455 = arith.constant 0 : i32
          %parallel_loop3A_456 = arith.constant 10 : i32
          %parallel_loop3A_457 = arith.index_cast %parallel_loop3A_455 : i32 to index
          %parallel_loop3A_458 = arith.index_cast %parallel_loop3A_456 : i32 to index
          %parallel_loop3A_459 = arith.index_cast %parallel_loop3A_454 : i32 to index
          %parallel_loop3A_460 = tpu.vector_load %arg6[%parallel_loop3A_457, %parallel_loop3A_458, %parallel_loop3A_459] {strides = array<i32>} : memref<2x16x512xi32, #tpu.memory_space<vmem>>, vector<16xi32>,
          %parallel_loop3A_461 = arith.constant 16 : i32
          %parallel_loop3A_462 = arith.muli %parallel_loop3A_276, %parallel_loop3A_461 : i32
          %parallel_loop3A_463 = arith.constant 0 : i32
          %parallel_loop3A_464 = arith.constant 11 : i32
          %parallel_loop3A_465 = arith.index_cast %parallel_loop3A_463 : i32 to index
          %parallel_loop3A_466 = arith.index_cast %parallel_loop3A_464 : i32 to index
          %parallel_loop3A_467 = arith.index_cast %parallel_loop3A_462 : i32 to index
          %parallel_loop3A_468 = tpu.vector_load %arg6[%parallel_loop3A_465, %parallel_loop3A_466, %parallel_loop3A_467] {strides = array<i32>} : memref<2x16x512xi32, #tpu.memory_space<vmem>>, vector<16xi32>,
          %parallel_loop3A_469 = arith.constant 16 : i32
          %parallel_loop3A_470 = arith.muli %parallel_loop3A_276, %parallel_loop3A_469 : i32
          %parallel_loop3A_471 = arith.constant 0 : i32
          %parallel_loop3A_472 = arith.constant 12 : i32
          %parallel_loop3A_473 = arith.index_cast %parallel_loop3A_471 : i32 to index
          %parallel_loop3A_474 = arith.index_cast %parallel_loop3A_472 : i32 to index
          %parallel_loop3A_475 = arith.index_cast %parallel_loop3A_470 : i32 to index
          %parallel_loop3A_476 = tpu.vector_load %arg6[%parallel_loop3A_473, %parallel_loop3A_474, %parallel_loop3A_475] {strides = array<i32>} : memref<2x16x512xi32, #tpu.memory_space<vmem>>, vector<16xi32>,
          %parallel_loop3A_477 = arith.constant 16 : i32
          %parallel_loop3A_478 = arith.muli %parallel_loop3A_276, %parallel_loop3A_477 : i32
          %parallel_loop3A_479 = arith.constant 0 : i32
          %parallel_loop3A_480 = arith.constant 13 : i32
          %parallel_loop3A_481 = arith.index_cast %parallel_loop3A_479 : i32 to index
          %parallel_loop3A_482 = arith.index_cast %parallel_loop3A_480 : i32 to index
          %parallel_loop3A_483 = arith.index_cast %parallel_loop3A_478 : i32 to index
          %parallel_loop3A_484 = tpu.vector_load %arg6[%parallel_loop3A_481, %parallel_loop3A_482, %parallel_loop3A_483] {strides = array<i32>} : memref<2x16x512xi32, #tpu.memory_space<vmem>>, vector<16xi32>,
          %parallel_loop3A_485 = arith.constant 16 : i32
          %parallel_loop3A_486 = arith.muli %parallel_loop3A_276, %parallel_loop3A_485 : i32
          %parallel_loop3A_487 = arith.constant 0 : i32
          %parallel_loop3A_488 = arith.constant 14 : i32
          %parallel_loop3A_489 = arith.index_cast %parallel_loop3A_487 : i32 to index
          %parallel_loop3A_490 = arith.index_cast %parallel_loop3A_488 : i32 to index
          %parallel_loop3A_491 = arith.index_cast %parallel_loop3A_486 : i32 to index
          %parallel_loop3A_492 = tpu.vector_load %arg6[%parallel_loop3A_489, %parallel_loop3A_490, %parallel_loop3A_491] {strides = array<i32>} : memref<2x16x512xi32, #tpu.memory_space<vmem>>, vector<16xi32>,
          %parallel_loop3A_493 = arith.constant 16 : i32
          %parallel_loop3A_494 = arith.muli %parallel_loop3A_276, %parallel_loop3A_493 : i32
          %parallel_loop3A_495 = arith.constant 0 : i32
          %parallel_loop3A_496 = arith.constant 15 : i32
          %parallel_loop3A_497 = arith.index_cast %parallel_loop3A_495 : i32 to index
          %parallel_loop3A_498 = arith.index_cast %parallel_loop3A_496 : i32 to index
          %parallel_loop3A_499 = arith.index_cast %parallel_loop3A_494 : i32 to index
          %parallel_loop3A_500 = tpu.vector_load %arg6[%parallel_loop3A_497, %parallel_loop3A_498, %parallel_loop3A_499] {strides = array<i32>} : memref<2x16x512xi32, #tpu.memory_space<vmem>>, vector<16xi32>,
          %parallel_loop3A_501 = arith.constant 15 : i32
          %parallel_loop3A_502 = vector.broadcast %parallel_loop3A_501 : i32 to vector<16xi32>
          %parallel_loop3A_503 = arith.shrui %parallel_loop3A_444, %parallel_loop3A_502 : vector<16xi32>
          %parallel_loop3A_504 = vector.bitcast %parallel_loop3A_503 : vector<16xi32> to vector<16xi32>
          %parallel_loop3A_505 = arith.constant 15 : i32
          %parallel_loop3A_506 = vector.broadcast %parallel_loop3A_505 : i32 to vector<16xi32>
          %parallel_loop3A_507 = arith.shrui %parallel_loop3A_452, %parallel_loop3A_506 : vector<16xi32>
          %parallel_loop3A_508 = vector.bitcast %parallel_loop3A_507 : vector<16xi32> to vector<16xi32>
          %parallel_loop3A_509 = arith.constant 15 : i32
          %parallel_loop3A_510 = vector.broadcast %parallel_loop3A_509 : i32 to vector<16xi32>
          %parallel_loop3A_511 = arith.shrui %parallel_loop3A_460, %parallel_loop3A_510 : vector<16xi32>
          %parallel_loop3A_512 = vector.bitcast %parallel_loop3A_511 : vector<16xi32> to vector<16xi32>
          %parallel_loop3A_513 = arith.constant 15 : i32
          %parallel_loop3A_514 = vector.broadcast %parallel_loop3A_513 : i32 to vector<16xi32>
          %parallel_loop3A_515 = arith.shrui %parallel_loop3A_468, %parallel_loop3A_514 : vector<16xi32>
          %parallel_loop3A_516 = vector.bitcast %parallel_loop3A_515 : vector<16xi32> to vector<16xi32>
          %parallel_loop3A_517 = arith.constant 15 : i32
          %parallel_loop3A_518 = vector.broadcast %parallel_loop3A_517 : i32 to vector<16xi32>
          %parallel_loop3A_519 = arith.shrui %parallel_loop3A_476, %parallel_loop3A_518 : vector<16xi32>
          %parallel_loop3A_520 = vector.bitcast %parallel_loop3A_519 : vector<16xi32> to vector<16xi32>
          %parallel_loop3A_521 = arith.constant 15 : i32
          %parallel_loop3A_522 = vector.broadcast %parallel_loop3A_521 : i32 to vector<16xi32>
          %parallel_loop3A_523 = arith.shrui %parallel_loop3A_484, %parallel_loop3A_522 : vector<16xi32>
          %parallel_loop3A_524 = vector.bitcast %parallel_loop3A_523 : vector<16xi32> to vector<16xi32>
          %parallel_loop3A_525 = arith.constant 15 : i32
          %parallel_loop3A_526 = vector.broadcast %parallel_loop3A_525 : i32 to vector<16xi32>
          %parallel_loop3A_527 = arith.shrui %parallel_loop3A_492, %parallel_loop3A_526 : vector<16xi32>
          %parallel_loop3A_528 = vector.bitcast %parallel_loop3A_527 : vector<16xi32> to vector<16xi32>
          %parallel_loop3A_529 = arith.constant 15 : i32
          %parallel_loop3A_530 = vector.broadcast %parallel_loop3A_529 : i32 to vector<16xi32>
          %parallel_loop3A_531 = arith.shrui %parallel_loop3A_500, %parallel_loop3A_530 : vector<16xi32>
          %parallel_loop3A_532 = vector.bitcast %parallel_loop3A_531 : vector<16xi32> to vector<16xi32>
          %parallel_loop3A_533 = arith.constant 17 : i32
          %parallel_loop3A_534 = vector.broadcast %parallel_loop3A_533 : i32 to vector<16xi32>
          %parallel_loop3A_535 = arith.shli %parallel_loop3A_444, %parallel_loop3A_534 : vector<16xi32>
          %parallel_loop3A_536 = vector.bitcast %parallel_loop3A_535 : vector<16xi32> to vector<16xf32>
          %parallel_loop3A_537 = arith.constant 17 : i32
          %parallel_loop3A_538 = vector.broadcast %parallel_loop3A_537 : i32 to vector<16xi32>
          %parallel_loop3A_539 = arith.shli %parallel_loop3A_452, %parallel_loop3A_538 : vector<16xi32>
          %parallel_loop3A_540 = vector.bitcast %parallel_loop3A_539 : vector<16xi32> to vector<16xf32>
          %parallel_loop3A_541 = arith.constant 17 : i32
          %parallel_loop3A_542 = vector.broadcast %parallel_loop3A_541 : i32 to vector<16xi32>
          %parallel_loop3A_543 = arith.shli %parallel_loop3A_460, %parallel_loop3A_542 : vector<16xi32>
          %parallel_loop3A_544 = vector.bitcast %parallel_loop3A_543 : vector<16xi32> to vector<16xf32>
          %parallel_loop3A_545 = arith.constant 17 : i32
          %parallel_loop3A_546 = vector.broadcast %parallel_loop3A_545 : i32 to vector<16xi32>
          %parallel_loop3A_547 = arith.shli %parallel_loop3A_468, %parallel_loop3A_546 : vector<16xi32>
          %parallel_loop3A_548 = vector.bitcast %parallel_loop3A_547 : vector<16xi32> to vector<16xf32>
          %parallel_loop3A_549 = arith.constant 17 : i32
          %parallel_loop3A_550 = vector.broadcast %parallel_loop3A_549 : i32 to vector<16xi32>
          %parallel_loop3A_551 = arith.shli %parallel_loop3A_476, %parallel_loop3A_550 : vector<16xi32>
          %parallel_loop3A_552 = vector.bitcast %parallel_loop3A_551 : vector<16xi32> to vector<16xf32>
          %parallel_loop3A_553 = arith.constant 17 : i32
          %parallel_loop3A_554 = vector.broadcast %parallel_loop3A_553 : i32 to vector<16xi32>
          %parallel_loop3A_555 = arith.shli %parallel_loop3A_484, %parallel_loop3A_554 : vector<16xi32>
          %parallel_loop3A_556 = vector.bitcast %parallel_loop3A_555 : vector<16xi32> to vector<16xf32>
          %parallel_loop3A_557 = arith.constant 17 : i32
          %parallel_loop3A_558 = vector.broadcast %parallel_loop3A_557 : i32 to vector<16xi32>
          %parallel_loop3A_559 = arith.shli %parallel_loop3A_492, %parallel_loop3A_558 : vector<16xi32>
          %parallel_loop3A_560 = vector.bitcast %parallel_loop3A_559 : vector<16xi32> to vector<16xf32>
          %parallel_loop3A_561 = arith.constant 17 : i32
          %parallel_loop3A_562 = vector.broadcast %parallel_loop3A_561 : i32 to vector<16xi32>
          %parallel_loop3A_563 = arith.shli %parallel_loop3A_500, %parallel_loop3A_562 : vector<16xi32>
          %parallel_loop3A_564 = vector.bitcast %parallel_loop3A_563 : vector<16xi32> to vector<16xf32>
          %parallel_loop3A_565 = tpu.vector_load_idx %arg5[%parallel_loop3A_504] : memref<100000xf32, #tpu.memory_space<vmem>>[vector<16xi32>], vector<16xf32>,
          %parallel_loop3A_566 = tpu.vector_load_idx %arg5[%parallel_loop3A_508] : memref<100000xf32, #tpu.memory_space<vmem>>[vector<16xi32>], vector<16xf32>,
          %parallel_loop3A_567 = tpu.vector_load_idx %arg5[%parallel_loop3A_512] : memref<100000xf32, #tpu.memory_space<vmem>>[vector<16xi32>], vector<16xf32>,
          %parallel_loop3A_568 = tpu.vector_load_idx %arg5[%parallel_loop3A_516] : memref<100000xf32, #tpu.memory_space<vmem>>[vector<16xi32>], vector<16xf32>,
          %parallel_loop3A_569 = tpu.vector_load_idx %arg5[%parallel_loop3A_520] : memref<100000xf32, #tpu.memory_space<vmem>>[vector<16xi32>], vector<16xf32>,
          %parallel_loop3A_570 = tpu.vector_load_idx %arg5[%parallel_loop3A_524] : memref<100000xf32, #tpu.memory_space<vmem>>[vector<16xi32>], vector<16xf32>,
          %parallel_loop3A_571 = tpu.vector_load_idx %arg5[%parallel_loop3A_528] : memref<100000xf32, #tpu.memory_space<vmem>>[vector<16xi32>], vector<16xf32>,
          %parallel_loop3A_572 = tpu.vector_load_idx %arg5[%parallel_loop3A_532] : memref<100000xf32, #tpu.memory_space<vmem>>[vector<16xi32>], vector<16xf32>,
          %parallel_loop3A_573 = arith.mulf %parallel_loop3A_565, %parallel_loop3A_536 : vector<16xf32>
          %parallel_loop3A_574 = arith.addf %parallel_loop3A_430, %parallel_loop3A_573 : vector<16xf32>
          %parallel_loop3A_575 = arith.mulf %parallel_loop3A_566, %parallel_loop3A_540 : vector<16xf32>
          %parallel_loop3A_576 = arith.addf %parallel_loop3A_432, %parallel_loop3A_575 : vector<16xf32>
          %parallel_loop3A_577 = arith.mulf %parallel_loop3A_567, %parallel_loop3A_544 : vector<16xf32>
          %parallel_loop3A_578 = arith.addf %parallel_loop3A_434, %parallel_loop3A_577 : vector<16xf32>
          %parallel_loop3A_579 = arith.mulf %parallel_loop3A_568, %parallel_loop3A_548 : vector<16xf32>
          %parallel_loop3A_580 = arith.addf %parallel_loop3A_436, %parallel_loop3A_579 : vector<16xf32>
          %parallel_loop3A_581 = arith.mulf %parallel_loop3A_569, %parallel_loop3A_552 : vector<16xf32>
          %parallel_loop3A_582 = arith.addf %parallel_loop3A_574, %parallel_loop3A_581 : vector<16xf32>
          %parallel_loop3A_583 = arith.mulf %parallel_loop3A_570, %parallel_loop3A_556 : vector<16xf32>
          %parallel_loop3A_584 = arith.addf %parallel_loop3A_576, %parallel_loop3A_583 : vector<16xf32>
          %parallel_loop3A_585 = arith.mulf %parallel_loop3A_571, %parallel_loop3A_560 : vector<16xf32>
          %parallel_loop3A_586 = arith.addf %parallel_loop3A_578, %parallel_loop3A_585 : vector<16xf32>
          %parallel_loop3A_587 = arith.mulf %parallel_loop3A_572, %parallel_loop3A_564 : vector<16xf32>
          %parallel_loop3A_588 = arith.addf %parallel_loop3A_580, %parallel_loop3A_587 : vector<16xf32>
          %parallel_loop3A_589 = arith.addf %parallel_loop3A_582, %parallel_loop3A_584 : vector<16xf32>
          %parallel_loop3A_590 = arith.addf %parallel_loop3A_586, %parallel_loop3A_588 : vector<16xf32>
          %parallel_loop3A_591 = arith.addf %parallel_loop3A_589, %parallel_loop3A_590 : vector<16xf32>
          %parallel_loop3A_592 = arith.constant 512 : i32
          %parallel_loop3A_593 = arith.muli %mul3A_168, %parallel_loop3A_592 : i32
          %parallel_loop3A_594 = arith.constant 16 : i32
          %parallel_loop3A_595 = arith.muli %parallel_loop3A_276, %parallel_loop3A_594 : i32
          %parallel_loop3A_596 = arith.addi %parallel_loop3A_593, %parallel_loop3A_595 : i32
          %parallel_loop3A_597 = arith.constant 1 : i32
          %parallel_loop3A_598 = arith.index_cast %parallel_loop3A_597 : i32 to index
          %parallel_loop3A_599 = arith.index_cast %parallel_loop3A_596 : i32 to index
          %parallel_loop3A_600 = tpu.vector_load %arg7[%parallel_loop3A_598, %parallel_loop3A_599] {strides = array<i32>} : memref<2x2048xf32, #tpu.memory_space<vmem>>, vector<16xf32>,
          tpu.vector_store %arg7[%parallel_loop3A_598, %parallel_loop3A_599], %parallel_loop3A_591 {strides = array<i32>} : memref<2x2048xf32, #tpu.memory_space<vmem>>, vector<16xf32>,
        } {sc.loop_unroll_factor = 2 : i64, sc.parallel_access}
        %add3A_189 = arith.constant 2 : i32
        %add3A_190 = arith.addi %mul3A_168, %add3A_189 : i32
        %jit3A = arith.constant 4 : i32
        %eq3A_191 = arith.constant 0 : i32
        %eq3A_192 = arith.cmpi eq, %jit3A, %eq3A_191 : i32
        %jit3A_193 = arith.constant 1 : i32
        %select_n3A = arith.select %eq3A_192, %jit3A_193, %jit3A : i32
        %rem3A = arith.remsi %add3A_190, %select_n3A : i32
        %ne3A = arith.constant 0 : i32
        %ne3A_194 = arith.cmpi ne, %rem3A, %ne3A : i32
        %lt3A = arith.constant 0 : i32
        %lt3A_195 = arith.cmpi slt, %rem3A, %lt3A : i32
        %lt3A_196 = arith.constant 0 : i32
        %lt3A_197 = arith.cmpi slt, %select_n3A, %lt3A_196 : i32
        %ne3A_198 = arith.xori %lt3A_195, %lt3A_197 : i1
        %and3A = arith.andi %ne3A_198, %ne3A_194 : i1
        %add3A_199 = arith.addi %rem3A, %select_n3A : i32
        %select_n3A_200 = arith.select %and3A, %add3A_199, %rem3A : i32
        %dma_start3A_201 = arith.constant 0 : i32
        %dma_start3A_202 = arith.constant 0 : i32
        %dma_start3A_203 = arith.constant 0 : i32
        %dma_start3A_204 = tpu.memref_slice %arg6[%dma_start3A_201, %dma_start3A_202, %dma_start3A_203] : memref<2x16x512xi32, #tpu.memory_space<vmem>> -> memref<1x16x512xi32, #tpu.memory_space<vmem>>
        %dma_start3A_205 = tpu.memref_squeeze %dma_start3A_204 : memref<1x16x512xi32, #tpu.memory_space<vmem>> -> memref<16x512xi32, #tpu.memory_space<vmem>>
        %dma_start3A_206 = arith.constant 0 : i32
        %dma_start3A_207 = arith.constant 0 : i32
        %dma_start3A_208 = tpu.memref_slice %arg8[%select_n3A_200, %dma_start3A_206, %dma_start3A_207] : memref<4x16x512xi32, #tpu.memory_space<vmem_shared>> -> memref<1x16x512xi32, #tpu.memory_space<vmem_shared>>
        %dma_start3A_209 = tpu.memref_squeeze %dma_start3A_208 : memref<1x16x512xi32, #tpu.memory_space<vmem_shared>> -> memref<16x512xi32, #tpu.memory_space<vmem_shared>>
        %dma_start3A_210 = arith.constant 0 : i32
        %dma_start3A_211 = arith.constant 0 : i32
        %dma_start3A_212 = tpu.memref_slice %arg6[%dma_start3A_201, %dma_start3A_210, %dma_start3A_211] : memref<2x16x512xi32, #tpu.memory_space<vmem>> -> memref<1x16x512xi32, #tpu.memory_space<vmem>>
        %dma_start3A_213 = tpu.memref_squeeze %dma_start3A_212 : memref<1x16x512xi32, #tpu.memory_space<vmem>> -> memref<16x512xi32, #tpu.memory_space<vmem>>
        %dma_start3A_214 = arith.constant 0 : i32
        %dma_start3A_215 = arith.constant 0 : i32
        %dma_start3A_216 = tpu.memref_slice %arg8[%select_n3A_200, %dma_start3A_214, %dma_start3A_215] : memref<4x16x512xi32, #tpu.memory_space<vmem_shared>> -> memref<1x16x512xi32, #tpu.memory_space<vmem_shared>>
        %dma_start3A_217 = tpu.memref_squeeze %dma_start3A_216 : memref<1x16x512xi32, #tpu.memory_space<vmem_shared>> -> memref<16x512xi32, #tpu.memory_space<vmem_shared>>
        tpu.enqueue_dma source(%dma_start3A_217 : memref<16x512xi32, #tpu.memory_space<vmem_shared>>) target(%dma_start3A_213 : memref<16x512xi32, #tpu.memory_space<vmem>>) target_semaphore(%arg9 : memref<!tpu.dma_semaphore, #tpu.memory_space<semaphore_mem>>)
        %add3A_218 = arith.constant 1 : i32
        %add3A_219 = arith.addi %mul3A_168, %add3A_218 : i32
        %dma_wait3A_220 = arith.constant 0 : i32
        %dma_wait3A_221 = arith.constant 1 : i32
        %dma_wait3A_222 = arith.constant 0 : i32
        %dma_wait3A_223 = arith.constant 0 : i32
        %dma_wait3A_224 = tpu.memref_slice %arg6[%dma_wait3A_221, %dma_wait3A_222, %dma_wait3A_223] : memref<2x16x512xi32, #tpu.memory_space<vmem>> -> memref<1x16x512xi32, #tpu.memory_space<vmem>>
        %dma_wait3A_225 = tpu.memref_squeeze %dma_wait3A_224 : memref<1x16x512xi32, #tpu.memory_space<vmem>> -> memref<16x512xi32, #tpu.memory_space<vmem>>
        %dma_wait3A_226 = arith.constant 0 : i32
        %dma_wait3A_227 = arith.constant 0 : i32
        %dma_wait3A_228 = tpu.memref_slice %arg8[%dma_wait3A_220, %dma_wait3A_226, %dma_wait3A_227] : memref<4x16x512xi32, #tpu.memory_space<vmem_shared>> -> memref<1x16x512xi32, #tpu.memory_space<vmem_shared>>
        %dma_wait3A_229 = tpu.memref_squeeze %dma_wait3A_228 : memref<1x16x512xi32, #tpu.memory_space<vmem_shared>> -> memref<16x512xi32, #tpu.memory_space<vmem_shared>>
        %dma_wait3A_230 = arith.constant 0 : i32
        %dma_wait3A_231 = arith.constant 0 : i32
        %dma_wait3A_232 = tpu.memref_slice %arg6[%dma_wait3A_221, %dma_wait3A_230, %dma_wait3A_231] : memref<2x16x512xi32, #tpu.memory_space<vmem>> -> memref<1x16x512xi32, #tpu.memory_space<vmem>>
        %dma_wait3A_233 = tpu.memref_squeeze %dma_wait3A_232 : memref<1x16x512xi32, #tpu.memory_space<vmem>> -> memref<16x512xi32, #tpu.memory_space<vmem>>
        %dma_wait3A_234 = arith.constant 0 : i32
        %dma_wait3A_235 = arith.constant 0 : i32
        %dma_wait3A_236 = tpu.memref_slice %arg8[%dma_wait3A_220, %dma_wait3A_234, %dma_wait3A_235] : memref<4x16x512xi32, #tpu.memory_space<vmem_shared>> -> memref<1x16x512xi32, #tpu.memory_space<vmem_shared>>
        %dma_wait3A_237 = tpu.memref_squeeze %dma_wait3A_236 : memref<1x16x512xi32, #tpu.memory_space<vmem_shared>> -> memref<16x512xi32, #tpu.memory_space<vmem_shared>>
        tpu.wait_dma2 semaphore(%arg10 : memref<!tpu.dma_semaphore, #tpu.memory_space<semaphore_mem>>) src(%dma_wait3A_237 : memref<16x512xi32, #tpu.memory_space<vmem_shared>>) dst(%dma_wait3A_233 : memref<16x512xi32, #tpu.memory_space<vmem>>)
        %parallel_loop3A_238 = arith.constant 0 : i32
        %parallel_loop3A_239 = arith.constant 32 : i32
        %parallel_loop3A_240 = arith.constant 1 : i32
        scf.for %parallel_loop3A_276 = %parallel_loop3A_238 to %parallel_loop3A_239 step %parallel_loop3A_240  : i32 {
          %parallel_loop3A_277 = arith.constant 0.000000e+00 : f32
          %parallel_loop3A_278 = vector.broadcast %parallel_loop3A_277 : f32 to vector<16xf32>
          %parallel_loop3A_279 = arith.constant 0.000000e+00 : f32
          %parallel_loop3A_280 = vector.broadcast %parallel_loop3A_279 : f32 to vector<16xf32>
          %parallel_loop3A_281 = arith.constant 0.000000e+00 : f32
          %parallel_loop3A_282 = vector.broadcast %parallel_loop3A_281 : f32 to vector<16xf32>
          %parallel_loop3A_283 = arith.constant 0.000000e+00 : f32
          %parallel_loop3A_284 = vector.broadcast %parallel_loop3A_283 : f32 to vector<16xf32>
          %parallel_loop3A_285 = arith.constant 16 : i32
          %parallel_loop3A_286 = arith.muli %parallel_loop3A_276, %parallel_loop3A_285 : i32
          %parallel_loop3A_287 = arith.constant 1 : i32
          %parallel_loop3A_288 = arith.constant 0 : i32
          %parallel_loop3A_289 = arith.index_cast %parallel_loop3A_287 : i32 to index
          %parallel_loop3A_290 = arith.index_cast %parallel_loop3A_288 : i32 to index
          %parallel_loop3A_291 = arith.index_cast %parallel_loop3A_286 : i32 to index
          %parallel_loop3A_292 = tpu.vector_load %arg6[%parallel_loop3A_289, %parallel_loop3A_290, %parallel_loop3A_291] {strides = array<i32>} : memref<2x16x512xi32, #tpu.memory_space<vmem>>, vector<16xi32>,
          %parallel_loop3A_293 = arith.constant 16 : i32
          %parallel_loop3A_294 = arith.muli %parallel_loop3A_276, %parallel_loop3A_293 : i32
          %parallel_loop3A_295 = arith.constant 1 : i32
          %parallel_loop3A_296 = arith.constant 1 : i32
          %parallel_loop3A_297 = arith.index_cast %parallel_loop3A_295 : i32 to index
          %parallel_loop3A_298 = arith.index_cast %parallel_loop3A_296 : i32 to index
          %parallel_loop3A_299 = arith.index_cast %parallel_loop3A_294 : i32 to index
          %parallel_loop3A_300 = tpu.vector_load %arg6[%parallel_loop3A_297, %parallel_loop3A_298, %parallel_loop3A_299] {strides = array<i32>} : memref<2x16x512xi32, #tpu.memory_space<vmem>>, vector<16xi32>,
          %parallel_loop3A_301 = arith.constant 16 : i32
          %parallel_loop3A_302 = arith.muli %parallel_loop3A_276, %parallel_loop3A_301 : i32
          %parallel_loop3A_303 = arith.constant 1 : i32
          %parallel_loop3A_304 = arith.constant 2 : i32
          %parallel_loop3A_305 = arith.index_cast %parallel_loop3A_303 : i32 to index
          %parallel_loop3A_306 = arith.index_cast %parallel_loop3A_304 : i32 to index
          %parallel_loop3A_307 = arith.index_cast %parallel_loop3A_302 : i32 to index
          %parallel_loop3A_308 = tpu.vector_load %arg6[%parallel_loop3A_305, %parallel_loop3A_306, %parallel_loop3A_307] {strides = array<i32>} : memref<2x16x512xi32, #tpu.memory_space<vmem>>, vector<16xi32>,
          %parallel_loop3A_309 = arith.constant 16 : i32
          %parallel_loop3A_310 = arith.muli %parallel_loop3A_276, %parallel_loop3A_309 : i32
          %parallel_loop3A_311 = arith.constant 1 : i32
          %parallel_loop3A_312 = arith.constant 3 : i32
          %parallel_loop3A_313 = arith.index_cast %parallel_loop3A_311 : i32 to index
          %parallel_loop3A_314 = arith.index_cast %parallel_loop3A_312 : i32 to index
          %parallel_loop3A_315 = arith.index_cast %parallel_loop3A_310 : i32 to index
          %parallel_loop3A_316 = tpu.vector_load %arg6[%parallel_loop3A_313, %parallel_loop3A_314, %parallel_loop3A_315] {strides = array<i32>} : memref<2x16x512xi32, #tpu.memory_space<vmem>>, vector<16xi32>,
          %parallel_loop3A_317 = arith.constant 16 : i32
          %parallel_loop3A_318 = arith.muli %parallel_loop3A_276, %parallel_loop3A_317 : i32
          %parallel_loop3A_319 = arith.constant 1 : i32
          %parallel_loop3A_320 = arith.constant 4 : i32
          %parallel_loop3A_321 = arith.index_cast %parallel_loop3A_319 : i32 to index
          %parallel_loop3A_322 = arith.index_cast %parallel_loop3A_320 : i32 to index
          %parallel_loop3A_323 = arith.index_cast %parallel_loop3A_318 : i32 to index
          %parallel_loop3A_324 = tpu.vector_load %arg6[%parallel_loop3A_321, %parallel_loop3A_322, %parallel_loop3A_323] {strides = array<i32>} : memref<2x16x512xi32, #tpu.memory_space<vmem>>, vector<16xi32>,
          %parallel_loop3A_325 = arith.constant 16 : i32
          %parallel_loop3A_326 = arith.muli %parallel_loop3A_276, %parallel_loop3A_325 : i32
          %parallel_loop3A_327 = arith.constant 1 : i32
          %parallel_loop3A_328 = arith.constant 5 : i32
          %parallel_loop3A_329 = arith.index_cast %parallel_loop3A_327 : i32 to index
          %parallel_loop3A_330 = arith.index_cast %parallel_loop3A_328 : i32 to index
          %parallel_loop3A_331 = arith.index_cast %parallel_loop3A_326 : i32 to index
          %parallel_loop3A_332 = tpu.vector_load %arg6[%parallel_loop3A_329, %parallel_loop3A_330, %parallel_loop3A_331] {strides = array<i32>} : memref<2x16x512xi32, #tpu.memory_space<vmem>>, vector<16xi32>,
          %parallel_loop3A_333 = arith.constant 16 : i32
          %parallel_loop3A_334 = arith.muli %parallel_loop3A_276, %parallel_loop3A_333 : i32
          %parallel_loop3A_335 = arith.constant 1 : i32
          %parallel_loop3A_336 = arith.constant 6 : i32
          %parallel_loop3A_337 = arith.index_cast %parallel_loop3A_335 : i32 to index
          %parallel_loop3A_338 = arith.index_cast %parallel_loop3A_336 : i32 to index
          %parallel_loop3A_339 = arith.index_cast %parallel_loop3A_334 : i32 to index
          %parallel_loop3A_340 = tpu.vector_load %arg6[%parallel_loop3A_337, %parallel_loop3A_338, %parallel_loop3A_339] {strides = array<i32>} : memref<2x16x512xi32, #tpu.memory_space<vmem>>, vector<16xi32>,
          %parallel_loop3A_341 = arith.constant 16 : i32
          %parallel_loop3A_342 = arith.muli %parallel_loop3A_276, %parallel_loop3A_341 : i32
          %parallel_loop3A_343 = arith.constant 1 : i32
          %parallel_loop3A_344 = arith.constant 7 : i32
          %parallel_loop3A_345 = arith.index_cast %parallel_loop3A_343 : i32 to index
          %parallel_loop3A_346 = arith.index_cast %parallel_loop3A_344 : i32 to index
          %parallel_loop3A_347 = arith.index_cast %parallel_loop3A_342 : i32 to index
          %parallel_loop3A_348 = tpu.vector_load %arg6[%parallel_loop3A_345, %parallel_loop3A_346, %parallel_loop3A_347] {strides = array<i32>} : memref<2x16x512xi32, #tpu.memory_space<vmem>>, vector<16xi32>,
          %parallel_loop3A_349 = arith.constant 15 : i32
          %parallel_loop3A_350 = vector.broadcast %parallel_loop3A_349 : i32 to vector<16xi32>
          %parallel_loop3A_351 = arith.shrui %parallel_loop3A_292, %parallel_loop3A_350 : vector<16xi32>
          %parallel_loop3A_352 = vector.bitcast %parallel_loop3A_351 : vector<16xi32> to vector<16xi32>
          %parallel_loop3A_353 = arith.constant 15 : i32
          %parallel_loop3A_354 = vector.broadcast %parallel_loop3A_353 : i32 to vector<16xi32>
          %parallel_loop3A_355 = arith.shrui %parallel_loop3A_300, %parallel_loop3A_354 : vector<16xi32>
          %parallel_loop3A_356 = vector.bitcast %parallel_loop3A_355 : vector<16xi32> to vector<16xi32>
          %parallel_loop3A_357 = arith.constant 15 : i32
          %parallel_loop3A_358 = vector.broadcast %parallel_loop3A_357 : i32 to vector<16xi32>
          %parallel_loop3A_359 = arith.shrui %parallel_loop3A_308, %parallel_loop3A_358 : vector<16xi32>
          %parallel_loop3A_360 = vector.bitcast %parallel_loop3A_359 : vector<16xi32> to vector<16xi32>
          %parallel_loop3A_361 = arith.constant 15 : i32
          %parallel_loop3A_362 = vector.broadcast %parallel_loop3A_361 : i32 to vector<16xi32>
          %parallel_loop3A_363 = arith.shrui %parallel_loop3A_316, %parallel_loop3A_362 : vector<16xi32>
          %parallel_loop3A_364 = vector.bitcast %parallel_loop3A_363 : vector<16xi32> to vector<16xi32>
          %parallel_loop3A_365 = arith.constant 15 : i32
          %parallel_loop3A_366 = vector.broadcast %parallel_loop3A_365 : i32 to vector<16xi32>
          %parallel_loop3A_367 = arith.shrui %parallel_loop3A_324, %parallel_loop3A_366 : vector<16xi32>
          %parallel_loop3A_368 = vector.bitcast %parallel_loop3A_367 : vector<16xi32> to vector<16xi32>
          %parallel_loop3A_369 = arith.constant 15 : i32
          %parallel_loop3A_370 = vector.broadcast %parallel_loop3A_369 : i32 to vector<16xi32>
          %parallel_loop3A_371 = arith.shrui %parallel_loop3A_332, %parallel_loop3A_370 : vector<16xi32>
          %parallel_loop3A_372 = vector.bitcast %parallel_loop3A_371 : vector<16xi32> to vector<16xi32>
          %parallel_loop3A_373 = arith.constant 15 : i32
          %parallel_loop3A_374 = vector.broadcast %parallel_loop3A_373 : i32 to vector<16xi32>
          %parallel_loop3A_375 = arith.shrui %parallel_loop3A_340, %parallel_loop3A_374 : vector<16xi32>
          %parallel_loop3A_376 = vector.bitcast %parallel_loop3A_375 : vector<16xi32> to vector<16xi32>
          %parallel_loop3A_377 = arith.constant 15 : i32
          %parallel_loop3A_378 = vector.broadcast %parallel_loop3A_377 : i32 to vector<16xi32>
          %parallel_loop3A_379 = arith.shrui %parallel_loop3A_348, %parallel_loop3A_378 : vector<16xi32>
          %parallel_loop3A_380 = vector.bitcast %parallel_loop3A_379 : vector<16xi32> to vector<16xi32>
          %parallel_loop3A_381 = arith.constant 17 : i32
          %parallel_loop3A_382 = vector.broadcast %parallel_loop3A_381 : i32 to vector<16xi32>
          %parallel_loop3A_383 = arith.shli %parallel_loop3A_292, %parallel_loop3A_382 : vector<16xi32>
          %parallel_loop3A_384 = vector.bitcast %parallel_loop3A_383 : vector<16xi32> to vector<16xf32>
          %parallel_loop3A_385 = arith.constant 17 : i32
          %parallel_loop3A_386 = vector.broadcast %parallel_loop3A_385 : i32 to vector<16xi32>
          %parallel_loop3A_387 = arith.shli %parallel_loop3A_300, %parallel_loop3A_386 : vector<16xi32>
          %parallel_loop3A_388 = vector.bitcast %parallel_loop3A_387 : vector<16xi32> to vector<16xf32>
          %parallel_loop3A_389 = arith.constant 17 : i32
          %parallel_loop3A_390 = vector.broadcast %parallel_loop3A_389 : i32 to vector<16xi32>
          %parallel_loop3A_391 = arith.shli %parallel_loop3A_308, %parallel_loop3A_390 : vector<16xi32>
          %parallel_loop3A_392 = vector.bitcast %parallel_loop3A_391 : vector<16xi32> to vector<16xf32>
          %parallel_loop3A_393 = arith.constant 17 : i32
          %parallel_loop3A_394 = vector.broadcast %parallel_loop3A_393 : i32 to vector<16xi32>
          %parallel_loop3A_395 = arith.shli %parallel_loop3A_316, %parallel_loop3A_394 : vector<16xi32>
          %parallel_loop3A_396 = vector.bitcast %parallel_loop3A_395 : vector<16xi32> to vector<16xf32>
          %parallel_loop3A_397 = arith.constant 17 : i32
          %parallel_loop3A_398 = vector.broadcast %parallel_loop3A_397 : i32 to vector<16xi32>
          %parallel_loop3A_399 = arith.shli %parallel_loop3A_324, %parallel_loop3A_398 : vector<16xi32>
          %parallel_loop3A_400 = vector.bitcast %parallel_loop3A_399 : vector<16xi32> to vector<16xf32>
          %parallel_loop3A_401 = arith.constant 17 : i32
          %parallel_loop3A_402 = vector.broadcast %parallel_loop3A_401 : i32 to vector<16xi32>
          %parallel_loop3A_403 = arith.shli %parallel_loop3A_332, %parallel_loop3A_402 : vector<16xi32>
          %parallel_loop3A_404 = vector.bitcast %parallel_loop3A_403 : vector<16xi32> to vector<16xf32>
          %parallel_loop3A_405 = arith.constant 17 : i32
          %parallel_loop3A_406 = vector.broadcast %parallel_loop3A_405 : i32 to vector<16xi32>
          %parallel_loop3A_407 = arith.shli %parallel_loop3A_340, %parallel_loop3A_406 : vector<16xi32>
          %parallel_loop3A_408 = vector.bitcast %parallel_loop3A_407 : vector<16xi32> to vector<16xf32>
          %parallel_loop3A_409 = arith.constant 17 : i32
          %parallel_loop3A_410 = vector.broadcast %parallel_loop3A_409 : i32 to vector<16xi32>
          %parallel_loop3A_411 = arith.shli %parallel_loop3A_348, %parallel_loop3A_410 : vector<16xi32>
          %parallel_loop3A_412 = vector.bitcast %parallel_loop3A_411 : vector<16xi32> to vector<16xf32>
          %parallel_loop3A_413 = tpu.vector_load_idx %arg5[%parallel_loop3A_352] : memref<100000xf32, #tpu.memory_space<vmem>>[vector<16xi32>], vector<16xf32>,
          %parallel_loop3A_414 = tpu.vector_load_idx %arg5[%parallel_loop3A_356] : memref<100000xf32, #tpu.memory_space<vmem>>[vector<16xi32>], vector<16xf32>,
          %parallel_loop3A_415 = tpu.vector_load_idx %arg5[%parallel_loop3A_360] : memref<100000xf32, #tpu.memory_space<vmem>>[vector<16xi32>], vector<16xf32>,
          %parallel_loop3A_416 = tpu.vector_load_idx %arg5[%parallel_loop3A_364] : memref<100000xf32, #tpu.memory_space<vmem>>[vector<16xi32>], vector<16xf32>,
          %parallel_loop3A_417 = tpu.vector_load_idx %arg5[%parallel_loop3A_368] : memref<100000xf32, #tpu.memory_space<vmem>>[vector<16xi32>], vector<16xf32>,
          %parallel_loop3A_418 = tpu.vector_load_idx %arg5[%parallel_loop3A_372] : memref<100000xf32, #tpu.memory_space<vmem>>[vector<16xi32>], vector<16xf32>,
          %parallel_loop3A_419 = tpu.vector_load_idx %arg5[%parallel_loop3A_376] : memref<100000xf32, #tpu.memory_space<vmem>>[vector<16xi32>], vector<16xf32>,
          %parallel_loop3A_420 = tpu.vector_load_idx %arg5[%parallel_loop3A_380] : memref<100000xf32, #tpu.memory_space<vmem>>[vector<16xi32>], vector<16xf32>,
          %parallel_loop3A_421 = arith.mulf %parallel_loop3A_413, %parallel_loop3A_384 : vector<16xf32>
          %parallel_loop3A_422 = arith.addf %parallel_loop3A_278, %parallel_loop3A_421 : vector<16xf32>
          %parallel_loop3A_423 = arith.mulf %parallel_loop3A_414, %parallel_loop3A_388 : vector<16xf32>
          %parallel_loop3A_424 = arith.addf %parallel_loop3A_280, %parallel_loop3A_423 : vector<16xf32>
          %parallel_loop3A_425 = arith.mulf %parallel_loop3A_415, %parallel_loop3A_392 : vector<16xf32>
          %parallel_loop3A_426 = arith.addf %parallel_loop3A_282, %parallel_loop3A_425 : vector<16xf32>
          %parallel_loop3A_427 = arith.mulf %parallel_loop3A_416, %parallel_loop3A_396 : vector<16xf32>
          %parallel_loop3A_428 = arith.addf %parallel_loop3A_284, %parallel_loop3A_427 : vector<16xf32>
          %parallel_loop3A_429 = arith.mulf %parallel_loop3A_417, %parallel_loop3A_400 : vector<16xf32>
          %parallel_loop3A_430 = arith.addf %parallel_loop3A_422, %parallel_loop3A_429 : vector<16xf32>
          %parallel_loop3A_431 = arith.mulf %parallel_loop3A_418, %parallel_loop3A_404 : vector<16xf32>
          %parallel_loop3A_432 = arith.addf %parallel_loop3A_424, %parallel_loop3A_431 : vector<16xf32>
          %parallel_loop3A_433 = arith.mulf %parallel_loop3A_419, %parallel_loop3A_408 : vector<16xf32>
          %parallel_loop3A_434 = arith.addf %parallel_loop3A_426, %parallel_loop3A_433 : vector<16xf32>
          %parallel_loop3A_435 = arith.mulf %parallel_loop3A_420, %parallel_loop3A_412 : vector<16xf32>
          %parallel_loop3A_436 = arith.addf %parallel_loop3A_428, %parallel_loop3A_435 : vector<16xf32>
          %parallel_loop3A_437 = arith.constant 16 : i32
          %parallel_loop3A_438 = arith.muli %parallel_loop3A_276, %parallel_loop3A_437 : i32
          %parallel_loop3A_439 = arith.constant 1 : i32
          %parallel_loop3A_440 = arith.constant 8 : i32
          %parallel_loop3A_441 = arith.index_cast %parallel_loop3A_439 : i32 to index
          %parallel_loop3A_442 = arith.index_cast %parallel_loop3A_440 : i32 to index
          %parallel_loop3A_443 = arith.index_cast %parallel_loop3A_438 : i32 to index
          %parallel_loop3A_444 = tpu.vector_load %arg6[%parallel_loop3A_441, %parallel_loop3A_442, %parallel_loop3A_443] {strides = array<i32>} : memref<2x16x512xi32, #tpu.memory_space<vmem>>, vector<16xi32>,
          %parallel_loop3A_445 = arith.constant 16 : i32
          %parallel_loop3A_446 = arith.muli %parallel_loop3A_276, %parallel_loop3A_445 : i32
          %parallel_loop3A_447 = arith.constant 1 : i32
          %parallel_loop3A_448 = arith.constant 9 : i32
          %parallel_loop3A_449 = arith.index_cast %parallel_loop3A_447 : i32 to index
          %parallel_loop3A_450 = arith.index_cast %parallel_loop3A_448 : i32 to index
          %parallel_loop3A_451 = arith.index_cast %parallel_loop3A_446 : i32 to index
          %parallel_loop3A_452 = tpu.vector_load %arg6[%parallel_loop3A_449, %parallel_loop3A_450, %parallel_loop3A_451] {strides = array<i32>} : memref<2x16x512xi32, #tpu.memory_space<vmem>>, vector<16xi32>,
          %parallel_loop3A_453 = arith.constant 16 : i32
          %parallel_loop3A_454 = arith.muli %parallel_loop3A_276, %parallel_loop3A_453 : i32
          %parallel_loop3A_455 = arith.constant 1 : i32
          %parallel_loop3A_456 = arith.constant 10 : i32
          %parallel_loop3A_457 = arith.index_cast %parallel_loop3A_455 : i32 to index
          %parallel_loop3A_458 = arith.index_cast %parallel_loop3A_456 : i32 to index
          %parallel_loop3A_459 = arith.index_cast %parallel_loop3A_454 : i32 to index
          %parallel_loop3A_460 = tpu.vector_load %arg6[%parallel_loop3A_457, %parallel_loop3A_458, %parallel_loop3A_459] {strides = array<i32>} : memref<2x16x512xi32, #tpu.memory_space<vmem>>, vector<16xi32>,
          %parallel_loop3A_461 = arith.constant 16 : i32
          %parallel_loop3A_462 = arith.muli %parallel_loop3A_276, %parallel_loop3A_461 : i32
          %parallel_loop3A_463 = arith.constant 1 : i32
          %parallel_loop3A_464 = arith.constant 11 : i32
          %parallel_loop3A_465 = arith.index_cast %parallel_loop3A_463 : i32 to index
          %parallel_loop3A_466 = arith.index_cast %parallel_loop3A_464 : i32 to index
          %parallel_loop3A_467 = arith.index_cast %parallel_loop3A_462 : i32 to index
          %parallel_loop3A_468 = tpu.vector_load %arg6[%parallel_loop3A_465, %parallel_loop3A_466, %parallel_loop3A_467] {strides = array<i32>} : memref<2x16x512xi32, #tpu.memory_space<vmem>>, vector<16xi32>,
          %parallel_loop3A_469 = arith.constant 16 : i32
          %parallel_loop3A_470 = arith.muli %parallel_loop3A_276, %parallel_loop3A_469 : i32
          %parallel_loop3A_471 = arith.constant 1 : i32
          %parallel_loop3A_472 = arith.constant 12 : i32
          %parallel_loop3A_473 = arith.index_cast %parallel_loop3A_471 : i32 to index
          %parallel_loop3A_474 = arith.index_cast %parallel_loop3A_472 : i32 to index
          %parallel_loop3A_475 = arith.index_cast %parallel_loop3A_470 : i32 to index
          %parallel_loop3A_476 = tpu.vector_load %arg6[%parallel_loop3A_473, %parallel_loop3A_474, %parallel_loop3A_475] {strides = array<i32>} : memref<2x16x512xi32, #tpu.memory_space<vmem>>, vector<16xi32>,
          %parallel_loop3A_477 = arith.constant 16 : i32
          %parallel_loop3A_478 = arith.muli %parallel_loop3A_276, %parallel_loop3A_477 : i32
          %parallel_loop3A_479 = arith.constant 1 : i32
          %parallel_loop3A_480 = arith.constant 13 : i32
          %parallel_loop3A_481 = arith.index_cast %parallel_loop3A_479 : i32 to index
          %parallel_loop3A_482 = arith.index_cast %parallel_loop3A_480 : i32 to index
          %parallel_loop3A_483 = arith.index_cast %parallel_loop3A_478 : i32 to index
          %parallel_loop3A_484 = tpu.vector_load %arg6[%parallel_loop3A_481, %parallel_loop3A_482, %parallel_loop3A_483] {strides = array<i32>} : memref<2x16x512xi32, #tpu.memory_space<vmem>>, vector<16xi32>,
          %parallel_loop3A_485 = arith.constant 16 : i32
          %parallel_loop3A_486 = arith.muli %parallel_loop3A_276, %parallel_loop3A_485 : i32
          %parallel_loop3A_487 = arith.constant 1 : i32
          %parallel_loop3A_488 = arith.constant 14 : i32
          %parallel_loop3A_489 = arith.index_cast %parallel_loop3A_487 : i32 to index
          %parallel_loop3A_490 = arith.index_cast %parallel_loop3A_488 : i32 to index
          %parallel_loop3A_491 = arith.index_cast %parallel_loop3A_486 : i32 to index
          %parallel_loop3A_492 = tpu.vector_load %arg6[%parallel_loop3A_489, %parallel_loop3A_490, %parallel_loop3A_491] {strides = array<i32>} : memref<2x16x512xi32, #tpu.memory_space<vmem>>, vector<16xi32>,
          %parallel_loop3A_493 = arith.constant 16 : i32
          %parallel_loop3A_494 = arith.muli %parallel_loop3A_276, %parallel_loop3A_493 : i32
          %parallel_loop3A_495 = arith.constant 1 : i32
          %parallel_loop3A_496 = arith.constant 15 : i32
          %parallel_loop3A_497 = arith.index_cast %parallel_loop3A_495 : i32 to index
          %parallel_loop3A_498 = arith.index_cast %parallel_loop3A_496 : i32 to index
          %parallel_loop3A_499 = arith.index_cast %parallel_loop3A_494 : i32 to index
          %parallel_loop3A_500 = tpu.vector_load %arg6[%parallel_loop3A_497, %parallel_loop3A_498, %parallel_loop3A_499] {strides = array<i32>} : memref<2x16x512xi32, #tpu.memory_space<vmem>>, vector<16xi32>,
          %parallel_loop3A_501 = arith.constant 15 : i32
          %parallel_loop3A_502 = vector.broadcast %parallel_loop3A_501 : i32 to vector<16xi32>
          %parallel_loop3A_503 = arith.shrui %parallel_loop3A_444, %parallel_loop3A_502 : vector<16xi32>
          %parallel_loop3A_504 = vector.bitcast %parallel_loop3A_503 : vector<16xi32> to vector<16xi32>
          %parallel_loop3A_505 = arith.constant 15 : i32
          %parallel_loop3A_506 = vector.broadcast %parallel_loop3A_505 : i32 to vector<16xi32>
          %parallel_loop3A_507 = arith.shrui %parallel_loop3A_452, %parallel_loop3A_506 : vector<16xi32>
          %parallel_loop3A_508 = vector.bitcast %parallel_loop3A_507 : vector<16xi32> to vector<16xi32>
          %parallel_loop3A_509 = arith.constant 15 : i32
          %parallel_loop3A_510 = vector.broadcast %parallel_loop3A_509 : i32 to vector<16xi32>
          %parallel_loop3A_511 = arith.shrui %parallel_loop3A_460, %parallel_loop3A_510 : vector<16xi32>
          %parallel_loop3A_512 = vector.bitcast %parallel_loop3A_511 : vector<16xi32> to vector<16xi32>
          %parallel_loop3A_513 = arith.constant 15 : i32
          %parallel_loop3A_514 = vector.broadcast %parallel_loop3A_513 : i32 to vector<16xi32>
          %parallel_loop3A_515 = arith.shrui %parallel_loop3A_468, %parallel_loop3A_514 : vector<16xi32>
          %parallel_loop3A_516 = vector.bitcast %parallel_loop3A_515 : vector<16xi32> to vector<16xi32>
          %parallel_loop3A_517 = arith.constant 15 : i32
          %parallel_loop3A_518 = vector.broadcast %parallel_loop3A_517 : i32 to vector<16xi32>
          %parallel_loop3A_519 = arith.shrui %parallel_loop3A_476, %parallel_loop3A_518 : vector<16xi32>
          %parallel_loop3A_520 = vector.bitcast %parallel_loop3A_519 : vector<16xi32> to vector<16xi32>
          %parallel_loop3A_521 = arith.constant 15 : i32
          %parallel_loop3A_522 = vector.broadcast %parallel_loop3A_521 : i32 to vector<16xi32>
          %parallel_loop3A_523 = arith.shrui %parallel_loop3A_484, %parallel_loop3A_522 : vector<16xi32>
          %parallel_loop3A_524 = vector.bitcast %parallel_loop3A_523 : vector<16xi32> to vector<16xi32>
          %parallel_loop3A_525 = arith.constant 15 : i32
          %parallel_loop3A_526 = vector.broadcast %parallel_loop3A_525 : i32 to vector<16xi32>
          %parallel_loop3A_527 = arith.shrui %parallel_loop3A_492, %parallel_loop3A_526 : vector<16xi32>
          %parallel_loop3A_528 = vector.bitcast %parallel_loop3A_527 : vector<16xi32> to vector<16xi32>
          %parallel_loop3A_529 = arith.constant 15 : i32
          %parallel_loop3A_530 = vector.broadcast %parallel_loop3A_529 : i32 to vector<16xi32>
          %parallel_loop3A_531 = arith.shrui %parallel_loop3A_500, %parallel_loop3A_530 : vector<16xi32>
          %parallel_loop3A_532 = vector.bitcast %parallel_loop3A_531 : vector<16xi32> to vector<16xi32>
          %parallel_loop3A_533 = arith.constant 17 : i32
          %parallel_loop3A_534 = vector.broadcast %parallel_loop3A_533 : i32 to vector<16xi32>
          %parallel_loop3A_535 = arith.shli %parallel_loop3A_444, %parallel_loop3A_534 : vector<16xi32>
          %parallel_loop3A_536 = vector.bitcast %parallel_loop3A_535 : vector<16xi32> to vector<16xf32>
          %parallel_loop3A_537 = arith.constant 17 : i32
          %parallel_loop3A_538 = vector.broadcast %parallel_loop3A_537 : i32 to vector<16xi32>
          %parallel_loop3A_539 = arith.shli %parallel_loop3A_452, %parallel_loop3A_538 : vector<16xi32>
          %parallel_loop3A_540 = vector.bitcast %parallel_loop3A_539 : vector<16xi32> to vector<16xf32>
          %parallel_loop3A_541 = arith.constant 17 : i32
          %parallel_loop3A_542 = vector.broadcast %parallel_loop3A_541 : i32 to vector<16xi32>
          %parallel_loop3A_543 = arith.shli %parallel_loop3A_460, %parallel_loop3A_542 : vector<16xi32>
          %parallel_loop3A_544 = vector.bitcast %parallel_loop3A_543 : vector<16xi32> to vector<16xf32>
          %parallel_loop3A_545 = arith.constant 17 : i32
          %parallel_loop3A_546 = vector.broadcast %parallel_loop3A_545 : i32 to vector<16xi32>
          %parallel_loop3A_547 = arith.shli %parallel_loop3A_468, %parallel_loop3A_546 : vector<16xi32>
          %parallel_loop3A_548 = vector.bitcast %parallel_loop3A_547 : vector<16xi32> to vector<16xf32>
          %parallel_loop3A_549 = arith.constant 17 : i32
          %parallel_loop3A_550 = vector.broadcast %parallel_loop3A_549 : i32 to vector<16xi32>
          %parallel_loop3A_551 = arith.shli %parallel_loop3A_476, %parallel_loop3A_550 : vector<16xi32>
          %parallel_loop3A_552 = vector.bitcast %parallel_loop3A_551 : vector<16xi32> to vector<16xf32>
          %parallel_loop3A_553 = arith.constant 17 : i32
          %parallel_loop3A_554 = vector.broadcast %parallel_loop3A_553 : i32 to vector<16xi32>
          %parallel_loop3A_555 = arith.shli %parallel_loop3A_484, %parallel_loop3A_554 : vector<16xi32>
          %parallel_loop3A_556 = vector.bitcast %parallel_loop3A_555 : vector<16xi32> to vector<16xf32>
          %parallel_loop3A_557 = arith.constant 17 : i32
          %parallel_loop3A_558 = vector.broadcast %parallel_loop3A_557 : i32 to vector<16xi32>
          %parallel_loop3A_559 = arith.shli %parallel_loop3A_492, %parallel_loop3A_558 : vector<16xi32>
          %parallel_loop3A_560 = vector.bitcast %parallel_loop3A_559 : vector<16xi32> to vector<16xf32>
          %parallel_loop3A_561 = arith.constant 17 : i32
          %parallel_loop3A_562 = vector.broadcast %parallel_loop3A_561 : i32 to vector<16xi32>
          %parallel_loop3A_563 = arith.shli %parallel_loop3A_500, %parallel_loop3A_562 : vector<16xi32>
          %parallel_loop3A_564 = vector.bitcast %parallel_loop3A_563 : vector<16xi32> to vector<16xf32>
          %parallel_loop3A_565 = tpu.vector_load_idx %arg5[%parallel_loop3A_504] : memref<100000xf32, #tpu.memory_space<vmem>>[vector<16xi32>], vector<16xf32>,
          %parallel_loop3A_566 = tpu.vector_load_idx %arg5[%parallel_loop3A_508] : memref<100000xf32, #tpu.memory_space<vmem>>[vector<16xi32>], vector<16xf32>,
          %parallel_loop3A_567 = tpu.vector_load_idx %arg5[%parallel_loop3A_512] : memref<100000xf32, #tpu.memory_space<vmem>>[vector<16xi32>], vector<16xf32>,
          %parallel_loop3A_568 = tpu.vector_load_idx %arg5[%parallel_loop3A_516] : memref<100000xf32, #tpu.memory_space<vmem>>[vector<16xi32>], vector<16xf32>,
          %parallel_loop3A_569 = tpu.vector_load_idx %arg5[%parallel_loop3A_520] : memref<100000xf32, #tpu.memory_space<vmem>>[vector<16xi32>], vector<16xf32>,
          %parallel_loop3A_570 = tpu.vector_load_idx %arg5[%parallel_loop3A_524] : memref<100000xf32, #tpu.memory_space<vmem>>[vector<16xi32>], vector<16xf32>,
          %parallel_loop3A_571 = tpu.vector_load_idx %arg5[%parallel_loop3A_528] : memref<100000xf32, #tpu.memory_space<vmem>>[vector<16xi32>], vector<16xf32>,
          %parallel_loop3A_572 = tpu.vector_load_idx %arg5[%parallel_loop3A_532] : memref<100000xf32, #tpu.memory_space<vmem>>[vector<16xi32>], vector<16xf32>,
          %parallel_loop3A_573 = arith.mulf %parallel_loop3A_565, %parallel_loop3A_536 : vector<16xf32>
          %parallel_loop3A_574 = arith.addf %parallel_loop3A_430, %parallel_loop3A_573 : vector<16xf32>
          %parallel_loop3A_575 = arith.mulf %parallel_loop3A_566, %parallel_loop3A_540 : vector<16xf32>
          %parallel_loop3A_576 = arith.addf %parallel_loop3A_432, %parallel_loop3A_575 : vector<16xf32>
          %parallel_loop3A_577 = arith.mulf %parallel_loop3A_567, %parallel_loop3A_544 : vector<16xf32>
          %parallel_loop3A_578 = arith.addf %parallel_loop3A_434, %parallel_loop3A_577 : vector<16xf32>
          %parallel_loop3A_579 = arith.mulf %parallel_loop3A_568, %parallel_loop3A_548 : vector<16xf32>
          %parallel_loop3A_580 = arith.addf %parallel_loop3A_436, %parallel_loop3A_579 : vector<16xf32>
          %parallel_loop3A_581 = arith.mulf %parallel_loop3A_569, %parallel_loop3A_552 : vector<16xf32>
          %parallel_loop3A_582 = arith.addf %parallel_loop3A_574, %parallel_loop3A_581 : vector<16xf32>
          %parallel_loop3A_583 = arith.mulf %parallel_loop3A_570, %parallel_loop3A_556 : vector<16xf32>
          %parallel_loop3A_584 = arith.addf %parallel_loop3A_576, %parallel_loop3A_583 : vector<16xf32>
          %parallel_loop3A_585 = arith.mulf %parallel_loop3A_571, %parallel_loop3A_560 : vector<16xf32>
          %parallel_loop3A_586 = arith.addf %parallel_loop3A_578, %parallel_loop3A_585 : vector<16xf32>
          %parallel_loop3A_587 = arith.mulf %parallel_loop3A_572, %parallel_loop3A_564 : vector<16xf32>
          %parallel_loop3A_588 = arith.addf %parallel_loop3A_580, %parallel_loop3A_587 : vector<16xf32>
          %parallel_loop3A_589 = arith.addf %parallel_loop3A_582, %parallel_loop3A_584 : vector<16xf32>
          %parallel_loop3A_590 = arith.addf %parallel_loop3A_586, %parallel_loop3A_588 : vector<16xf32>
          %parallel_loop3A_591 = arith.addf %parallel_loop3A_589, %parallel_loop3A_590 : vector<16xf32>
          %parallel_loop3A_592 = arith.constant 512 : i32
          %parallel_loop3A_593 = arith.muli %add3A_219, %parallel_loop3A_592 : i32
          %parallel_loop3A_594 = arith.constant 16 : i32
          %parallel_loop3A_595 = arith.muli %parallel_loop3A_276, %parallel_loop3A_594 : i32
          %parallel_loop3A_596 = arith.addi %parallel_loop3A_593, %parallel_loop3A_595 : i32
          %parallel_loop3A_597 = arith.constant 1 : i32
          %parallel_loop3A_598 = arith.index_cast %parallel_loop3A_597 : i32 to index
          %parallel_loop3A_599 = arith.index_cast %parallel_loop3A_596 : i32 to index
          %parallel_loop3A_600 = tpu.vector_load %arg7[%parallel_loop3A_598, %parallel_loop3A_599] {strides = array<i32>} : memref<2x2048xf32, #tpu.memory_space<vmem>>, vector<16xf32>,
          tpu.vector_store %arg7[%parallel_loop3A_598, %parallel_loop3A_599], %parallel_loop3A_591 {strides = array<i32>} : memref<2x2048xf32, #tpu.memory_space<vmem>>, vector<16xf32>,
        } {sc.loop_unroll_factor = 2 : i64, sc.parallel_access}
        %add3A_241 = arith.constant 2 : i32
        %add3A_242 = arith.addi %add3A_219, %add3A_241 : i32
        %jit3A_243 = arith.constant 4 : i32
        %eq3A_244 = arith.constant 0 : i32
        %eq3A_245 = arith.cmpi eq, %jit3A_243, %eq3A_244 : i32
        %jit3A_246 = arith.constant 1 : i32
        %select_n3A_247 = arith.select %eq3A_245, %jit3A_246, %jit3A_243 : i32
        %rem3A_248 = arith.remsi %add3A_242, %select_n3A_247 : i32
        %ne3A_249 = arith.constant 0 : i32
        %ne3A_250 = arith.cmpi ne, %rem3A_248, %ne3A_249 : i32
        %lt3A_251 = arith.constant 0 : i32
        %lt3A_252 = arith.cmpi slt, %rem3A_248, %lt3A_251 : i32
        %lt3A_253 = arith.constant 0 : i32
        %lt3A_254 = arith.cmpi slt, %select_n3A_247, %lt3A_253 : i32
        %ne3A_255 = arith.xori %lt3A_252, %lt3A_254 : i1
        %and3A_256 = arith.andi %ne3A_255, %ne3A_250 : i1
        %add3A_257 = arith.addi %rem3A_248, %select_n3A_247 : i32
        %select_n3A_258 = arith.select %and3A_256, %add3A_257, %rem3A_248 : i32
        %dma_start3A_259 = arith.constant 1 : i32
        %dma_start3A_260 = arith.constant 0 : i32
        %dma_start3A_261 = arith.constant 0 : i32
        %dma_start3A_262 = tpu.memref_slice %arg6[%dma_start3A_259, %dma_start3A_260, %dma_start3A_261] : memref<2x16x512xi32, #tpu.memory_space<vmem>> -> memref<1x16x512xi32, #tpu.memory_space<vmem>>
        %dma_start3A_263 = tpu.memref_squeeze %dma_start3A_262 : memref<1x16x512xi32, #tpu.memory_space<vmem>> -> memref<16x512xi32, #tpu.memory_space<vmem>>
        %dma_start3A_264 = arith.constant 0 : i32
        %dma_start3A_265 = arith.constant 0 : i32
        %dma_start3A_266 = tpu.memref_slice %arg8[%select_n3A_258, %dma_start3A_264, %dma_start3A_265] : memref<4x16x512xi32, #tpu.memory_space<vmem_shared>> -> memref<1x16x512xi32, #tpu.memory_space<vmem_shared>>
        %dma_start3A_267 = tpu.memref_squeeze %dma_start3A_266 : memref<1x16x512xi32, #tpu.memory_space<vmem_shared>> -> memref<16x512xi32, #tpu.memory_space<vmem_shared>>
        %dma_start3A_268 = arith.constant 0 : i32
        %dma_start3A_269 = arith.constant 0 : i32
        %dma_start3A_270 = tpu.memref_slice %arg6[%dma_start3A_259, %dma_start3A_268, %dma_start3A_269] : memref<2x16x512xi32, #tpu.memory_space<vmem>> -> memref<1x16x512xi32, #tpu.memory_space<vmem>>
        %dma_start3A_271 = tpu.memref_squeeze %dma_start3A_270 : memref<1x16x512xi32, #tpu.memory_space<vmem>> -> memref<16x512xi32, #tpu.memory_space<vmem>>
        %dma_start3A_272 = arith.constant 0 : i32
        %dma_start3A_273 = arith.constant 0 : i32
        %dma_start3A_274 = tpu.memref_slice %arg8[%select_n3A_258, %dma_start3A_272, %dma_start3A_273] : memref<4x16x512xi32, #tpu.memory_space<vmem_shared>> -> memref<1x16x512xi32, #tpu.memory_space<vmem_shared>>
        %dma_start3A_275 = tpu.memref_squeeze %dma_start3A_274 : memref<1x16x512xi32, #tpu.memory_space<vmem_shared>> -> memref<16x512xi32, #tpu.memory_space<vmem_shared>>
        tpu.enqueue_dma source(%dma_start3A_275 : memref<16x512xi32, #tpu.memory_space<vmem_shared>>) target(%dma_start3A_271 : memref<16x512xi32, #tpu.memory_space<vmem>>) target_semaphore(%arg10 : memref<!tpu.dma_semaphore, #tpu.memory_space<semaphore_mem>>)
      }
      %scan3A_152 = arith.constant 2 : i32
      %dma_start3A_153 = arith.constant 1 : i32
      %dma_start3A_154 = arith.constant 0 : i32
      %dma_start3A_155 = tpu.memref_slice %arg7[%dma_start3A_153, %dma_start3A_154] : memref<2x2048xf32, #tpu.memory_space<vmem>> -> memref<1x2048xf32, #tpu.memory_space<vmem>>
      %dma_start3A_156 = tpu.memref_squeeze %dma_start3A_155 : memref<1x2048xf32, #tpu.memory_space<vmem>> -> memref<2048xf32, #tpu.memory_space<vmem>>
      %dma_start3A_157 = arith.constant 0 : i32
      %dma_start3A_158 = tpu.memref_slice %arg4[%add3A_141, %dma_start3A_157] : memref<1024x2048xf32, #tpu.memory_space<hbm>> -> memref<1x2048xf32, #tpu.memory_space<hbm>>
      %dma_start3A_159 = tpu.memref_squeeze %dma_start3A_158 : memref<1x2048xf32, #tpu.memory_space<hbm>> -> memref<2048xf32, #tpu.memory_space<hbm>>
      %dma_start3A_160 = arith.constant 0 : i32
      %dma_start3A_161 = tpu.memref_slice %arg4[%add3A_141, %dma_start3A_160] : memref<1024x2048xf32, #tpu.memory_space<hbm>> -> memref<1x2048xf32, #tpu.memory_space<hbm>>
      %dma_start3A_162 = tpu.memref_squeeze %dma_start3A_161 : memref<1x2048xf32, #tpu.memory_space<hbm>> -> memref<2048xf32, #tpu.memory_space<hbm>>
      %dma_start3A_163 = arith.constant 0 : i32
      %dma_start3A_164 = tpu.memref_slice %arg7[%dma_start3A_153, %dma_start3A_163] : memref<2x2048xf32, #tpu.memory_space<vmem>> -> memref<1x2048xf32, #tpu.memory_space<vmem>>
      %dma_start3A_165 = tpu.memref_squeeze %dma_start3A_164 : memref<1x2048xf32, #tpu.memory_space<vmem>> -> memref<2048xf32, #tpu.memory_space<vmem>>
      tpu.enqueue_dma source(%dma_start3A_165 : memref<2048xf32, #tpu.memory_space<vmem>>) target(%dma_start3A_162 : memref<2048xf32, #tpu.memory_space<hbm>>) target_semaphore(%arg12 : memref<!tpu.dma_semaphore, #tpu.memory_space<semaphore_mem>>)
    }
    %scan3A_42 = arith.constant 16 : i32
    %dma_wait3A = arith.constant 0 : i32
    %dma_wait3A_43 = arith.constant 0 : i32
    %dma_wait3A_44 = arith.constant 0 : i32
    %dma_wait3A_45 = tpu.memref_slice %arg7[%dma_wait3A, %dma_wait3A_44] : memref<2x2048xf32, #tpu.memory_space<vmem>> -> memref<1x2048xf32, #tpu.memory_space<vmem>>
    %dma_wait3A_46 = tpu.memref_squeeze %dma_wait3A_45 : memref<1x2048xf32, #tpu.memory_space<vmem>> -> memref<2048xf32, #tpu.memory_space<vmem>>
    %dma_wait3A_47 = arith.constant 0 : i32
    %dma_wait3A_48 = tpu.memref_slice %arg4[%dma_wait3A_43, %dma_wait3A_47] : memref<1024x2048xf32, #tpu.memory_space<hbm>> -> memref<1x2048xf32, #tpu.memory_space<hbm>>
    %dma_wait3A_49 = tpu.memref_squeeze %dma_wait3A_48 : memref<1x2048xf32, #tpu.memory_space<hbm>> -> memref<2048xf32, #tpu.memory_space<hbm>>
    %dma_wait3A_50 = arith.constant 0 : i32
    %dma_wait3A_51 = tpu.memref_slice %arg4[%dma_wait3A_43, %dma_wait3A_50] : memref<1024x2048xf32, #tpu.memory_space<hbm>> -> memref<1x2048xf32, #tpu.memory_space<hbm>>
    %dma_wait3A_52 = tpu.memref_squeeze %dma_wait3A_51 : memref<1x2048xf32, #tpu.memory_space<hbm>> -> memref<2048xf32, #tpu.memory_space<hbm>>
    %dma_wait3A_53 = arith.constant 0 : i32
    %dma_wait3A_54 = tpu.memref_slice %arg7[%dma_wait3A, %dma_wait3A_53] : memref<2x2048xf32, #tpu.memory_space<vmem>> -> memref<1x2048xf32, #tpu.memory_space<vmem>>
    %dma_wait3A_55 = tpu.memref_squeeze %dma_wait3A_54 : memref<1x2048xf32, #tpu.memory_space<vmem>> -> memref<2048xf32, #tpu.memory_space<vmem>>
    tpu.wait_dma2 semaphore(%arg11 : memref<!tpu.dma_semaphore, #tpu.memory_space<semaphore_mem>>) src(%dma_wait3A_55 : memref<2048xf32, #tpu.memory_space<vmem>>) dst(%dma_wait3A_52 : memref<2048xf32, #tpu.memory_space<hbm>>)
    %dma_wait3A_56 = arith.constant 1 : i32
    %dma_wait3A_57 = arith.constant 0 : i32
    %dma_wait3A_58 = arith.constant 0 : i32
    %dma_wait3A_59 = tpu.memref_slice %arg7[%dma_wait3A_56, %dma_wait3A_58] : memref<2x2048xf32, #tpu.memory_space<vmem>> -> memref<1x2048xf32, #tpu.memory_space<vmem>>
    %dma_wait3A_60 = tpu.memref_squeeze %dma_wait3A_59 : memref<1x2048xf32, #tpu.memory_space<vmem>> -> memref<2048xf32, #tpu.memory_space<vmem>>
    %dma_wait3A_61 = arith.constant 0 : i32
    %dma_wait3A_62 = tpu.memref_slice %arg4[%dma_wait3A_57, %dma_wait3A_61] : memref<1024x2048xf32, #tpu.memory_space<hbm>> -> memref<1x2048xf32, #tpu.memory_space<hbm>>
    %dma_wait3A_63 = tpu.memref_squeeze %dma_wait3A_62 : memref<1x2048xf32, #tpu.memory_space<hbm>> -> memref<2048xf32, #tpu.memory_space<hbm>>
    %dma_wait3A_64 = arith.constant 0 : i32
    %dma_wait3A_65 = tpu.memref_slice %arg4[%dma_wait3A_57, %dma_wait3A_64] : memref<1024x2048xf32, #tpu.memory_space<hbm>> -> memref<1x2048xf32, #tpu.memory_space<hbm>>
    %dma_wait3A_66 = tpu.memref_squeeze %dma_wait3A_65 : memref<1x2048xf32, #tpu.memory_space<hbm>> -> memref<2048xf32, #tpu.memory_space<hbm>>
    %dma_wait3A_67 = arith.constant 0 : i32
    %dma_wait3A_68 = tpu.memref_slice %arg7[%dma_wait3A_56, %dma_wait3A_67] : memref<2x2048xf32, #tpu.memory_space<vmem>> -> memref<1x2048xf32, #tpu.memory_space<vmem>>
    %dma_wait3A_69 = tpu.memref_squeeze %dma_wait3A_68 : memref<1x2048xf32, #tpu.memory_space<vmem>> -> memref<2048xf32, #tpu.memory_space<vmem>>
    tpu.wait_dma2 semaphore(%arg12 : memref<!tpu.dma_semaphore, #tpu.memory_space<semaphore_mem>>) src(%dma_wait3A_69 : memref<2048xf32, #tpu.memory_space<vmem>>) dst(%dma_wait3A_66 : memref<2048xf32, #tpu.memory_space<hbm>>)
    %dma_wait3A_70 = arith.constant 0 : i32
    %dma_wait3A_71 = arith.constant 0 : i32
    %dma_wait3A_72 = arith.constant 0 : i32
    %dma_wait3A_73 = arith.constant 0 : i32
    %dma_wait3A_74 = tpu.memref_slice %arg6[%dma_wait3A_71, %dma_wait3A_72, %dma_wait3A_73] : memref<2x16x512xi32, #tpu.memory_space<vmem>> -> memref<1x16x512xi32, #tpu.memory_space<vmem>>
    %dma_wait3A_75 = tpu.memref_squeeze %dma_wait3A_74 : memref<1x16x512xi32, #tpu.memory_space<vmem>> -> memref<16x512xi32, #tpu.memory_space<vmem>>
    %dma_wait3A_76 = arith.constant 0 : i32
    %dma_wait3A_77 = arith.constant 0 : i32
    %dma_wait3A_78 = tpu.memref_slice %arg8[%dma_wait3A_70, %dma_wait3A_76, %dma_wait3A_77] : memref<4x16x512xi32, #tpu.memory_space<vmem_shared>> -> memref<1x16x512xi32, #tpu.memory_space<vmem_shared>>
    %dma_wait3A_79 = tpu.memref_squeeze %dma_wait3A_78 : memref<1x16x512xi32, #tpu.memory_space<vmem_shared>> -> memref<16x512xi32, #tpu.memory_space<vmem_shared>>
    %dma_wait3A_80 = arith.constant 0 : i32
    %dma_wait3A_81 = arith.constant 0 : i32
    %dma_wait3A_82 = tpu.memref_slice %arg6[%dma_wait3A_71, %dma_wait3A_80, %dma_wait3A_81] : memref<2x16x512xi32, #tpu.memory_space<vmem>> -> memref<1x16x512xi32, #tpu.memory_space<vmem>>
    %dma_wait3A_83 = tpu.memref_squeeze %dma_wait3A_82 : memref<1x16x512xi32, #tpu.memory_space<vmem>> -> memref<16x512xi32, #tpu.memory_space<vmem>>
    %dma_wait3A_84 = arith.constant 0 : i32
    %dma_wait3A_85 = arith.constant 0 : i32
    %dma_wait3A_86 = tpu.memref_slice %arg8[%dma_wait3A_70, %dma_wait3A_84, %dma_wait3A_85] : memref<4x16x512xi32, #tpu.memory_space<vmem_shared>> -> memref<1x16x512xi32, #tpu.memory_space<vmem_shared>>
    %dma_wait3A_87 = tpu.memref_squeeze %dma_wait3A_86 : memref<1x16x512xi32, #tpu.memory_space<vmem_shared>> -> memref<16x512xi32, #tpu.memory_space<vmem_shared>>
    tpu.wait_dma2 semaphore(%arg9 : memref<!tpu.dma_semaphore, #tpu.memory_space<semaphore_mem>>) src(%dma_wait3A_87 : memref<16x512xi32, #tpu.memory_space<vmem_shared>>) dst(%dma_wait3A_83 : memref<16x512xi32, #tpu.memory_space<vmem>>)
    %dma_wait3A_88 = arith.constant 0 : i32
    %dma_wait3A_89 = arith.constant 1 : i32
    %dma_wait3A_90 = arith.constant 0 : i32
    %dma_wait3A_91 = arith.constant 0 : i32
    %dma_wait3A_92 = tpu.memref_slice %arg6[%dma_wait3A_89, %dma_wait3A_90, %dma_wait3A_91] : memref<2x16x512xi32, #tpu.memory_space<vmem>> -> memref<1x16x512xi32, #tpu.memory_space<vmem>>
    %dma_wait3A_93 = tpu.memref_squeeze %dma_wait3A_92 : memref<1x16x512xi32, #tpu.memory_space<vmem>> -> memref<16x512xi32, #tpu.memory_space<vmem>>
    %dma_wait3A_94 = arith.constant 0 : i32
    %dma_wait3A_95 = arith.constant 0 : i32
    %dma_wait3A_96 = tpu.memref_slice %arg8[%dma_wait3A_88, %dma_wait3A_94, %dma_wait3A_95] : memref<4x16x512xi32, #tpu.memory_space<vmem_shared>> -> memref<1x16x512xi32, #tpu.memory_space<vmem_shared>>
    %dma_wait3A_97 = tpu.memref_squeeze %dma_wait3A_96 : memref<1x16x512xi32, #tpu.memory_space<vmem_shared>> -> memref<16x512xi32, #tpu.memory_space<vmem_shared>>
    %dma_wait3A_98 = arith.constant 0 : i32
    %dma_wait3A_99 = arith.constant 0 : i32
    %dma_wait3A_100 = tpu.memref_slice %arg6[%dma_wait3A_89, %dma_wait3A_98, %dma_wait3A_99] : memref<2x16x512xi32, #tpu.memory_space<vmem>> -> memref<1x16x512xi32, #tpu.memory_space<vmem>>
    %dma_wait3A_101 = tpu.memref_squeeze %dma_wait3A_100 : memref<1x16x512xi32, #tpu.memory_space<vmem>> -> memref<16x512xi32, #tpu.memory_space<vmem>>
    %dma_wait3A_102 = arith.constant 0 : i32
    %dma_wait3A_103 = arith.constant 0 : i32
    %dma_wait3A_104 = tpu.memref_slice %arg8[%dma_wait3A_88, %dma_wait3A_102, %dma_wait3A_103] : memref<4x16x512xi32, #tpu.memory_space<vmem_shared>> -> memref<1x16x512xi32, #tpu.memory_space<vmem_shared>>
    %dma_wait3A_105 = tpu.memref_squeeze %dma_wait3A_104 : memref<1x16x512xi32, #tpu.memory_space<vmem_shared>> -> memref<16x512xi32, #tpu.memory_space<vmem_shared>>
    tpu.wait_dma2 semaphore(%arg10 : memref<!tpu.dma_semaphore, #tpu.memory_space<semaphore_mem>>) src(%dma_wait3A_105 : memref<16x512xi32, #tpu.memory_space<vmem_shared>>) dst(%dma_wait3A_101 : memref<16x512xi32, #tpu.memory_space<vmem>>)
    return
  }
}

module attributes {stable_mosaic.version = 14 : i64} {
  func.func @body(%arg0: i32, %arg1: memref<1xf32, #tpu.memory_space<smem>>, %arg2: memref<256x2048xf32, #tpu.memory_space<vmem>>, %arg3: memref<1x2048xf32, #tpu.memory_space<vmem>>, %arg4: memref<128x2048xf32, #tpu.memory_space<vmem>>, %arg5: memref<256x128xf32, #tpu.memory_space<vmem>>) attributes {dimension_semantics = [#tpu.dimension_semantics<arbitrary>], iteration_bounds = array<i64: 4>, scalar_prefetch = 0 : i64, scratch_operands = 0 : i64, tpu.core_type = #tpu.core_type<tc>, window_params = [{transform_indices = @transform_0, window_bounds = array<i64: 1>}, {transform_indices = @transform_1, window_bounds = array<i64: 256, 2048>}, {pipeline_mode = #tpu.pipeline_mode<synchronous>, transform_indices = @transform_2, window_bounds = array<i64: 1, 2048>}, {pipeline_mode = #tpu.pipeline_mode<synchronous>, transform_indices = @transform_3, window_bounds = array<i64: 128, 2048>}, {transform_indices = @transform_4, window_bounds = array<i64: 256, 128>}]} {
    %get3A = arith.constant 0 : index
    %get3A_0 = arith.constant 0 : index
    %get3A_1 = vector.load %arg2[%get3A, %get3A_0] : memref<256x2048xf32, #tpu.memory_space<vmem>>, vector<256x2048xf32>
    %get3A_2 = arith.constant 0 : index
    %get3A_3 = arith.constant 0 : index
    %get3A_4 = vector.load %arg3[%get3A_2, %get3A_3] : memref<1x2048xf32, #tpu.memory_space<vmem>>, vector<1x2048xf32>
    %add3A = vector.broadcast %get3A_4 : vector<1x2048xf32> to vector<256x2048xf32>
    %add3A_5 = arith.addf %get3A_1, %add3A : vector<256x2048xf32>
    %tanh3A = math.tanh %add3A_5 : vector<256x2048xf32>
    %get3A_6 = arith.constant 0 : index
    %get3A_7 = arith.constant 0 : index
    %get3A_8 = vector.load %arg4[%get3A_6, %get3A_7] : memref<128x2048xf32, #tpu.memory_space<vmem>>, vector<128x2048xf32>
    %dot_general3A = arith.constant dense<0.000000e+00> : vector<256x128xf32>
    %dot_general3A_9 = tpu.matmul %tanh3A, %get3A_8, %dot_general3A {dimension_numbers = #tpu.dot_dimension_numbers<[1], [1], [0], [0], [0, 0, 1, 0], [], []>, transpose_lhs_hint = false} : vector<256x2048xf32>, vector<128x2048xf32>, vector<256x128xf32> -> vector<256x128xf32>
    %get3A_10 = arith.constant 0 : index
    %get3A_11 = memref.load %arg1[%get3A_10] : memref<1xf32, #tpu.memory_space<smem>>
    %add3A_12 = vector.broadcast %get3A_11 : f32 to vector<256x128xf32>
    %add3A_13 = arith.addf %dot_general3A_9, %add3A_12 : vector<256x128xf32>
    %tanh3A_14 = math.tanh %add3A_13 : vector<256x128xf32>
    %swap3A = arith.constant 0 : index
    %swap3A_15 = arith.constant 0 : index
    %swap3A_16 = vector.load %arg5[%swap3A, %swap3A_15] : memref<256x128xf32, #tpu.memory_space<vmem>>, vector<256x128xf32>
    tpu.vector_store %arg5[%swap3A, %swap3A_15], %tanh3A_14 {strides = array<i32>} : memref<256x128xf32, #tpu.memory_space<vmem>>, vector<256x128xf32>,
    return
  }
  func.func @transform_0(%arg0: i32) -> i32 {
    %c0_i32 = arith.constant 0 : i32
    %c0_i32_0 = arith.constant 0 : i32
    return %c0_i32 : i32
  }
  func.func @transform_1(%arg0: i32) -> (i32, i32) {
    %c0_i32 = arith.constant 0 : i32
    %c0_i32_0 = arith.constant 0 : i32
    return %arg0, %c0_i32 : i32, i32
  }
  func.func @transform_2(%arg0: i32) -> (i32, i32) {
    %c0_i32 = arith.constant 0 : i32
    %c0_i32_0 = arith.constant 0 : i32
    %c0_i32_1 = arith.constant 0 : i32
    return %c0_i32, %c0_i32_0 : i32, i32
  }
  func.func @transform_3(%arg0: i32) -> (i32, i32) {
    %c0_i32 = arith.constant 0 : i32
    %c0_i32_0 = arith.constant 0 : i32
    %c0_i32_1 = arith.constant 0 : i32
    return %c0_i32, %c0_i32_0 : i32, i32
  }
  func.func @transform_4(%arg0: i32) -> (i32, i32) {
    %c0_i32 = arith.constant 0 : i32
    %c0_i32_0 = arith.constant 0 : i32
    return %arg0, %c0_i32 : i32, i32
  }
}

</mosaic_0001>

<sc_bundles>
// kernel: kernel.4.cloned.1.call-start
scs
__scs_entry_jumppad:
0x0: {  	(pc) =	sbr.rel $0x88, $3  }
0x1: {  	(tag) =	ssettag $0x0;
	lr =	simm.s32 $0x1  }
0x2: {  	[smem:$0x3F9B] =	sst lr;
	_ =	strace $0xD0000000  }
0x3: {  	_ = 	snop  }
0x4: {  	_ = 	snop  }
0x5: {  	_ = 	snop  }
0x6: {  	_ = 	snop  }
0x7: {  	_ = 	snop  }
__scs_overlays_trampoline_lowered:
0x8: {  	[smem:$0x3FAA] =	sst s0  }
0x9: {  	[smem:$0x3FAB] =	sst s1  }
0xa: {  	[smem:$0x3FAC] =	sst s2  }
0xb: {  	[smem:$0x3FAD] =	sst s3  }
0xc: {  	[smem:$0x3FAE] =	sst s4  }
0xd: {  	[smem:$0x3FAF] =	sst s5  }
0xe: {  	[smem:$0x3FB0] =	sst s6  }
0xf: {  	[smem:$0x3FB1] =	sst s7  }
0x10: {  	[smem:$0x3FB2] =	sst s8  }
0x11: {  	[smem:$0x3FB3] =	sst s9;
	s0 =	simm.s32 @!p0 $0x0  }
0x12: {  	s1 =	sld [smem:$0x3F99];
	s0 =	simm.s32 @p0 $0x1  }
0x13: {  	[smem:$0x3FB4] =	sst s0;
	s0 =	simm.s32 @!p1 $0x0  }
0x14: {  	s2 =	sld [smem:$0x3F98];
	s0 =	simm.s32 @p1 $0x1  }
0x15: {  	[smem:$0x3FB5] =	sst s0;
	s0 =	simm.s32 @!p2 $0x0  }
0x16: {  	s3 =	sld [smem:$0x3FDB];
	s0 =	simm.s32 @p2 $0x1  }
0x17: {  	s4 =	simm.s32 $0x1BF5;
	[smem:$0x3FB7] =	sst s0  }
0x18: {  	s0 =	sld [smem:$0x3F9A];
	_ =	swait.ge [sflag:s4], $0x0  }
0x19: {  	s7 =	sld [smem:$0x3F9B]  }
0x1a: {  	s8 =	sadd.s32 $0xFFFFE003, lr  }
0x1b: {  	s9 =	sadd.s32 $0xFFFFFEF7, lr;
	s5 =	simm.s32 $0xFFFFFFFF;
	p2 =	slt.u32 s8, $0xFFFFF086  }
0x1c: {  	p1 =	slt.u32 s9, $0xF7A;
	s5 =	simm.s32 @!p2 $0x0  }
0x1d: {  	s5 =	simm.s32 @p1 $0x1;
	p0 =	seq.s32 s7, s2  }
0x1e: {  	s7 =	smul.u32 @!p0 $0xF7A, s2;
	p2 =	seq.s32 @!p0 s5, $0x0  }
0x1f: {  	s9 =	smul.u32 $0xF7A, s1;
	s8 =	simm.s32 @!p0 $0x1BF5;
	p2 =	por !p2, p0  }
0x20: {  	[sflag:s8] =	ssyncset.s32 @!p0 $0xFFFFF086;
	s6 =	sadd.s32 @!p0 s3, s7;
	s7 =	simm.s32 @!p0 $0x108  }
0x21: {  	s3 =	sadd.s32 s3, s9;
	s6 =	sadd.s32 @!p0 $0x88, s6;
	s7 =	simm.s32 @p2 $0x1082  }
0x22: {  	[simem:s7], [sflag:s8] =	dma.local @!p0 [hbm:s6], $0xF7A  }
0x23: {  	s9 =	sor.u32 $0xD0000000, s2;
	s6 =	simm.s32 $0x108;
	_ =	swait.ge @!p0 [sflag:s8], $0x0  }
0x24: {  	s3 =	sadd.s32 $0x88, s3;
	s6 =	simm.s32 @!p1 $0x1082;
	[sflag:s4] =	ssyncset.s32 $0xFFFFF086  }
0x25: {  	[simem:s6], [sflag:s4] =	dma.local [hbm:s3], $0xF7A  }
0x26: {  	[smem:$0x3F9B] =	sst s1;
	(tag) =	ssettag s2;
	_ =	strace s9  }
0x27: {  	s1 =	sld [smem:$0x3FAB]  }
0x28: {  	s2 =	sld [smem:$0x3FAC]  }
0x29: {  	s4 =	sld [smem:$0x3FAE]  }
0x2a: {  	p0 =	seq.s32 s5, $0x0;
	s5 =	sld [smem:$0x3FAF]  }
0x2b: {  	s6 =	sld [smem:$0x3FB0]  }
0x2c: {  	s7 =	sld [smem:$0x3FB1]  }
0x2d: {  	s3 =	simm.s32 $0x108;
	s8 =	sld [smem:$0x3FB2]  }
0x2e: {  	s3 =	simm.s32 @!p0 $0x1082;
	s9 =	sld [smem:$0x3FB3]  }
0x2f: {  	lr =	sadd.s32 s0, s3;
	s0 =	sld [smem:$0x3FAA]  }
0x30: {  	s3 =	sld [smem:$0x3FAD]  }
0x31: {  	[smem:$0x3FB6] =	sst s10  }
0x32: {  	s10 =	sld [smem:$0x3FB4];
	_ =	sdelay $0x3  }
0x33: {  	p0 =	seq.s32 s10, $0x1;
	s10 =	sld [smem:$0x3FB6];
	_ =	sdelay $0x3  }
0x34: {  	[smem:$0x3FB6] =	sst s10  }
0x35: {  	s10 =	sld [smem:$0x3FB5];
	_ =	sdelay $0x3  }
0x36: {  	p1 =	seq.s32 s10, $0x1;
	s10 =	sld [smem:$0x3FB6];
	_ =	sdelay $0x3  }
0x37: {  	[smem:$0x3FB6] =	sst s10  }
0x38: {  	s10 =	sld [smem:$0x3FB7]  }
0x39: {  	_ = 	snop;
	(pc) =	sbr.ind lr, $3  }
0x3a: {  	_ = 	snop  }
0x3b: {  	_ = 	snop  }
0x3c: {  	p2 =	seq.s32 s10, $0x1;
	s10 =	sld [smem:$0x3FB6]  }
0x3d: {  	_ =	shalt  }
0x3e: {  	_ =	shalt  }
0x3f: {  	_ =	shalt  }
0x40: {  	_ =	shalt  }
0x41: {  	_ =	shalt  }
0x42: {  	_ =	shalt  }
0x43: {  	_ =	shalt  }
0x44: {  	_ =	shalt  }
0x45: {  	_ =	shalt  }
0x46: {  	_ =	shalt  }
0x47: {  	_ =	shalt  }
0x48: {  	_ =	shalt  }
0x49: {  	_ =	shalt  }
0x4a: {  	_ =	shalt  }
0x4b: {  	_ =	shalt  }
0x4c: {  	_ =	shalt  }
0x4d: {  	_ =	shalt  }
0x4e: {  	_ =	shalt  }
0x4f: {  	_ =	shalt  }
0x50: {  	_ =	shalt  }
0x51: {  	_ =	shalt  }
0x52: {  	_ =	shalt  }
0x53: {  	_ =	shalt  }
0x54: {  	_ =	shalt  }
0x55: {  	_ =	shalt  }
0x56: {  	_ =	shalt  }
0x57: {  	_ =	shalt  }
0x58: {  	_ =	shalt  }
0x59: {  	_ =	shalt  }
0x5a: {  	_ =	shalt  }
0x5b: {  	_ =	shalt  }
0x5c: {  	_ =	shalt  }
0x5d: {  	_ =	shalt  }
0x5e: {  	_ =	shalt  }
0x5f: {  	_ =	shalt  }
0x60: {  	_ =	shalt  }
0x61: {  	_ =	shalt  }
0x62: {  	_ =	shalt  }
0x63: {  	_ =	shalt  }
0x64: {  	_ =	shalt  }
0x65: {  	_ =	shalt  }
0x66: {  	_ =	shalt  }
0x67: {  	_ =	shalt  }
0x68: {  	_ =	shalt  }
0x69: {  	_ =	shalt  }
0x6a: {  	_ =	shalt  }
0x6b: {  	_ =	shalt  }
0x6c: {  	_ =	shalt  }
0x6d: {  	_ =	shalt  }
0x6e: {  	_ =	shalt  }
0x6f: {  	_ =	shalt  }
0x70: {  	_ =	shalt  }
0x71: {  	_ =	shalt  }
0x72: {  	_ =	shalt  }
0x73: {  	_ =	shalt  }
0x74: {  	_ =	shalt  }
0x75: {  	_ =	shalt  }
0x76: {  	_ =	shalt  }
0x77: {  	_ =	shalt  }
0x78: {  	_ =	shalt  }
0x79: {  	_ =	shalt  }
0x7a: {  	_ =	shalt  }
0x7b: {  	_ =	shalt  }
0x7c: {  	_ =	shalt  }
0x7d: {  	_ =	shalt  }
0x7e: {  	_ =	shalt  }
0x7f: {  	_ =	shalt  }
0x80: {  	_ =	shalt  }
0x81: {  	_ =	shalt  }
0x82: {  	_ =	shalt  }
0x83: {  	_ =	shalt  }
0x84: {  	_ =	shalt  }
0x85: {  	_ =	shalt  }
0x86: {  	_ =	shalt  }
0x87: {  	_ =	shalt  }
.Lfunc_end0:
.L_simem_size_0:
called_computation_lowered:
.L_overlay_start_0:
0x88: {  	s2 =	sld [smem:$0x3FD9]  }
0x89: {  	s3 =	sld [smem:$0x3FFE];
	_ =	sdelay $0x1  }
0x8a: {  	s1 =	srdreg.scid  }
0x8b: {  	s0 =	sand.u32 $0x1, s1  }
0x8c: {  	s16 =	sshll.u32 s0, $0xA;
	s2 =	sadd.s32 s3, s2  }
0x8d: {  	s2 =	sadd.s32 s2, s16  }
0x8e: {  	[smem:$0x3FC2] =	sst s2  }
0x8f: {  	_ = 	snop  }
0x90: {  	(tm) =	ssettm $0x1  }
0x91: {  	s17 =	sld [smem:$0x3FFB];
	_ =	sdelay $0x3  }
0x92: {  	_ =	strace s17  }
0x93: {  	s2 =	sld [smem:$0x3FFC];
	_ =	sdelay $0x3  }
0x94: {  	_ =	strace s2  }
0x95: {  	s2 =	sld [smem:$0x3FFD];
	_ =	sdelay $0x3  }
0x96: {  	_ =	strace s2  }
0x97: {  	_ =	strace $0x8FFFFFFF  }
0x98: {  	s18 =	sld [smem:$0x3FDB];
	_ =	sdelay $0x1  }
0x99: {  	s19 =	simm.s32 $_scs_section_size  }
0x9a: {  	s4 =	simm.s32 $_size__tile_overlayer_lowered;
	s5 =	simm.s32 $_tile_overlayer_lowered  }
0x9b: {  	s22 =	simm.s32 $0x1BFF;
	s21 =	sshll.u32 s5, $0x1;
	s2 =	sadd.s32 s19, s18  }
0x9c: {  	s6 =	simm.s32 $0x0;
	s20 =	sshll.u32 s4, $0x1;
	s4 =	sadd.s32 s21, s2  }
0x9d: {  	[timem:s6], [sflag:s22] =	dma.local [hbm:s4], s20  }
0x9e: {  	_ =	swait.ge [sflag:s22], s20  }
0x9f: {  	s3 =	ssub.s32 $0x0, s20;
	[sflag:s22] =	ssyncset.done $0x0  }
0xa0: {  	[sflag:s22] =	ssyncadd.s32 s3;
	_ =	sdelay $0x1  }
0xa1: {  	s23 =	simm.s32 $0x1B8B  }
0xa2: {  	_ =	swait.ge [sflag:s23], $0x1  }
0xa3: {  	[sflag:s23] =	ssyncset.done $0x0  }
0xa4: {  	s25 =	simm.s32 $0x1B8E;
	s24 =	sld [smem:$0x3FFE];
	[sflag:s23] =	ssyncadd.s32 $0xFFFFFFFF  }
0xa5: {  	s26 =	simm.s32 $execute0_lowered;
	[smem:$0x3FD2] =	sst s25  }
0xa6: {  	s4 =	sshll.u32 s26, $0x1;
	_ =	strace $0x80000046;
	[dreg:$0x1] =	wrdreg $0xFFFFFFFF  }
0xa7: {  	s28 =	simm.s32 $_size_execute0_lowered;
	s2 =	sadd.s32 s2, s4;
	[dreg:$0x0] =	wrdreg $0x0  }
0xa8: {  	s4 =	sshll.u32 s28, $0x1;
	[dreg:$0x2] =	wrdreg s2  }
0xa9: {  	[dreg:$0x3] =	wrdreg s4  }
0xaa: {  	[dreg:$0x4] =	wrdreg $0xC0  }
0xab: {  	_ =	task [dreg:s6], $0x5FFFF  }
0xac: {  	[dreg:$0x1] =	wrdreg $0xFFFFFFFF  }
0xad: {  	[dreg:$0x0] =	wrdreg $0x60  }
0xae: {  	[dreg:$0x2] =	wrdreg s24  }
0xaf: {  	[dreg:$0x3] =	wrdreg $0x1D7000  }
0xb0: {  	[dreg:$0x4] =	wrdreg $0x9  }
0xb1: {  	_ =	task.clear_ibuf [dreg:s6], $0x5FFFF;
	_ =	strace $0x90000046  }
0xb2: {  	s29 =	simm.s32 $0x9;
	_ =	strace $0x80000048  }
0xb3: {  	_ =	swait.ge [sflag:s29], $0x1  }
0xb4: {  	[sflag:s29] =	ssyncadd.s32 $0xFFFFFFFF  }
0xb5: {  	_ =	strace $0x90000048  }
0xb6: {  	_ =	sfence  }
0xb7: {  	s30 =	sld [smem:$0x0];
	_ =	sdelay $0x2  }
0xb8: {  	s31 =	sshll.u32 s1, $0xD;
	s1 =	sshrl.u32 s1, $0x2  }
0xb9: {  	s3 =	sand.u32 $0x4000, s31;
	s1 =	sadd.s32 s1, s30  }
0xba: {  	s0 =	sor.u32 s3, s0;
	s1 =	sshll.u32 s1, $0x11  }
0xbb: {  	s0 =	sor.u32 s1, s0  }
0xbc: {  	s0 =	sadd.s32 $0x8F2B, s0  }
0xbd: {  	[sflag:s0] =	ssyncadd.remote.s32 $0x1  }
0xbe: {  	_ =	sfence.sel $0xFFFF  }
0xbf: {  	[dreg:$0x0] =	wrdreg $0xFFFFFFFF;
	(pc) =	sbr.abs _section_cstart, $3  }
0xc0: {  	[dreg:$0x1] =	wrdreg $0xFFFFFFFF  }
0xc1: {  	_ =	task.clear_ibuf [dreg:s6], $0x2FFFF;
	_ =	strace $0x9FFFFFFF  }
0xc2: {  	(tm) =	ssettm $0x7FFFFFFF  }
0xc3: {  	_ =	shalt  }
tec
execute0_lowered:
.L_overlay_start_1:
0x0: {  	(tag) =	ssettag $0x1  }
0x1: {  	s0 =	rddreg [dreg:$0x0]  }
0x2: {  	s15 =	rddreg [dreg:$0x1];
	s2 =	simm.s32 $0x0;
	s3 =	srdreg.scid  }
0x3: {  	s5 =	stileid.u32;
	[smem:$0x7FF] =	sst s2;
	s16 =	sadd.s32 $0xA00, s0  }
0x4: {  	s3 =	sand.u32 $0x1, s3;
	s1 =	sadd.s32 $0xC38A00, s0;
	s0 =	sadd.s32 $0xC39A00, s0  }
0x5: {  	s29 =	sadd.s32 $0x2000, s15;
	_ =	strace $0x80000047;
	[dreg:$0x4] =	wrdreg s1  }
0x6: {  	s30 =	sshll.u32 s5, $0x6;
	s4 =	ssub.s32 $0x2, s3;
	[dreg:$0x5] =	wrdreg s0  }
0x7: {  	[dreg:$0x6] =	wrdreg s29;
	s3 =	sshll.u32 s3, $0x5;
	s28 =	sshrl.u32 s4, $0x1  }
0x8: {  	[dreg:$0x3] =	wrdreg s16;
	s31 =	sor.u32 s3, s30;
	s0 =	ssub.s32 s4, s28  }
0x9: {  	p0 =	sne.s32 s5, $0x0;
	[dreg:$0x7] =	wrdreg s31;
	s0 =	smax.u32 s0, $0x1  }
0xa: {  	[dreg:$0x8] =	wrdreg s0;
	s0 =	sshrl.u32 @!p0 s15, $0x3  }
0xb: {  	s3 =	simm.s32 $0x0;
	[dreg:$0x9] =	wrdreg s0  }
.LBB2_1:
0xc: {  	[dreg:$0xa] =	wrdreg s3  }
0xd: {  	s1 =	rddreg [dreg:$0x4]  }
0xe: {  	s0 =	simm.s32 @!p0 $0x1C05;
	s3 =	rddreg [dreg:$0x9]  }
0xf: {  	[spmem:s3], [sflag:s0] =	dma.local @!p0 [hbm:s1], $0x1000  }
0x10: {  	s0 =	simm.s32 @!p0 $0x5  }
0x11: {  	_ =	swait.ge @!p0 [sflag:s0], $0x1000  }
0x12: {  	[sflag:s0] =	ssyncset.done @!p0 $0x0  }
0x13: {  	[sflag:s0] =	ssyncadd.s32 @!p0 $0xFFFFF000  }
0x14: {  	s29 =	simm.s32 $0x18700;
	[bflag:$0x0] =	sbarrier.arrive $0xFFFF  }
0x15: {  	[tilespmem:s29], [sflag:$0x1] =	stream.linear.gather [spmem:s15], $0x2000, $0x38;
	[tilespmem:$0x1DF00] =	vst v63  }
0x16: {  	s31 =	simm.s32 $0x1A700;
	s4 =	simm.s32 $0x0;
	s30 =	rddreg [dreg:$0x6]  }
0x17: {  	[tilespmem:s31], [sflag:$0x2] =	stream.linear.gather [spmem:s30], $0x2000, $0x38;
	[tilespmem:$0x1DF00] =	vst v63  }
.LBB2_2:
0x18: {  	s0 =	sshll.u32 s4, $0x1;
	s1 =	rddreg [dreg:$0x7]  }
0x19: {  	s0 =	sadd.s32 s1, s0  }
0x1a: {  	s1 =	sshrl.u32 s0, $0x3  }
0x1b: {  	s29 =	sshll.u32 s4, $0x8;
	[dreg:$0xf] =	wrdreg s1;
	s1 =	smul.u32 $0xC3800, s1  }
0x1c: {  	s0 =	sand.u32 $0x300, s29  }
0x1d: {  	[dreg:$0xd] =	wrdreg s0;
	s0 =	sor.u32 s0, s1  }
0x1e: {  	s30 =	simm.s32 $0x80;
	s3 =	simm.s32 $0x400;
	s0 =	sshrl.u32 s0, $0x3  }
0x1f: {  	s31 =	simm.s32 $0x5;
	[dreg:$0xc] =	wrdreg s1;
	s0 =	sadd.s32 s16, s0  }
0x20: {  	[tilespmem:s2], [sflag:$0x5] =	stream.strided.gather [hbm4b:s0+s30], $0x18700, s3, s30, $0x38;
	[tilespmem:$0x1DF00] =	vst v63  }
0x21: {  	_ =	swait.ge [sflag:s31], $0x18700  }
0x22: {  	p1 =	seq.s32 s4, $0x0;
	[sflag:s31] =	ssyncset.done $0x0  }
0x23: {  	s0 =	simm.s32 @!p1 $0x3;
	[dreg:$0xb] =	wrdreg s4;
	[sflag:s31] =	ssyncadd.s32 $0xFFFE7900  }
0x24: {  	_ =	swait.ge @!p1 [sflag:s0], $0x800  }
0x25: {  	s8 =	simm.s32 $0x0;
	[sflag:s0] =	ssyncset.done @!p1 $0x0  }
0x26: {  	p3 =	por $0x1, $0x1;
	s18 =	simm.s32 $0x0;
	[sflag:s0] =	ssyncadd.s32 @!p1 $0xFFFFF800  }
.LBB2_3:
0x27: {  	s0 =	simm.s32 $0x1  }
0x28: {  	s4 =	sand.u32 $0xC00, s8;
	s19 =	simm.s32 $0x10;
	_ =	swait.ge [sflag:s0], $0x2000  }
0x29: {  	s6 =	sadd.s32 $0x19900, s4;
	s9 =	sand.u32 $0x70, s19;
	[sflag:s0] =	ssyncset.done $0x0  }
0x2a: {  	s5 =	sadd.s32 $0x19980, s4;
	s30 =	sor.u32 s9, s6;
	[sflag:s0] =	ssyncadd.s32 $0xFFFFE000  }
0x2b: {  	s3 =	sadd.s32 $0x19A00, s4;
	s7 =	sor.u32 s9, s5;
	v0 =	vld [tilespmem:s30+$0x0]  }
0x2c: {  	s14 =	sadd.s32 $0x19700, s4;
	s31 =	sor.u32 s9, s3;
	v1 =	vld [tilespmem:s7+$0x0]  }
0x2d: {  	s12 =	sadd.s32 $0x19800, s4;
	s17 =	sor.u32 s9, s14;
	v2 =	vld [tilespmem:s31+$0x0]  }
0x2e: {  	s10 =	sadd.s32 $0x19880, s4;
	s20 =	sor.u32 s9, s12;
	v4 =	vld [tilespmem:s17+$0x0]  }
0x2f: {  	s11 =	sadd.s32 $0x18700, s4;
	s21 =	sor.u32 s9, s10;
	v6 =	vld [tilespmem:s20+$0x0]  }
0x30: {  	s22 =	sor.u32 s9, s11;
	v7 =	vld [tilespmem:s21+$0x0]  }
0x31: {  	s23 =	sor.u32 s19, s8;
	v8 =	vld [tilespmem:s22+$0x200]  }
0x32: {  	s13 =	sadd.s32 $0x19780, s4;
	s0 =	sadd.s32 $0x19A80, s4;
	s4 =	sor.u32 $0x380, s23;
	v9 =	vld [tilespmem:s22+$0x280]  }
0x33: {  	v10 =	vld [tilespmem:s4+$0x18700]  }
0x34: {  	v11 =	vld [tilespmem:s22+$0x0]  }
0x35: {  	v13 =	vld [tilespmem:s22+$0x80]  }
0x36: {  	s26 =	sand.u32 $0x60, s8;
	v15 =	vld [tilespmem:s22+$0x100]  }
0x37: {  	s6 =	sor.u32 s26, s6;
	v17 =	vld [tilespmem:s22+$0x180]  }
0x38: {  	s24 =	sand.u32 $0x7, s8;
	s3 =	sor.u32 s26, s3;
	v60 =	vld [tilespmem:s6+$0x0]  }
0x39: {  	s25 =	sshll.u32 s24, $0x4;
	s1 =	sor.u32 s9, s0;
	v32 =	vld [tilespmem:s3+$0x0];
	v12 =	vshrl.u32 v0, $0xF  }
0x3a: {  	s7 =	sor.u32 s9, s13;
	s4 =	sadd.s32 $0x0, s25;
	v3 =	vld [tilespmem:s1+$0x0];
	v14 =	vshrl.u32 v1, $0xF  }
0x3b: {  	s0 =	sor.u32 s26, s0;
	v5 =	vld [tilespmem:s7+$0x0];
	s4 =	sadd.s32 $0x10, s4;
	v16 =	vshrl.u32 v4, $0xF  }
0x3c: {  	v34 =	vld [tilespmem:s0+$0x0];
	s4 =	sor.u32 $0x300, s4;
	v20 =	vshrl.u32 v8, $0xF  }
0x3d: {  	v19 =	vld [tilespmem:s4+$0x18700];
	v21 =	vshrl.u32 v9, $0xF  }
0x3e: {  	v22 =	vshrl.u32 v11, $0xF;
	v12 =	vld.idx.msk [tilespmem:v12+s2+$0x0], $0xffff  }
0x3f: {  	v23 =	vshrl.u32 v13, $0xF;
	v14 =	vld.idx.msk [tilespmem:v14+s2+$0x0], $0xffff  }
0x40: {  	v24 =	vshrl.u32 v15, $0xF;
	v16 =	vld.idx.msk [tilespmem:v16+s2+$0x0], $0xffff  }
0x41: {  	v25 =	vshrl.u32 v17, $0xF;
	v20 =	vld.idx.msk [tilespmem:v20+s2+$0x0], $0xffff  }
0x42: {  	v26 =	vshrl.u32 v10, $0xF;
	v21 =	vld.idx.msk [tilespmem:v21+s2+$0x0], $0xffff  }
0x43: {  	v28 =	vshrl.u32 v6, $0xF;
	v22 =	vld.idx.msk [tilespmem:v22+s2+$0x0], $0xffff  }
0x44: {  	v29 =	vshrl.u32 v7, $0xF;
	v23 =	vld.idx.msk [tilespmem:v23+s2+$0x0], $0xffff  }
0x45: {  	v18 =	vshrl.u32 v5, $0xF;
	v24 =	vld.idx.msk [tilespmem:v24+s2+$0x0], $0xffff  }
0x46: {  	v30 =	vshrl.u32 v2, $0xF;
	v27 =	vshrl.u32 v19, $0xF;
	v25 =	vld.idx.msk [tilespmem:v25+s2+$0x0], $0xffff  }
0x47: {  	v0 =	vshll.u32 v0, $0x11;
	v1 =	vshll.u32 v1, $0x11;
	v2 =	vshll.u32 v2, $0x11;
	v26 =	vld.idx.msk [tilespmem:v26+s2+$0x0], $0xffff  }
0x48: {  	v4 =	vshll.u32 v4, $0x11;
	v6 =	vshll.u32 v6, $0x11;
	v31 =	vshrl.u32 v3, $0xF;
	v28 =	vld.idx.msk [tilespmem:v28+s2+$0x0], $0xffff  }
0x49: {  	v8 =	vshll.u32 v8, $0x11;
	v7 =	vshll.u32 v7, $0x11;
	v9 =	vshll.u32 v9, $0x11;
	v29 =	vld.idx.msk [tilespmem:v29+s2+$0x0], $0xffff  }
0x4a: {  	v10 =	vshll.u32 v10, $0x11;
	v11 =	vshll.u32 v11, $0x11;
	v13 =	vshll.u32 v13, $0x11;
	v18 =	vld.idx.msk [tilespmem:v18+s2+$0x0], $0xffff  }
0x4b: {  	v15 =	vshll.u32 v15, $0x11;
	v27 =	vld.idx.msk [tilespmem:v27+s2+$0x0], $0xffff;
	v0 =	vmul.f32 v0, v12;
	v1 =	vmul.f32 v1, v14  }
0x4c: {  	v17 =	vshll.u32 v17, $0x11;
	v12 =	vld.idx.msk [tilespmem:v30+s2+$0x0], $0xffff;
	v4 =	vmul.f32 v4, v16;
	v8 =	vmul.f32 v8, v20  }
0x4d: {  	s28 =	sand.u32 $0x3, s8;
	s17 =	sor.u32 s26, s11;
	v3 =	vshll.u32 v3, $0x11;
	v14 =	vld.idx.msk [tilespmem:v31+s2+$0x0], $0xffff;
	v9 =	vmul.f32 v9, v21;
	v11 =	vmul.f32 v11, v22  }
0x4e: {  	s19 =	sshll.u32 s28, $0x5;
	v5 =	vshll.u32 v5, $0x11;
	v16 =	vld [tilespmem:s17+$0x0];
	v13 =	vmul.f32 v13, v23;
	v15 =	vmul.f32 v15, v24  }
0x4f: {  	s19 =	sadd.s32 $0x0, s19;
	v19 =	vshll.u32 v19, $0x11;
	v20 =	vld [tilespmem:s17+$0x100];
	v17 =	vmul.f32 v17, v25;
	v10 =	vmul.f32 v10, v26  }
0x50: {  	s19 =	sor.u32 $0x300, s19;
	v21 =	vld [tilespmem:s17+$0x180];
	v6 =	vmul.f32 v6, v28;
	v11 =	vadd.f32 $0.0e+00, v11;
	v13 =	vadd.f32 $0.0e+00, v13  }
0x51: {  	v22 =	vld [tilespmem:s19+$0x18700];
	v15 =	vadd.f32 $0.0e+00, v15;
	v17 =	vadd.f32 $0.0e+00, v17;
	v19 =	vmul.f32 v19, v27  }
0x52: {  	s7 =	sor.u32 s26, s10;
	v5 =	vmul.f32 v5, v18;
	v18 =	vld [tilespmem:s17+$0x80];
	v8 =	vadd.f32 v8, v11;
	v9 =	vadd.f32 v9, v13  }
0x53: {  	v7 =	vmul.f32 v7, v29;
	v23 =	vld [tilespmem:s7+$0x0];
	v10 =	vadd.f32 v10, v17;
	v13 =	vadd.f32 v19, v15  }
0x54: {  	s30 =	sor.u32 s8, s8;
	v11 =	vld [tilespmem:s17+$0x200];
	v17 =	vshrl.u32 v16, $0xF;
	v2 =	vmul.f32 v2, v12;
	v12 =	vshrl.u32 v20, $0xF  }
0x55: {  	s19 =	sor.u32 $0x380, s30;
	v15 =	vld [tilespmem:s17+$0x280];
	v3 =	vmul.f32 v3, v14;
	v16 =	vshll.u32 v16, $0x11;
	v20 =	vshll.u32 v20, $0x11  }
0x56: {  	s12 =	sor.u32 s26, s12;
	v19 =	vld [tilespmem:s19+$0x18700];
	v62 =	vshll.u32 v22, $0x11;
	v4 =	vadd.f32 v4, v8;
	v5 =	vadd.f32 v5, v9  }
0x57: {  	s14 =	sor.u32 s26, s14;
	v14 =	vld [tilespmem:s12+$0x0];
	v8 =	vshrl.u32 v18, $0xF;
	v7 =	vadd.f32 v7, v10;
	v10 =	vshrl.u32 v21, $0xF  }
0x58: {  	s13 =	sor.u32 s26, s13;
	v9 =	vld [tilespmem:s14+$0x0];
	v18 =	vshll.u32 v18, $0x11;
	v6 =	vadd.f32 v6, v13;
	v0 =	vadd.f32 v0, v4  }
0x59: {  	v21 =	vshll.u32 v21, $0x11;
	v13 =	vld [tilespmem:s13+$0x0];
	v1 =	vadd.f32 v1, v5;
	v3 =	vadd.f32 v3, v7  }
0x5a: {  	v2 =	vadd.f32 v2, v6;
	v25 =	vshrl.u32 v11, $0xF;
	v5 =	vshll.u32 v11, $0x11;
	v7 =	vld.idx.msk [tilespmem:v17+s2+$0x0], $0xffff  }
0x5b: {  	s5 =	sor.u32 s26, s5;
	v17 =	vshrl.u32 v22, $0xF;
	v0 =	vadd.f32 v1, v0;
	v24 =	vld.idx.msk [tilespmem:v12+s2+$0x0], $0xffff;
	v26 =	vshrl.u32 v15, $0xF  }
0x5c: {  	v61 =	vshrl.u32 v19, $0xF;
	v22 =	vld [tilespmem:s5+$0x0];
	v6 =	vshll.u32 v15, $0x11;
	v35 =	vshrl.u32 v14, $0xF  }
0x5d: {  	v12 =	vshrl.u32 v23, $0xF;
	v8 =	vld.idx.msk [tilespmem:v8+s2+$0x0], $0xffff;
	v1 =	vadd.f32 v3, v2;
	v3 =	vshll.u32 v19, $0x11  }
0x5e: {  	v10 =	vld.idx.msk [tilespmem:v10+s2+$0x0], $0xffff;
	v63 =	vshrl.u32 v9, $0xF;
	v4 =	vshll.u32 v9, $0x11;
	v33 =	vshrl.u32 v13, $0xF  }
0x5f: {  	v2 =	vshll.u32 v13, $0x11;
	v27 =	vadd.f32 v1, v0;
	v0 =	vshll.u32 v14, $0x11;
	v15 =	vld.idx.msk [tilespmem:v25+s2+$0x0], $0xffff  }
0x60: {  	v1 =	vshll.u32 v23, $0x11;
	v25 =	vshrl.u32 v32, $0xF;
	v7 =	vmul.f32 v16, v7;
	v36 =	vld.idx.msk [tilespmem:v17+s2+$0x0], $0xffff  }
0x61: {  	s24 =	sshll.u32 s18, $0xB;
	v9 =	vmul.f32 v20, v24;
	v19 =	vld.idx.msk [tilespmem:v26+s2+$0x0], $0xffff;
	v24 =	vshrl.u32 v60, $0xF;
	v20 =	vshrl.u32 v22, $0xF  }
0x62: {  	p2 =	por p3, p3;
	s17 =	sand.u32 $0xB00, s24;
	v17 =	vld.idx.msk [tilespmem:v61+s2+$0x0], $0xffff;
	v8 =	vmul.f32 v18, v8;
	v18 =	vshrl.u32 v34, $0xF;
	v13 =	vadd.f32 $0.0e+00, v7  }
0x63: {  	s23 =	simm.s32 $0x0;
	s20 =	simm.s32 $0x1;
	s31 =	sadd.s32 $0x1C700, s17;
	v23 =	vld.idx.msk [tilespmem:v35+s2+$0x0], $0xffff;
	v7 =	vmul.f32 v21, v10;
	v16 =	vadd.f32 $0.0e+00, v9;
	v9 =	vshll.u32 v22, $0x11  }
0x64: {  	s21 =	simm.s32 $0x0;
	s22 =	simm.s32 $0x0;
	s0 =	sor.u32 s9, s31;
	v21 =	vld.idx.msk [tilespmem:v63+s2+$0x0], $0xffff;
	v10 =	vshll.u32 v32, $0x11;
	v11 =	vadd.f32 $0.0e+00, v8;
	v8 =	vshll.u32 v60, $0x11  }
0x65: {  	s19 =	simm.s32 $0x0;
	s29 =	sor.u32 s26, s31;
	s9 =	smov.u32 s24;
	[tilespmem:s0+$0x0] =	vst v27;
	v22 =	vld.idx.msk [tilespmem:v33+s2+$0x0], $0xffff;
	v14 =	vadd.f32 $0.0e+00, v7;
	v7 =	vshll.u32 v34, $0x11;
	v26 =	vmul.f32 v62, v36  }
.LBB2_4:
0x66: {  	s0 =	sand.u32 $0x3, s20;
	v5 =	vmul.f32 v5, v15;
	v12 =	vld.idx.msk [tilespmem:v12+s2+$0x0], $0xffff  }
0x67: {  	v6 =	vmul.f32 v6, v19;
	s21 =	sadd.s32 $0x100, s21;
	s22 =	sadd.s32 $0x20, s22;
	s0 =	sshll.u32 s0, $0x5;
	v15 =	vadd.f32 v26, v16;
	v16 =	vld.idx.msk [tilespmem:v24+s2+$0x0], $0xffff  }
0x68: {  	s25 =	sand.u32 $0x60, s22;
	s4 =	sand.u32 $0xC00, s21;
	s31 =	sadd.s32 $0x10, s22;
	v3 =	vmul.f32 v3, v17;
	v5 =	vadd.f32 v5, v13;
	v13 =	vld.idx.msk [tilespmem:v20+s2+$0x0], $0xffff  }
0x69: {  	s0 =	sadd.s32 s0, s21;
	s3 =	sadd.s32 $0x19900, s4;
	s26 =	sand.u32 $0x70, s31;
	v6 =	vadd.f32 v6, v11;
	v4 =	vmul.f32 v4, v21;
	v11 =	vld.idx.msk [tilespmem:v25+s2+$0x0], $0xffff  }
0x6a: {  	s6 =	sor.u32 s22, s21;
	s7 =	sadd.s32 $0x19980, s4;
	s12 =	sor.u32 s26, s3;
	v3 =	vadd.f32 v3, v14;
	v2 =	vmul.f32 v2, v22;
	v14 =	vld.idx.msk [tilespmem:v18+s2+$0x0], $0xffff  }
0x6b: {  	s10 =	sadd.s32 $0x19A00, s4;
	s5 =	sor.u32 $0x300, s0;
	s0 =	sor.u32 s26, s7;
	v4 =	vadd.f32 v4, v5;
	v0 =	vmul.f32 v0, v23;
	v17 =	vld [tilespmem:s12+$0x0]  }
0x6c: {  	s13 =	sor.u32 $0x380, s6;
	s11 =	sadd.s32 $0x19A80, s4;
	v2 =	vadd.f32 v2, v6;
	v1 =	vmul.f32 v1, v12;
	v5 =	vld [tilespmem:s0+$0x0];
	s0 =	sor.u32 s26, s10  }
0x6d: {  	s6 =	sadd.s32 $0x19700, s4;
	s28 =	sor.u32 s25, s3;
	v0 =	vadd.f32 v0, v15;
	v8 =	vmul.f32 v8, v16;
	v6 =	vld [tilespmem:s0+$0x0];
	s0 =	sor.u32 s26, s11  }
0x6e: {  	s3 =	sor.u32 s25, s6;
	s6 =	sor.u32 s26, s6;
	s12 =	sadd.s32 $0x19780, s4;
	v1 =	vadd.f32 v1, v3;
	v3 =	vmul.f32 v9, v13;
	v12 =	vld [tilespmem:s0+$0x0]  }
0x6f: {  	s30 =	sadd.s32 $0x19800, s4;
	s0 =	sor.u32 s25, s12;
	v4 =	vadd.f32 v8, v4;
	v8 =	vmul.f32 v10, v11;
	v9 =	vld [tilespmem:s6+$0x0];
	s6 =	sor.u32 s26, s12  }
0x70: {  	s14 =	sor.u32 s25, s30;
	s30 =	sor.u32 s26, s30;
	s12 =	sadd.s32 $0x19880, s4;
	v2 =	vadd.f32 v3, v2;
	v3 =	vmul.f32 v7, v14;
	v10 =	vld [tilespmem:s6+$0x0]  }
0x71: {  	s1 =	sadd.s32 $0x18700, s4;
	s6 =	sor.u32 s25, s12;
	s12 =	sor.u32 s26, s12;
	v0 =	vadd.f32 v8, v0;
	v7 =	vld [tilespmem:s30+$0x0]  }
0x72: {  	s4 =	sor.u32 s25, s1;
	s1 =	sor.u32 s26, s1;
	s30 =	sor.u32 s25, s7;
	v1 =	vadd.f32 v3, v1;
	v2 =	vadd.f32 v2, v4;
	v8 =	vld [tilespmem:s12+$0x0]  }
0x73: {  	s7 =	sor.u32 s25, s11;
	s12 =	sor.u32 s25, s10;
	s10 =	sor.u32 s31, s21;
	v3 =	vld [tilespmem:s1+$0x200]  }
0x74: {  	s23 =	sadd.s32 $0x2, s23;
	s10 =	sor.u32 $0x380, s10;
	v0 =	vadd.f32 v1, v0;
	v4 =	vld [tilespmem:s1+$0x280]  }
0x75: {  	s11 =	sand.u32 $0x7, s23;
	v1 =	vld [tilespmem:s10+$0x18700]  }
0x76: {  	v13 =	vshrl.u32 v17, $0xF;
	s10 =	sshll.u32 s11, $0x4;
	v0 =	vadd.f32 v0, v2;
	v11 =	vld [tilespmem:s1+$0x0]  }
0x77: {  	s19 =	sadd.s32 $0x2, s19;
	v14 =	vshrl.u32 v5, $0xF;
	s10 =	sadd.s32 s21, s10;
	v2 =	vld [tilespmem:s1+$0x80]  }
0x78: {  	p3 =	slt.u32 s19, $0x1E;
	v16 =	vshrl.u32 v9, $0xF;
	s10 =	sadd.s32 $0x10, s10;
	v15 =	vld [tilespmem:s1+$0x100];
	[tilespmem:s29+$0x0] =	vst v0  }
0x79: {  	v18 =	vshrl.u32 v10, $0xF;
	v0 =	vld [tilespmem:s1+$0x180];
	s1 =	sor.u32 $0x300, s10  }
0x7a: {  	v20 =	vshrl.u32 v3, $0xF;
	v19 =	vld [tilespmem:s1+$0x18700]  }
0x7b: {  	v21 =	vshrl.u32 v4, $0xF;
	v13 =	vld.idx.msk [tilespmem:v13+s2+$0x0], $0xffff  }
0x7c: {  	v22 =	vshrl.u32 v11, $0xF;
	v14 =	vld.idx.msk [tilespmem:v14+s2+$0x0], $0xffff  }
0x7d: {  	v23 =	vshrl.u32 v2, $0xF;
	v16 =	vld.idx.msk [tilespmem:v16+s2+$0x0], $0xffff  }
0x7e: {  	v24 =	vshrl.u32 v15, $0xF;
	v18 =	vld.idx.msk [tilespmem:v18+s2+$0x0], $0xffff  }
0x7f: {  	v25 =	vshrl.u32 v0, $0xF;
	v20 =	vld.idx.msk [tilespmem:v20+s2+$0x0], $0xffff  }
0x80: {  	v17 =	vshll.u32 v17, $0x11;
	v26 =	vshrl.u32 v1, $0xF;
	v21 =	vld.idx.msk [tilespmem:v21+s2+$0x0], $0xffff  }
0x81: {  	v5 =	vshll.u32 v5, $0x11;
	v28 =	vshll.u32 v6, $0x11;
	v27 =	vshrl.u32 v19, $0xF;
	v22 =	vld.idx.msk [tilespmem:v22+s2+$0x0], $0xffff  }
0x82: {  	v30 =	vshll.u32 v12, $0x11;
	v9 =	vshll.u32 v9, $0x11;
	v29 =	vshrl.u32 v7, $0xF;
	v23 =	vld.idx.msk [tilespmem:v23+s2+$0x0], $0xffff  }
0x83: {  	v10 =	vshll.u32 v10, $0x11;
	v7 =	vshll.u32 v7, $0x11;
	v31 =	vshrl.u32 v8, $0xF;
	v24 =	vld.idx.msk [tilespmem:v24+s2+$0x0], $0xffff  }
0x84: {  	v6 =	vshrl.u32 v6, $0xF;
	v8 =	vshll.u32 v8, $0x11;
	v3 =	vshll.u32 v3, $0x11;
	v25 =	vld.idx.msk [tilespmem:v25+s2+$0x0], $0xffff  }
0x85: {  	v12 =	vshrl.u32 v12, $0xF;
	v4 =	vshll.u32 v4, $0x11;
	v1 =	vshll.u32 v1, $0x11;
	v26 =	vld.idx.msk [tilespmem:v26+s2+$0x0], $0xffff  }
0x86: {  	v11 =	vshll.u32 v11, $0x11;
	v13 =	vmul.f32 v17, v13;
	v5 =	vmul.f32 v5, v14;
	v27 =	vld.idx.msk [tilespmem:v27+s2+$0x0], $0xffff  }
0x87: {  	v2 =	vshll.u32 v2, $0x11;
	v9 =	vmul.f32 v9, v16;
	v10 =	vmul.f32 v10, v18;
	v14 =	vld.idx.msk [tilespmem:v29+s2+$0x0], $0xffff  }
0x88: {  	v15 =	vshll.u32 v15, $0x11;
	v3 =	vmul.f32 v3, v20;
	v4 =	vmul.f32 v4, v21;
	v16 =	vld.idx.msk [tilespmem:v31+s2+$0x0], $0xffff  }
0x89: {  	v0 =	vshll.u32 v0, $0x11;
	v11 =	vmul.f32 v11, v22;
	v2 =	vmul.f32 v2, v23;
	v6 =	vld.idx.msk [tilespmem:v6+s2+$0x0], $0xffff  }
0x8a: {  	v17 =	vshll.u32 v19, $0x11;
	v15 =	vmul.f32 v15, v24;
	v0 =	vmul.f32 v0, v25;
	v12 =	vld.idx.msk [tilespmem:v12+s2+$0x0], $0xffff  }
0x8b: {  	v11 =	vadd.f32 $0.0e+00, v11;
	v2 =	vadd.f32 $0.0e+00, v2;
	v1 =	vmul.f32 v1, v26;
	v18 =	vld [tilespmem:s4+$0x0]  }
0x8c: {  	v15 =	vadd.f32 $0.0e+00, v15;
	v0 =	vadd.f32 $0.0e+00, v0;
	v17 =	vmul.f32 v17, v27;
	v19 =	vld [tilespmem:s4+$0x80]  }
0x8d: {  	v3 =	vadd.f32 v3, v11;
	v2 =	vadd.f32 v4, v2;
	v4 =	vmul.f32 v7, v14;
	v20 =	vld [tilespmem:s4+$0x100]  }
0x8e: {  	v11 =	vadd.f32 v17, v15;
	v0 =	vadd.f32 v1, v0;
	v1 =	vmul.f32 v8, v16;
	v7 =	vld [tilespmem:s4+$0x180]  }
0x8f: {  	v3 =	vadd.f32 v9, v3;
	v2 =	vadd.f32 v10, v2;
	v6 =	vmul.f32 v28, v6;
	v8 =	vld [tilespmem:s5+$0x18700]  }
0x90: {  	v4 =	vadd.f32 v4, v11;
	v0 =	vadd.f32 v1, v0;
	v1 =	vmul.f32 v30, v12;
	v9 =	vld [tilespmem:s4+$0x200]  }
0x91: {  	v3 =	vadd.f32 v13, v3;
	v2 =	vadd.f32 v5, v2;
	v11 =	vshrl.u32 v18, $0xF;
	v10 =	vld [tilespmem:s4+$0x280]  }
0x92: {  	v13 =	vshrl.u32 v19, $0xF;
	v4 =	vadd.f32 v6, v4;
	v0 =	vadd.f32 v1, v0;
	v12 =	vld [tilespmem:s13+$0x18700]  }
0x93: {  	v15 =	vshll.u32 v18, $0x11;
	v1 =	vshrl.u32 v20, $0xF;
	v14 =	vshrl.u32 v7, $0xF;
	v16 =	vld [tilespmem:s3+$0x0]  }
0x94: {  	s9 =	sadd.s32 $0x40, s9;
	v2 =	vadd.f32 v2, v3;
	v0 =	vadd.f32 v0, v4;
	v17 =	vshrl.u32 v8, $0xF;
	v18 =	vld [tilespmem:s0+$0x0]  }
0x95: {  	v19 =	vshll.u32 v19, $0x11;
	v20 =	vshll.u32 v20, $0x11;
	s0 =	sand.u32 $0xB00, s9;
	v21 =	vshrl.u32 v9, $0xF;
	v22 =	vld [tilespmem:s14+$0x0]  }
0x96: {  	v7 =	vshll.u32 v7, $0x11;
	s0 =	sadd.s32 $0x1C700, s0;
	v0 =	vadd.f32 v0, v2;
	v23 =	vshrl.u32 v10, $0xF;
	v24 =	vld [tilespmem:s6+$0x0]  }
0x97: {  	v26 =	vshll.u32 v8, $0x11;
	v5 =	vshll.u32 v9, $0x11;
	s29 =	sor.u32 s25, s0;
	s0 =	sor.u32 s26, s0;
	v25 =	vshrl.u32 v12, $0xF;
	v8 =	vld.idx.msk [tilespmem:v11+s2+$0x0], $0xffff  }
0x98: {  	v6 =	vshll.u32 v10, $0x11;
	v3 =	vshll.u32 v12, $0x11;
	v9 =	vld.idx.msk [tilespmem:v13+s2+$0x0], $0xffff;
	v27 =	vshrl.u32 v16, $0xF;
	[tilespmem:s0+$0x0] =	vst v0  }
0x99: {  	v4 =	vshll.u32 v16, $0x11;
	v10 =	vld.idx.msk [tilespmem:v1+s2+$0x0], $0xffff;
	v28 =	vshrl.u32 v18, $0xF;
	v2 =	vshll.u32 v18, $0x11  }
0x9a: {  	v14 =	vld.idx.msk [tilespmem:v14+s2+$0x0], $0xffff;
	v29 =	vshrl.u32 v22, $0xF;
	v0 =	vshll.u32 v22, $0x11  }
0x9b: {  	v18 =	vld [tilespmem:s28+$0x0];
	v12 =	vshrl.u32 v24, $0xF;
	v1 =	vshll.u32 v24, $0x11  }
0x9c: {  	v22 =	vld [tilespmem:s30+$0x0]  }
0x9d: {  	v8 =	vmul.f32 v15, v8;
	v30 =	vld [tilespmem:s12+$0x0]  }
0x9e: {  	v9 =	vmul.f32 v19, v9;
	v31 =	vld [tilespmem:s7+$0x0]  }
0x9f: {  	v13 =	vadd.f32 $0.0e+00, v8;
	v8 =	vmul.f32 v20, v10;
	v32 =	vld.idx.msk [tilespmem:v17+s2+$0x0], $0xffff  }
0xa0: {  	v11 =	vadd.f32 $0.0e+00, v9;
	v7 =	vmul.f32 v7, v14;
	v15 =	vld.idx.msk [tilespmem:v21+s2+$0x0], $0xffff;
	v24 =	vshrl.u32 v18, $0xF  }
.Ltmp0:
0xa1: {  	v16 =	vadd.f32 $0.0e+00, v8;
	v8 =	vshll.u32 v18, $0x11;
	v19 =	vld.idx.msk [tilespmem:v23+s2+$0x0], $0xffff;
	v20 =	vshrl.u32 v22, $0xF;
	(pc) =	sbr.rel @p3 .LBB2_4-.Ltmp0, $4  }
0xa2: {  	v14 =	vadd.f32 $0.0e+00, v7;
	v9 =	vshll.u32 v22, $0x11;
	v17 =	vld.idx.msk [tilespmem:v25+s2+$0x0], $0xffff;
	v25 =	vshrl.u32 v30, $0xF  }
0xa3: {  	v10 =	vshll.u32 v30, $0x11;
	v18 =	vshrl.u32 v31, $0xF;
	v7 =	vshll.u32 v31, $0x11;
	v21 =	vld.idx.msk [tilespmem:v27+s2+$0x0], $0xffff  }
0xa4: {  	v22 =	vld.idx.msk [tilespmem:v28+s2+$0x0], $0xffff  }
0xa5: {  	s20 =	sadd.s32 $0x1, s20;
	v26 =	vmul.f32 v26, v32;
	v23 =	vld.idx.msk [tilespmem:v29+s2+$0x0], $0xffff  }
0xa6: {  	_ =	sdelay $0x3  }
0xa7: {  	v12 =	vld.idx.msk [tilespmem:v12+s2+$0x0], $0xffff  }
0xa8: {  	v24 =	vld.idx.msk [tilespmem:v24+s2+$0x0], $0xffff  }
0xa9: {  	v5 =	vmul.f32 v5, v15;
	v15 =	vld.idx.msk [tilespmem:v20+s2+$0x0], $0xffff  }
0xaa: {  	v6 =	vmul.f32 v6, v19;
	v19 =	vld.idx.msk [tilespmem:v25+s2+$0x0], $0xffff  }
0xab: {  	v3 =	vmul.f32 v3, v17;
	v5 =	vadd.f32 v5, v13;
	v13 =	vld.idx.msk [tilespmem:v18+s2+$0x0], $0xffff  }
0xac: {  	v6 =	vadd.f32 v6, v11;
	v4 =	vmul.f32 v4, v21;
	v2 =	vmul.f32 v2, v22  }
0xad: {  	v11 =	vadd.f32 v26, v16;
	v3 =	vadd.f32 v3, v14;
	v0 =	vmul.f32 v0, v23  }
0xae: {  	v4 =	vadd.f32 v4, v5;
	v2 =	vadd.f32 v2, v6;
	v1 =	vmul.f32 v1, v12  }
0xaf: {  	v5 =	vmul.f32 v8, v24;
	v6 =	vmul.f32 v9, v15;
	v0 =	vadd.f32 v0, v11  }
0xb0: {  	v1 =	vadd.f32 v1, v3;
	v3 =	vmul.f32 v10, v19;
	v7 =	vmul.f32 v7, v13  }
0xb1: {  	v4 =	vadd.f32 v5, v4;
	v2 =	vadd.f32 v6, v2  }
0xb2: {  	v0 =	vadd.f32 v3, v0;
	v1 =	vadd.f32 v7, v1;
	_ =	sdelay $0x1  }
0xb3: {  	v2 =	vadd.f32 v2, v4;
	v0 =	vadd.f32 v1, v0;
	_ =	sdelay $0x1  }
0xb4: {  	s18 =	sshll.u32 s18, $0xE;
	v0 =	vadd.f32 v0, v2  }
0xb5: {  	s1 =	simm.s32 $0x18700;
	s0 =	sxor.u32 $0x4000, s18  }
0xb6: {  	s10 =	simm.s32 $0x0;
	s3 =	simm.s32 $0x2;
	s0 =	sadd.s32 s0, s15;
	[tilespmem:s29+$0x0] =	vst v0  }
0xb7: {  	[tilespmem:s1], [sflag:$0x1] =	stream.linear.gather [spmem:s0], $0x2000, $0x38;
	[tilespmem:$0x1DF00] =	vst v63  }
0xb8: {  	s9 =	sand.u32 $0x60, s10;
	s1 =	sand.u32 $0xC00, s10;
	_ =	swait.ge [sflag:s3], $0x2000  }
0xb9: {  	s19 =	sor.u32 $0x10, s9;
	s6 =	sadd.s32 $0x1B900, s1;
	[sflag:s3] =	ssyncset.done $0x0  }
0xba: {  	s5 =	sadd.s32 $0x1B980, s1;
	s11 =	sor.u32 s19, s6;
	[sflag:s3] =	ssyncadd.s32 $0xFFFFE000  }
0xbb: {  	s0 =	sadd.s32 $0x1BA80, s1;
	s4 =	sor.u32 s19, s5;
	v0 =	vld [tilespmem:s11+$0x0]  }
0xbc: {  	s13 =	sadd.s32 $0x1B700, s1;
	s14 =	sor.u32 s19, s0;
	v1 =	vld [tilespmem:s4+$0x0]  }
0xbd: {  	s7 =	sadd.s32 $0x1B800, s1;
	s10 =	sor.u32 s19, s13;
	v3 =	vld [tilespmem:s14+$0x0]  }
0xbe: {  	s21 =	sor.u32 s19, s7;
	v4 =	vld [tilespmem:s10+$0x0]  }
0xbf: {  	s7 =	sor.u32 s9, s7;
	v6 =	vld [tilespmem:s21+$0x0]  }
0xc0: {  	s0 =	sor.u32 s9, s0;
	s3 =	sadd.s32 $0x1BA00, s1;
	v55 =	vld [tilespmem:s7+$0x0]  }
0xc1: {  	s22 =	sadd.s32 $0x1A900, s1;
	s12 =	sor.u32 s19, s3;
	v58 =	vld [tilespmem:s0+$0x0]  }
0xc2: {  	s4 =	sadd.s32 $0x1B880, s1;
	s11 =	sor.u32 s19, s22;
	v2 =	vld [tilespmem:s12+$0x0]  }
0xc3: {  	s21 =	sadd.s32 $0x1A980, s1;
	s23 =	sor.u32 s19, s4;
	v8 =	vld [tilespmem:s11+$0x0]  }
0xc4: {  	s14 =	sadd.s32 $0x1AA80, s1;
	s25 =	sor.u32 s19, s21;
	v7 =	vld [tilespmem:s23+$0x0]  }
0xc5: {  	s12 =	sadd.s32 $0x1B780, s1;
	s29 =	sor.u32 s19, s14;
	v9 =	vld [tilespmem:s25+$0x0]  }
0xc6: {  	s11 =	sadd.s32 $0x1A700, s1;
	s20 =	sor.u32 s19, s12;
	v11 =	vld [tilespmem:s29+$0x0]  }
0xc7: {  	s23 =	sadd.s32 $0x1A780, s1;
	s25 =	sor.u32 s19, s11;
	v5 =	vld [tilespmem:s20+$0x0]  }
0xc8: {  	s20 =	sadd.s32 $0x1AA00, s1;
	v13 =	vld [tilespmem:s25+$0x0];
	s31 =	sor.u32 s19, s23  }
0xc9: {  	s30 =	sadd.s32 $0x1A800, s1;
	s1 =	sadd.s32 $0x1A880, s1;
	s26 =	sor.u32 s19, s20;
	v15 =	vld [tilespmem:s31+$0x0]  }
0xca: {  	s29 =	sor.u32 s19, s1;
	v10 =	vld [tilespmem:s26+$0x0]  }
0xcb: {  	v12 =	vshrl.u32 v0, $0xF;
	s26 =	sor.u32 s19, s30;
	v19 =	vld [tilespmem:s29+$0x0]  }
0xcc: {  	s10 =	sor.u32 s9, s30;
	v14 =	vshrl.u32 v1, $0xF;
	s30 =	sor.u32 s9, s22;
	s22 =	sor.u32 s9, s12;
	v17 =	vld [tilespmem:s26+$0x0]  }
0xcd: {  	v16 =	vshrl.u32 v4, $0xF;
	s29 =	sor.u32 s9, s3;
	v54 =	vld [tilespmem:s22+$0x0]  }
0xce: {  	v28 =	vshrl.u32 v6, $0xF;
	s26 =	sor.u32 s9, s5;
	v57 =	vld [tilespmem:s29+$0x0]  }
0xcf: {  	v20 =	vshrl.u32 v8, $0xF;
	v56 =	vld [tilespmem:s26+$0x0]  }
0xd0: {  	v30 =	vshrl.u32 v2, $0xF;
	v12 =	vld.idx.msk [tilespmem:v12+s2+$0x0], $0xffff  }
0xd1: {  	v21 =	vshrl.u32 v9, $0xF;
	v14 =	vld.idx.msk [tilespmem:v14+s2+$0x0], $0xffff  }
0xd2: {  	v27 =	vshrl.u32 v11, $0xF;
	v16 =	vld.idx.msk [tilespmem:v16+s2+$0x0], $0xffff  }
0xd3: {  	v29 =	vshrl.u32 v7, $0xF;
	v28 =	vld.idx.msk [tilespmem:v28+s2+$0x0], $0xffff  }
0xd4: {  	v18 =	vshrl.u32 v5, $0xF;
	v20 =	vld.idx.msk [tilespmem:v20+s2+$0x0], $0xffff  }
0xd5: {  	v22 =	vshrl.u32 v13, $0xF;
	v30 =	vld.idx.msk [tilespmem:v30+s2+$0x0], $0xffff  }
0xd6: {  	v23 =	vshrl.u32 v15, $0xF;
	v21 =	vld.idx.msk [tilespmem:v21+s2+$0x0], $0xffff  }
0xd7: {  	v31 =	vshrl.u32 v3, $0xF;
	v0 =	vshll.u32 v0, $0x11;
	v52 =	vshrl.u32 v19, $0xF;
	v27 =	vld.idx.msk [tilespmem:v27+s2+$0x0], $0xffff  }
0xd8: {  	v1 =	vshll.u32 v1, $0x11;
	v4 =	vshll.u32 v4, $0x11;
	v51 =	vshrl.u32 v17, $0xF;
	v29 =	vld.idx.msk [tilespmem:v29+s2+$0x0], $0xffff  }
0xd9: {  	v3 =	vshll.u32 v3, $0x11;
	v6 =	vshll.u32 v6, $0x11;
	v53 =	vshrl.u32 v10, $0xF;
	v18 =	vld.idx.msk [tilespmem:v18+s2+$0x0], $0xffff  }
0xda: {  	v61 =	vshrl.u32 v55, $0xF;
	v2 =	vshll.u32 v2, $0x11;
	v8 =	vshll.u32 v8, $0x11;
	v22 =	vld.idx.msk [tilespmem:v22+s2+$0x0], $0xffff  }
0xdb: {  	v7 =	vshll.u32 v7, $0x11;
	v9 =	vshll.u32 v9, $0x11;
	v11 =	vshll.u32 v11, $0x11;
	v23 =	vld.idx.msk [tilespmem:v23+s2+$0x0], $0xffff  }
0xdc: {  	v5 =	vshll.u32 v5, $0x11;
	v25 =	vld.idx.msk [tilespmem:v52+s2+$0x0], $0xffff;
	v0 =	vmul.f32 v0, v12;
	v1 =	vmul.f32 v1, v14  }
0xdd: {  	v13 =	vshll.u32 v13, $0x11;
	v4 =	vmul.f32 v4, v16;
	v6 =	vmul.f32 v6, v28;
	v24 =	vld.idx.msk [tilespmem:v51+s2+$0x0], $0xffff  }
0xde: {  	v15 =	vshll.u32 v15, $0x11;
	v26 =	vld.idx.msk [tilespmem:v53+s2+$0x0], $0xffff;
	v8 =	vmul.f32 v8, v20;
	v2 =	vmul.f32 v2, v30  }
0xdf: {  	s23 =	sor.u32 s9, s23;
	v10 =	vshll.u32 v10, $0x11;
	v12 =	vld.idx.msk [tilespmem:v31+s2+$0x0], $0xffff;
	v9 =	vmul.f32 v9, v21;
	v11 =	vmul.f32 v11, v27  }
0xe0: {  	s11 =	sor.u32 s9, s11;
	v19 =	vshll.u32 v19, $0x11;
	v16 =	vld [tilespmem:s23+$0x0];
	v7 =	vmul.f32 v7, v29;
	v5 =	vmul.f32 v5, v18  }
0xe1: {  	s1 =	sor.u32 s9, s1;
	v17 =	vshll.u32 v17, $0x11;
	v14 =	vld [tilespmem:s11+$0x0];
	v13 =	vmul.f32 v13, v22;
	v15 =	vmul.f32 v15, v23  }
0xe2: {  	v59 =	vshrl.u32 v54, $0xF;
	v20 =	vld [tilespmem:s1+$0x0];
	v19 =	vmul.f32 v19, v25;
	v17 =	vmul.f32 v17, v24  }
0xe3: {  	v18 =	vld [tilespmem:s10+$0x0];
	v13 =	vadd.f32 $0.0e+00, v13;
	v10 =	vmul.f32 v10, v26;
	v15 =	vadd.f32 $0.0e+00, v15  }
0xe4: {  	s31 =	sor.u32 s9, s21;
	v21 =	vld [tilespmem:s30+$0x0];
	v3 =	vmul.f32 v3, v12;
	v19 =	vadd.f32 $0.0e+00, v19;
	v17 =	vadd.f32 $0.0e+00, v17  }
0xe5: {  	s11 =	sor.u32 s9, s20;
	v22 =	vld [tilespmem:s31+$0x0];
	v12 =	vshll.u32 v16, $0x11;
	v8 =	vadd.f32 v8, v13;
	v9 =	vadd.f32 v9, v15  }
0xe6: {  	s20 =	sor.u32 s9, s14;
	v13 =	vld [tilespmem:s11+$0x0];
	v15 =	vshrl.u32 v14, $0xF;
	v11 =	vadd.f32 v11, v19;
	v10 =	vadd.f32 v10, v17  }
0xe7: {  	s21 =	sor.u32 s9, s13;
	v23 =	vld [tilespmem:s20+$0x0];
	v4 =	vadd.f32 v4, v8;
	v5 =	vadd.f32 v5, v9;
	v9 =	vshrl.u32 v20, $0xF  }
0xe8: {  	s25 =	sor.u32 s9, s6;
	v19 =	vld [tilespmem:s21+$0x0];
	v8 =	vshrl.u32 v18, $0xF;
	v7 =	vadd.f32 v7, v11;
	v6 =	vadd.f32 v6, v10  }
0xe9: {  	s23 =	sor.u32 s9, s4;
	v17 =	vshrl.u32 v16, $0xF;
	v16 =	vld [tilespmem:s25+$0x0];
	v0 =	vadd.f32 v0, v4;
	v1 =	vadd.f32 v1, v5  }
0xea: {  	v11 =	vshrl.u32 v21, $0xF;
	v10 =	vld [tilespmem:s23+$0x0];
	v3 =	vadd.f32 v3, v7;
	v2 =	vadd.f32 v2, v6  }
0xeb: {  	v21 =	vshll.u32 v21, $0x11;
	v5 =	vld.idx.msk [tilespmem:v15+s2+$0x0], $0xffff;
	v7 =	vshll.u32 v14, $0x11;
	v15 =	vshrl.u32 v13, $0xF  }
0xec: {  	v0 =	vadd.f32 v1, v0;
	v1 =	vadd.f32 v3, v2;
	v2 =	vld.idx.msk [tilespmem:v9+s2+$0x0], $0xffff;
	v9 =	vshrl.u32 v22, $0xF  }
0xed: {  	v14 =	vshll.u32 v18, $0x11;
	v18 =	vshrl.u32 v23, $0xF;
	v13 =	vshll.u32 v13, $0x11;
	v8 =	vld.idx.msk [tilespmem:v8+s2+$0x0], $0xffff  }
0xee: {  	v4 =	vshll.u32 v19, $0x11;
	v6 =	vld.idx.msk [tilespmem:v17+s2+$0x0], $0xffff;
	v17 =	vshll.u32 v20, $0x11;
	v34 =	vshrl.u32 v16, $0xF  }
0xef: {  	v22 =	vshll.u32 v22, $0x11;
	v3 =	vshll.u32 v23, $0x11;
	v23 =	vshrl.u32 v19, $0xF;
	v60 =	vld.idx.msk [tilespmem:v11+s2+$0x0], $0xffff  }
0xf0: {  	v19 =	vshrl.u32 v57, $0xF;
	v63 =	vshrl.u32 v10, $0xF;
	v20 =	vadd.f32 v1, v0;
	v32 =	vld.idx.msk [tilespmem:v15+s2+$0x0], $0xffff  }
0xf1: {  	s30 =	sadd.s32 $0x1CB00, s17;
	v1 =	vshll.u32 v54, $0x11;
	v0 =	vshll.u32 v55, $0x11;
	v5 =	vmul.f32 v7, v5;
	v62 =	vld.idx.msk [tilespmem:v9+s2+$0x0], $0xffff  }
0xf2: {  	s31 =	sor.u32 s19, s30;
	v15 =	vld.idx.msk [tilespmem:v18+s2+$0x0], $0xffff;
	v18 =	vshrl.u32 v56, $0xF;
	v7 =	vmul.f32 v14, v8;
	v8 =	vshll.u32 v57, $0x11  }
0xf3: {  	v14 =	vld.idx.msk [tilespmem:v61+s2+$0x0], $0xffff;
	v6 =	vmul.f32 v12, v6;
	v33 =	vadd.f32 $0.0e+00, v5;
	[tilespmem:s31+$0x0] =	vst v20;
	v20 =	vshrl.u32 v58, $0xF  }
0xf4: {  	v5 =	vmul.f32 v17, v2;
	v2 =	vshll.u32 v10, $0x11;
	v9 =	vadd.f32 $0.0e+00, v7;
	v17 =	vld.idx.msk [tilespmem:v23+s2+$0x0], $0xffff  }
0xf5: {  	v21 =	vmul.f32 v21, v60;
	v11 =	vadd.f32 $0.0e+00, v6;
	v6 =	vshll.u32 v16, $0x11;
	v16 =	vld.idx.msk [tilespmem:v59+s2+$0x0], $0xffff  }
0xf6: {  	s17 =	simm.s32 $0x0;
	v7 =	vshll.u32 v56, $0x11;
	v12 =	vld.idx.msk [tilespmem:v63+s2+$0x0], $0xffff;
	v10 =	vadd.f32 $0.0e+00, v5;
	v23 =	vmul.f32 v22, v62  }
0xf7: {  	s28 =	sor.u32 s9, s30;
	s19 =	simm.s32 $0x100;
	s20 =	simm.s32 $0x20;
	v5 =	vshll.u32 v58, $0x11;
	v21 =	vadd.f32 v21, v33;
	v22 =	vmul.f32 v13, v32;
	v13 =	vld.idx.msk [tilespmem:v34+s2+$0x0], $0xffff  }
.LBB2_6:
0xf8: {  	s22 =	sand.u32 $0x60, s20;
	s6 =	sand.u32 $0xC00, s19;
	v11 =	vadd.f32 v23, v11;
	v3 =	vmul.f32 v3, v15;
	v15 =	vld.idx.msk [tilespmem:v18+s2+$0x0], $0xffff  }
0xf9: {  	v4 =	vmul.f32 v4, v17;
	s0 =	sadd.s32 $0x1B900, s6;
	s26 =	sor.u32 $0x10, s22;
	v9 =	vadd.f32 v22, v9;
	v18 =	vld.idx.msk [tilespmem:v19+s2+$0x0], $0xffff  }
0xfa: {  	s1 =	sadd.s32 $0x1B980, s6;
	v1 =	vmul.f32 v1, v16;
	s9 =	sor.u32 s22, s0;
	s0 =	sor.u32 s26, s0;
	v3 =	vadd.f32 v3, v10;
	v10 =	vld.idx.msk [tilespmem:v20+s2+$0x0], $0xffff  }
0xfb: {  	s3 =	sadd.s32 $0x1BA00, s6;
	s21 =	sor.u32 s22, s1;
	v4 =	vadd.f32 v4, v21;
	v0 =	vmul.f32 v0, v14;
	v16 =	vld [tilespmem:s0+$0x0];
	s0 =	sor.u32 s26, s1  }
0xfc: {  	s23 =	sor.u32 s22, s3;
	s1 =	sadd.s32 $0x1BA80, s6;
	v1 =	vadd.f32 v1, v11;
	v2 =	vmul.f32 v2, v12;
	v14 =	vld [tilespmem:s0+$0x0];
	s0 =	sor.u32 s26, s3  }
0xfd: {  	s3 =	sadd.s32 $0x1B700, s6;
	s25 =	sor.u32 s22, s1;
	v0 =	vadd.f32 v0, v9;
	v6 =	vmul.f32 v6, v13;
	v11 =	vld [tilespmem:s0+$0x0];
	s0 =	sor.u32 s26, s1  }
0xfe: {  	s7 =	sor.u32 s22, s3;
	s1 =	sadd.s32 $0x1B780, s6;
	s3 =	sor.u32 s26, s3;
	v2 =	vadd.f32 v2, v3;
	v3 =	vmul.f32 v7, v15;
	v9 =	vld [tilespmem:s0+$0x0]  }
0xff: {  	s13 =	sor.u32 s22, s1;
	s0 =	sadd.s32 $0x1B800, s6;
	s1 =	sor.u32 s26, s1;
	v4 =	vadd.f32 v6, v4;
	v6 =	vmul.f32 v8, v18;
	v7 =	vld [tilespmem:s3+$0x0]  }
0x100: {  	s12 =	sor.u32 s22, s0;
	s3 =	sadd.s32 $0x1B880, s6;
	s0 =	sor.u32 s26, s0;
	v1 =	vadd.f32 v3, v1;
	v3 =	vmul.f32 v5, v10;
	v8 =	vld [tilespmem:s1+$0x0]  }
0x101: {  	s1 =	sadd.s32 $0x1A900, s6;
	s29 =	sor.u32 s22, s3;
	s3 =	sor.u32 s26, s3;
	v0 =	vadd.f32 v6, v0;
	v5 =	vld [tilespmem:s0+$0x0]  }
0x102: {  	s4 =	sadd.s32 $0x1A980, s6;
	s0 =	sor.u32 s22, s1;
	s1 =	sor.u32 s26, s1;
	v2 =	vadd.f32 v3, v2;
	v1 =	vadd.f32 v1, v4;
	v6 =	vld [tilespmem:s3+$0x0]  }
0x103: {  	s5 =	sadd.s32 $0x1AA00, s6;
	s3 =	sor.u32 s22, s4;
	v3 =	vld [tilespmem:s1+$0x0];
	s1 =	sor.u32 s26, s4  }
0x104: {  	s10 =	sadd.s32 $0x1AA80, s6;
	s4 =	sor.u32 s22, s5;
	v0 =	vadd.f32 v2, v0;
	v4 =	vld [tilespmem:s1+$0x0];
	s1 =	sor.u32 s26, s5  }
0x105: {  	s11 =	sadd.s32 $0x1A700, s6;
	s5 =	sor.u32 s22, s10;
	v2 =	vld [tilespmem:s1+$0x0];
	s1 =	sor.u32 s26, s10  }
0x106: {  	s14 =	sor.u32 s22, s11;
	s11 =	sor.u32 s26, s11;
	v12 =	vshrl.u32 v16, $0xF;
	s10 =	sadd.s32 $0x1A780, s6;
	v0 =	vadd.f32 v0, v1;
	v10 =	vld [tilespmem:s1+$0x0]  }
0x107: {  	s17 =	sadd.s32 $0x2, s17;
	v13 =	vshrl.u32 v14, $0xF;
	s1 =	sadd.s32 $0x1A800, s6;
	v1 =	vld [tilespmem:s11+$0x0];
	s11 =	sor.u32 s26, s10  }
0x108: {  	s31 =	sadd.s32 $0x1A880, s6;
	p3 =	slt.u32 s17, $0x1E;
	v17 =	vshrl.u32 v7, $0xF;
	v15 =	vld [tilespmem:s11+$0x0];
	s11 =	sor.u32 s26, s1;
	[tilespmem:s28+$0x0] =	vst v0  }
0x109: {  	v18 =	vshrl.u32 v8, $0xF;
	s30 =	sor.u32 s22, s10;
	s6 =	sor.u32 s22, s1;
	s1 =	sor.u32 s26, s31;
	v0 =	vld [tilespmem:s11+$0x0]  }
0x10a: {  	s28 =	sor.u32 s22, s31;
	v20 =	vshrl.u32 v3, $0xF;
	v19 =	vld [tilespmem:s1+$0x0]  }
0x10b: {  	v21 =	vshrl.u32 v4, $0xF;
	v12 =	vld.idx.msk [tilespmem:v12+s2+$0x0], $0xffff  }
0x10c: {  	v22 =	vshrl.u32 v1, $0xF;
	v13 =	vld.idx.msk [tilespmem:v13+s2+$0x0], $0xffff  }
0x10d: {  	v23 =	vshrl.u32 v15, $0xF;
	v17 =	vld.idx.msk [tilespmem:v17+s2+$0x0], $0xffff  }
0x10e: {  	v24 =	vshrl.u32 v0, $0xF;
	v18 =	vld.idx.msk [tilespmem:v18+s2+$0x0], $0xffff  }
0x10f: {  	v25 =	vshrl.u32 v19, $0xF;
	v20 =	vld.idx.msk [tilespmem:v20+s2+$0x0], $0xffff  }
0x110: {  	v16 =	vshll.u32 v16, $0x11;
	v26 =	vshrl.u32 v2, $0xF;
	v21 =	vld.idx.msk [tilespmem:v21+s2+$0x0], $0xffff  }
0x111: {  	v14 =	vshll.u32 v14, $0x11;
	v28 =	vshll.u32 v11, $0x11;
	v27 =	vshrl.u32 v10, $0xF;
	v22 =	vld.idx.msk [tilespmem:v22+s2+$0x0], $0xffff  }
0x112: {  	v30 =	vshll.u32 v9, $0x11;
	v7 =	vshll.u32 v7, $0x11;
	v29 =	vshrl.u32 v5, $0xF;
	v23 =	vld.idx.msk [tilespmem:v23+s2+$0x0], $0xffff  }
0x113: {  	v8 =	vshll.u32 v8, $0x11;
	v5 =	vshll.u32 v5, $0x11;
	v31 =	vshrl.u32 v6, $0xF;
	v24 =	vld.idx.msk [tilespmem:v24+s2+$0x0], $0xffff  }
0x114: {  	v11 =	vshrl.u32 v11, $0xF;
	v6 =	vshll.u32 v6, $0x11;
	v3 =	vshll.u32 v3, $0x11;
	v25 =	vld.idx.msk [tilespmem:v25+s2+$0x0], $0xffff  }
0x115: {  	v9 =	vshrl.u32 v9, $0xF;
	v4 =	vshll.u32 v4, $0x11;
	v2 =	vshll.u32 v2, $0x11;
	v26 =	vld.idx.msk [tilespmem:v26+s2+$0x0], $0xffff  }
0x116: {  	v1 =	vshll.u32 v1, $0x11;
	v12 =	vmul.f32 v16, v12;
	v13 =	vmul.f32 v14, v13;
	v27 =	vld.idx.msk [tilespmem:v27+s2+$0x0], $0xffff  }
0x117: {  	v14 =	vshll.u32 v15, $0x11;
	v7 =	vmul.f32 v7, v17;
	v8 =	vmul.f32 v8, v18;
	v15 =	vld.idx.msk [tilespmem:v29+s2+$0x0], $0xffff  }
0x118: {  	v0 =	vshll.u32 v0, $0x11;
	v3 =	vmul.f32 v3, v20;
	v4 =	vmul.f32 v4, v21;
	v16 =	vld.idx.msk [tilespmem:v31+s2+$0x0], $0xffff  }
0x119: {  	v17 =	vshll.u32 v19, $0x11;
	v1 =	vmul.f32 v1, v22;
	v14 =	vmul.f32 v14, v23;
	v11 =	vld.idx.msk [tilespmem:v11+s2+$0x0], $0xffff  }
0x11a: {  	v10 =	vshll.u32 v10, $0x11;
	v0 =	vmul.f32 v0, v24;
	v17 =	vmul.f32 v17, v25;
	v9 =	vld.idx.msk [tilespmem:v9+s2+$0x0], $0xffff  }
0x11b: {  	v1 =	vadd.f32 $0.0e+00, v1;
	v14 =	vadd.f32 $0.0e+00, v14;
	v2 =	vmul.f32 v2, v26;
	v18 =	vld [tilespmem:s14+$0x0]  }
0x11c: {  	v0 =	vadd.f32 $0.0e+00, v0;
	v17 =	vadd.f32 $0.0e+00, v17;
	v10 =	vmul.f32 v10, v27;
	v19 =	vld [tilespmem:s30+$0x0]  }
0x11d: {  	v1 =	vadd.f32 v3, v1;
	v3 =	vadd.f32 v4, v14;
	v4 =	vmul.f32 v5, v15;
	v20 =	vld [tilespmem:s6+$0x0]  }
0x11e: {  	v0 =	vadd.f32 v2, v0;
	v2 =	vadd.f32 v10, v17;
	v6 =	vmul.f32 v6, v16;
	v5 =	vld [tilespmem:s28+$0x0]  }
0x11f: {  	v1 =	vadd.f32 v7, v1;
	v3 =	vadd.f32 v8, v3;
	v7 =	vmul.f32 v28, v11;
	v10 =	vld [tilespmem:s0+$0x0]  }
0x120: {  	v0 =	vadd.f32 v4, v0;
	v2 =	vadd.f32 v6, v2;
	v4 =	vmul.f32 v30, v9;
	v8 =	vld [tilespmem:s3+$0x0]  }
0x121: {  	v1 =	vadd.f32 v12, v1;
	v3 =	vadd.f32 v13, v3;
	v9 =	vshrl.u32 v18, $0xF;
	v6 =	vld [tilespmem:s4+$0x0]  }
0x122: {  	v0 =	vadd.f32 v7, v0;
	v12 =	vshrl.u32 v19, $0xF;
	v2 =	vadd.f32 v4, v2;
	v11 =	vld [tilespmem:s5+$0x0]  }
0x123: {  	v13 =	vshll.u32 v18, $0x11;
	v4 =	vshrl.u32 v20, $0xF;
	v7 =	vshrl.u32 v5, $0xF;
	v14 =	vld [tilespmem:s7+$0x0]  }
0x124: {  	s24 =	sadd.s32 $0x40, s24;
	v1 =	vadd.f32 v3, v1;
	v0 =	vadd.f32 v2, v0;
	v15 =	vshrl.u32 v10, $0xF;
	v16 =	vld [tilespmem:s13+$0x0]  }
0x125: {  	s0 =	sand.u32 $0xB00, s24;
	v18 =	vshll.u32 v19, $0x11;
	v19 =	vshll.u32 v20, $0x11;
	v17 =	vshrl.u32 v8, $0xF;
	v2 =	vld [tilespmem:s12+$0x0]  }
0x126: {  	s0 =	sadd.s32 $0x1CB00, s0;
	v5 =	vshll.u32 v5, $0x11;
	v0 =	vadd.f32 v0, v1;
	v20 =	vshrl.u32 v6, $0xF;
	v21 =	vld [tilespmem:s29+$0x0]  }
0x127: {  	s28 =	sor.u32 s22, s0;
	s0 =	sor.u32 s26, s0;
	v23 =	vshll.u32 v10, $0x11;
	v24 =	vshll.u32 v8, $0x11;
	v22 =	vshrl.u32 v11, $0xF;
	v8 =	vld.idx.msk [tilespmem:v9+s2+$0x0], $0xffff  }
0x128: {  	v25 =	vshll.u32 v6, $0x11;
	v3 =	vshll.u32 v11, $0x11;
	v6 =	vld.idx.msk [tilespmem:v12+s2+$0x0], $0xffff;
	v12 =	vshrl.u32 v14, $0xF;
	[tilespmem:s0+$0x0] =	vst v0  }
0x129: {  	v9 =	vld.idx.msk [tilespmem:v4+s2+$0x0], $0xffff;
	v26 =	vshrl.u32 v16, $0xF;
	v4 =	vshll.u32 v14, $0x11;
	v1 =	vshll.u32 v16, $0x11  }
0x12a: {  	v7 =	vld.idx.msk [tilespmem:v7+s2+$0x0], $0xffff;
	v14 =	vshrl.u32 v2, $0xF;
	v0 =	vshll.u32 v2, $0x11  }
0x12b: {  	v10 =	vld [tilespmem:s9+$0x0];
	v27 =	vshrl.u32 v21, $0xF;
	v2 =	vshll.u32 v21, $0x11  }
0x12c: {  	v16 =	vld [tilespmem:s21+$0x0]  }
0x12d: {  	v8 =	vmul.f32 v13, v8;
	v13 =	vld [tilespmem:s23+$0x0]  }
0x12e: {  	v6 =	vmul.f32 v18, v6;
	v21 =	vld [tilespmem:s25+$0x0]  }
0x12f: {  	v29 =	vadd.f32 $0.0e+00, v8;
	v8 =	vmul.f32 v19, v9;
	v28 =	vld.idx.msk [tilespmem:v15+s2+$0x0], $0xffff  }
0x130: {  	v11 =	vadd.f32 $0.0e+00, v6;
	v5 =	vmul.f32 v5, v7;
	v30 =	vld.idx.msk [tilespmem:v17+s2+$0x0], $0xffff;
	v31 =	vshrl.u32 v10, $0xF  }
0x131: {  	v9 =	vadd.f32 $0.0e+00, v8;
	v6 =	vshll.u32 v10, $0x11;
	v32 =	vld.idx.msk [tilespmem:v20+s2+$0x0], $0xffff;
	v18 =	vshrl.u32 v16, $0xF  }
0x132: {  	v10 =	vadd.f32 $0.0e+00, v5;
	v7 =	vshll.u32 v16, $0x11;
	v15 =	vld.idx.msk [tilespmem:v22+s2+$0x0], $0xffff;
	v19 =	vshrl.u32 v13, $0xF  }
.Ltmp1:
0x133: {  	v8 =	vshll.u32 v13, $0x11;
	v20 =	vshrl.u32 v21, $0xF;
	v5 =	vshll.u32 v21, $0x11;
	v17 =	vld.idx.msk [tilespmem:v12+s2+$0x0], $0xffff;
	(pc) =	sbr.rel @p3 .LBB2_6-.Ltmp1, $4  }
0x134: {  	v16 =	vld.idx.msk [tilespmem:v26+s2+$0x0], $0xffff  }
0x135: {  	v13 =	vmul.f32 v23, v28;
	v14 =	vld.idx.msk [tilespmem:v14+s2+$0x0], $0xffff  }
0x136: {  	v23 =	vmul.f32 v24, v30;
	v12 =	vld.idx.msk [tilespmem:v27+s2+$0x0], $0xffff  }
0x137: {  	s19 =	sadd.s32 $0x100, s19;
	s20 =	sadd.s32 $0x20, s20;
	v21 =	vadd.f32 v13, v29;
	v22 =	vmul.f32 v25, v32;
	v13 =	vld.idx.msk [tilespmem:v31+s2+$0x0], $0xffff  }
0x138: {  	_ =	sdelay $0x3  }
0x139: {  	v18 =	vld.idx.msk [tilespmem:v18+s2+$0x0], $0xffff  }
0x13a: {  	v19 =	vld.idx.msk [tilespmem:v19+s2+$0x0], $0xffff  }
0x13b: {  	v3 =	vmul.f32 v3, v15;
	v62 =	vld.idx.msk [tilespmem:v20+s2+$0x0], $0xffff  }
0x13c: {  	v11 =	vadd.f32 v23, v11;
	v4 =	vmul.f32 v4, v17;
	v1 =	vmul.f32 v1, v16  }
0x13d: {  	v9 =	vadd.f32 v22, v9;
	v3 =	vadd.f32 v3, v10;
	v0 =	vmul.f32 v0, v14  }
0x13e: {  	v4 =	vadd.f32 v4, v21;
	v1 =	vadd.f32 v1, v11;
	v2 =	vmul.f32 v2, v12  }
0x13f: {  	v0 =	vadd.f32 v0, v9;
	v6 =	vmul.f32 v6, v13;
	v7 =	vmul.f32 v7, v18  }
0x140: {  	v2 =	vadd.f32 v2, v3;
	v63 =	vmul.f32 v8, v19;
	v5 =	vmul.f32 v5, v62  }
0x141: {  	v4 =	vadd.f32 v6, v4;
	v1 =	vadd.f32 v7, v1  }
0x142: {  	v0 =	vadd.f32 v63, v0;
	v2 =	vadd.f32 v5, v2;
	_ =	sdelay $0x1  }
0x143: {  	v1 =	vadd.f32 v1, v4;
	v0 =	vadd.f32 v2, v0  }
.Ltmp2:
0x144: {  	_ = 	snop;
	(pc) =	sbr.rel @p2 .LBB2_3-.Ltmp2, $4  }
0x145: {  	s0 =	sadd.s32 $0x6000, s18;
	v0 =	vadd.f32 v0, v1  }
0x146: {  	s1 =	simm.s32 $0x1A700;
	s0 =	sand.u32 $0x6000, s0  }
0x147: {  	s18 =	simm.s32 $0x1;
	p3 =	por $0x0, $0x0;
	s0 =	sadd.s32 s0, s15;
	[tilespmem:s28+$0x0] =	vst v0  }
0x148: {  	[tilespmem:s1], [sflag:$0x2] =	stream.linear.gather [spmem:s0], $0x2000, $0x38;
	[tilespmem:$0x1DF00] =	vst v63  }
0x149: {  	s0 =	rddreg [dreg:$0xf]  }
0x14a: {  	s4 =	rddreg [dreg:$0xd];
	s0 =	sshll.u32 s0, $0xE  }
0x14b: {  	[dreg:$0xe] =	wrdreg s0;
	s0 =	sor.u32 s4, s0  }
0x14c: {  	s1 =	rddreg [dreg:$0x5];
	s0 =	sshrl.u32 s0, $0x3  }
0x14d: {  	s21 =	simm.s32 $0x1C700;
	s0 =	sadd.s32 s1, s0  }
0x14e: {  	[hbm4b:s0+s2] =	stream.linear.scatter [tilespmem:s21], [sflag:$0x3], $0x80, $0x38;
	[tilespmem:$0x1DF00] =	vst v63  }
0x14f: {  	s3 =	simm.s32 $0x1C800;
	s22 =	sadd.s32 $0x80, s0  }
0x150: {  	[hbm4b:s22+s2] =	stream.linear.scatter [tilespmem:s3], [sflag:$0x3], $0x80, $0x38;
	[tilespmem:$0x1DF00] =	vst v63  }
0x151: {  	s24 =	simm.s32 $0x1C900;
	s23 =	sadd.s32 $0x100, s0  }
0x152: {  	[hbm4b:s23+s2] =	stream.linear.scatter [tilespmem:s24], [sflag:$0x3], $0x80, $0x38;
	[tilespmem:$0x1DF00] =	vst v63  }
0x153: {  	s26 =	simm.s32 $0x1CA00;
	s25 =	sadd.s32 $0x180, s0  }
0x154: {  	[hbm4b:s25+s2] =	stream.linear.scatter [tilespmem:s26], [sflag:$0x3], $0x80, $0x38;
	[tilespmem:$0x1DF00] =	vst v63  }
0x155: {  	s29 =	simm.s32 $0x1CB00;
	s28 =	sadd.s32 $0x200, s0  }
0x156: {  	[hbm4b:s28+s2] =	stream.linear.scatter [tilespmem:s29], [sflag:$0x3], $0x80, $0x38;
	[tilespmem:$0x1DF00] =	vst v63  }
0x157: {  	s31 =	simm.s32 $0x1CC00;
	s30 =	sadd.s32 $0x280, s0  }
0x158: {  	[hbm4b:s30+s2] =	stream.linear.scatter [tilespmem:s31], [sflag:$0x3], $0x80, $0x38;
	[tilespmem:$0x1DF00] =	vst v63  }
0x159: {  	s6 =	simm.s32 $0x1CD00;
	s5 =	sadd.s32 $0x300, s0  }
0x15a: {  	[hbm4b:s5+s2] =	stream.linear.scatter [tilespmem:s6], [sflag:$0x3], $0x80, $0x38;
	[tilespmem:$0x1DF00] =	vst v63  }
0x15b: {  	s8 =	simm.s32 $0x1CE00;
	s7 =	sadd.s32 $0x380, s0  }
0x15c: {  	[hbm4b:s7+s2] =	stream.linear.scatter [tilespmem:s8], [sflag:$0x3], $0x80, $0x38;
	[tilespmem:$0x1DF00] =	vst v63  }
0x15d: {  	s10 =	simm.s32 $0x1CF00;
	s9 =	sadd.s32 $0x400, s0  }
0x15e: {  	[hbm4b:s9+s2] =	stream.linear.scatter [tilespmem:s10], [sflag:$0x3], $0x80, $0x38;
	[tilespmem:$0x1DF00] =	vst v63  }
0x15f: {  	s12 =	simm.s32 $0x1D000;
	s11 =	sadd.s32 $0x480, s0  }
0x160: {  	[hbm4b:s11+s2] =	stream.linear.scatter [tilespmem:s12], [sflag:$0x3], $0x80, $0x38;
	[tilespmem:$0x1DF00] =	vst v63  }
0x161: {  	s14 =	simm.s32 $0x1D100;
	s13 =	sadd.s32 $0x500, s0  }
0x162: {  	[hbm4b:s13+s2] =	stream.linear.scatter [tilespmem:s14], [sflag:$0x3], $0x80, $0x38;
	[tilespmem:$0x1DF00] =	vst v63  }
0x163: {  	s18 =	simm.s32 $0x1D200;
	s17 =	sadd.s32 $0x580, s0  }
0x164: {  	[hbm4b:s17+s2] =	stream.linear.scatter [tilespmem:s18], [sflag:$0x3], $0x80, $0x38;
	[tilespmem:$0x1DF00] =	vst v63  }
0x165: {  	s20 =	simm.s32 $0x1D300;
	s19 =	sadd.s32 $0x600, s0  }
0x166: {  	[hbm4b:s19+s2] =	stream.linear.scatter [tilespmem:s20], [sflag:$0x3], $0x80, $0x38;
	[tilespmem:$0x1DF00] =	vst v63  }
0x167: {  	s21 =	sadd.s32 $0x680, s0;
	s22 =	simm.s32 $0x1D400  }
0x168: {  	[hbm4b:s21+s2] =	stream.linear.scatter [tilespmem:s22], [sflag:$0x3], $0x80, $0x38;
	[tilespmem:$0x1DF00] =	vst v63  }
0x169: {  	s23 =	sadd.s32 $0x700, s0;
	s24 =	simm.s32 $0x1D500;
	s0 =	sadd.s32 $0x780, s0  }
0x16a: {  	[hbm4b:s23+s2] =	stream.linear.scatter [tilespmem:s24], [sflag:$0x3], $0x80, $0x38;
	[tilespmem:$0x1DF00] =	vst v63  }
0x16b: {  	s25 =	simm.s32 $0x1D600;
	s26 =	sor.u32 $0x80, s4;
	s28 =	rddreg [dreg:$0xc]  }
0x16c: {  	[hbm4b:s0+s2] =	stream.linear.scatter [tilespmem:s25], [sflag:$0x3], $0x80, $0x38;
	[tilespmem:$0x1DF00] =	vst v63  }
0x16d: {  	s0 =	sor.u32 s26, s28  }
0x16e: {  	[dreg:$0x10] =	wrdreg s26;
	s29 =	simm.s32 $0x80;
	s0 =	sshrl.u32 s0, $0x3  }
0x16f: {  	s30 =	simm.s32 $0x400;
	s31 =	simm.s32 $0x5;
	s0 =	sadd.s32 s16, s0  }
0x170: {  	[tilespmem:s2], [sflag:$0x5] =	stream.strided.gather [hbm4b:s0+s29], $0x18700, s30, s29, $0x38;
	[tilespmem:$0x1DF00] =	vst v63  }
0x171: {  	_ =	swait.ge [sflag:s31], $0x18700  }
0x172: {  	[sflag:s31] =	ssyncset.done $0x0  }
0x173: {  	s0 =	simm.s32 @!p1 $0x4;
	[sflag:s31] =	ssyncadd.s32 $0xFFFE7900  }
0x174: {  	_ =	swait.ge @!p1 [sflag:s0], $0x800  }
0x175: {  	p2 =	por $0x1, $0x1;
	[sflag:s0] =	ssyncset.done @!p1 $0x0  }
0x176: {  	s17 =	simm.s32 $0x0;
	[sflag:s0] =	ssyncadd.s32 @!p1 $0xFFFFF800;
	s0 =	simm.s32 $0x0  }
.LBB2_9:
0x177: {  	s3 =	simm.s32 $0x1  }
0x178: {  	s1 =	sand.u32 $0xC00, s0;
	s4 =	simm.s32 $0x10;
	_ =	swait.ge [sflag:s3], $0x2000  }
0x179: {  	s7 =	sadd.s32 $0x19900, s1;
	s19 =	sand.u32 $0x70, s4;
	[sflag:s3] =	ssyncset.done $0x0  }
0x17a: {  	s6 =	sadd.s32 $0x19980, s1;
	s23 =	sor.u32 s19, s7;
	[sflag:s3] =	ssyncadd.s32 $0xFFFFE000  }
0x17b: {  	s5 =	sadd.s32 $0x19A00, s1;
	s8 =	sor.u32 s19, s6;
	v0 =	vld [tilespmem:s23+$0x0]  }
0x17c: {  	s13 =	sadd.s32 $0x19700, s1;
	s24 =	sor.u32 s19, s5;
	v1 =	vld [tilespmem:s8+$0x0]  }
0x17d: {  	s12 =	sadd.s32 $0x19780, s1;
	s10 =	sor.u32 s19, s13;
	v2 =	vld [tilespmem:s24+$0x0]  }
0x17e: {  	s9 =	sadd.s32 $0x19800, s1;
	s26 =	sor.u32 s19, s12;
	v4 =	vld [tilespmem:s10+$0x0]  }
0x17f: {  	s14 =	sadd.s32 $0x18700, s1;
	s29 =	sor.u32 s19, s9;
	v5 =	vld [tilespmem:s26+$0x0]  }
0x180: {  	s31 =	sor.u32 s19, s14;
	v6 =	vld [tilespmem:s29+$0x0]  }
0x181: {  	v8 =	vld [tilespmem:s31+$0x200]  }
0x182: {  	v9 =	vld [tilespmem:s31+$0x280]  }
0x183: {  	v11 =	vld [tilespmem:s31+$0x0]  }
0x184: {  	v13 =	vld [tilespmem:s31+$0x80]  }
0x185: {  	s3 =	sadd.s32 $0x19A80, s1;
	v15 =	vld [tilespmem:s31+$0x100]  }
0x186: {  	s11 =	sor.u32 s4, s0;
	s25 =	sor.u32 s19, s3;
	v17 =	vld [tilespmem:s31+$0x180]  }
0x187: {  	s20 =	sand.u32 $0x60, s0;
	s8 =	sadd.s32 $0x19880, s1;
	s1 =	sor.u32 $0x380, s11;
	v3 =	vld [tilespmem:s25+$0x0]  }
0x188: {  	s16 =	smov.u32 s15;
	s15 =	sand.u32 $0x7, s0;
	s29 =	sor.u32 s20, s7;
	v10 =	vld [tilespmem:s1+$0x18700]  }
0x189: {  	s18 =	sshll.u32 s15, $0x4;
	s3 =	sor.u32 s20, s3;
	v60 =	vld [tilespmem:s29+$0x0];
	v12 =	vshrl.u32 v0, $0xF  }
0x18a: {  	s30 =	sor.u32 s19, s8;
	s1 =	sadd.s32 $0x0, s18;
	v34 =	vld [tilespmem:s3+$0x0];
	v14 =	vshrl.u32 v1, $0xF  }
0x18b: {  	v7 =	vld [tilespmem:s30+$0x0];
	s1 =	sadd.s32 $0x10, s1;
	s30 =	sor.u32 s20, s5;
	v16 =	vshrl.u32 v4, $0xF  }
0x18c: {  	s1 =	sor.u32 $0x300, s1;
	v32 =	vld [tilespmem:s30+$0x0];
	v18 =	vshrl.u32 v5, $0xF  }
0x18d: {  	v19 =	vld [tilespmem:s1+$0x18700];
	v20 =	vshrl.u32 v8, $0xF  }
0x18e: {  	v21 =	vshrl.u32 v9, $0xF;
	v12 =	vld.idx.msk [tilespmem:v12+s2+$0x0], $0xffff  }
0x18f: {  	v22 =	vshrl.u32 v11, $0xF;
	v14 =	vld.idx.msk [tilespmem:v14+s2+$0x0], $0xffff  }
0x190: {  	v23 =	vshrl.u32 v13, $0xF;
	v16 =	vld.idx.msk [tilespmem:v16+s2+$0x0], $0xffff  }
0x191: {  	v24 =	vshrl.u32 v15, $0xF;
	v18 =	vld.idx.msk [tilespmem:v18+s2+$0x0], $0xffff  }
0x192: {  	v25 =	vshrl.u32 v17, $0xF;
	v20 =	vld.idx.msk [tilespmem:v20+s2+$0x0], $0xffff  }
0x193: {  	v28 =	vshrl.u32 v6, $0xF;
	v21 =	vld.idx.msk [tilespmem:v21+s2+$0x0], $0xffff  }
0x194: {  	v26 =	vshrl.u32 v10, $0xF;
	v22 =	vld.idx.msk [tilespmem:v22+s2+$0x0], $0xffff  }
0x195: {  	v29 =	vshrl.u32 v7, $0xF;
	v23 =	vld.idx.msk [tilespmem:v23+s2+$0x0], $0xffff  }
0x196: {  	v30 =	vshrl.u32 v2, $0xF;
	v27 =	vshrl.u32 v19, $0xF;
	v24 =	vld.idx.msk [tilespmem:v24+s2+$0x0], $0xffff  }
0x197: {  	v0 =	vshll.u32 v0, $0x11;
	v1 =	vshll.u32 v1, $0x11;
	v2 =	vshll.u32 v2, $0x11;
	v25 =	vld.idx.msk [tilespmem:v25+s2+$0x0], $0xffff  }
0x198: {  	v4 =	vshll.u32 v4, $0x11;
	v5 =	vshll.u32 v5, $0x11;
	v31 =	vshrl.u32 v3, $0xF;
	v28 =	vld.idx.msk [tilespmem:v28+s2+$0x0], $0xffff  }
0x199: {  	v6 =	vshll.u32 v6, $0x11;
	v8 =	vshll.u32 v8, $0x11;
	v9 =	vshll.u32 v9, $0x11;
	v26 =	vld.idx.msk [tilespmem:v26+s2+$0x0], $0xffff  }
0x19a: {  	v11 =	vshll.u32 v11, $0x11;
	v13 =	vshll.u32 v13, $0x11;
	v15 =	vshll.u32 v15, $0x11;
	v29 =	vld.idx.msk [tilespmem:v29+s2+$0x0], $0xffff  }
0x19b: {  	v17 =	vshll.u32 v17, $0x11;
	v27 =	vld.idx.msk [tilespmem:v27+s2+$0x0], $0xffff;
	v0 =	vmul.f32 v0, v12;
	v1 =	vmul.f32 v1, v14  }
0x19c: {  	v3 =	vshll.u32 v3, $0x11;
	v12 =	vld.idx.msk [tilespmem:v30+s2+$0x0], $0xffff;
	v4 =	vmul.f32 v4, v16;
	v5 =	vmul.f32 v5, v18  }
0x19d: {  	s22 =	sand.u32 $0x3, s0;
	s21 =	sor.u32 s20, s14;
	v10 =	vshll.u32 v10, $0x11;
	v14 =	vld.idx.msk [tilespmem:v31+s2+$0x0], $0xffff;
	v8 =	vmul.f32 v8, v20;
	v9 =	vmul.f32 v9, v21  }
0x19e: {  	s10 =	sshll.u32 s22, $0x5;
	v7 =	vshll.u32 v7, $0x11;
	v16 =	vld [tilespmem:s21+$0x0];
	v11 =	vmul.f32 v11, v22;
	v13 =	vmul.f32 v13, v23  }
0x19f: {  	s10 =	sadd.s32 $0x0, s10;
	v19 =	vshll.u32 v19, $0x11;
	v15 =	vmul.f32 v15, v24;
	v20 =	vld [tilespmem:s21+$0x100];
	v17 =	vmul.f32 v17, v25  }
0x1a0: {  	s10 =	sor.u32 $0x300, s10;
	v18 =	vld [tilespmem:s21+$0x80];
	v6 =	vmul.f32 v6, v28;
	v11 =	vadd.f32 $0.0e+00, v11;
	v13 =	vadd.f32 $0.0e+00, v13  }
0x1a1: {  	v22 =	vld [tilespmem:s10+$0x18700];
	v10 =	vmul.f32 v10, v26;
	v15 =	vadd.f32 $0.0e+00, v15;
	v17 =	vadd.f32 $0.0e+00, v17  }
0x1a2: {  	s8 =	sor.u32 s20, s8;
	v21 =	vld [tilespmem:s21+$0x180];
	v7 =	vmul.f32 v7, v29;
	v19 =	vmul.f32 v19, v27;
	v8 =	vadd.f32 v8, v11  }
0x1a3: {  	v23 =	vld [tilespmem:s8+$0x0];
	v9 =	vadd.f32 v9, v13;
	v10 =	vadd.f32 v10, v17;
	v17 =	vshrl.u32 v16, $0xF  }
0x1a4: {  	s26 =	sor.u32 s20, s9;
	v11 =	vld [tilespmem:s21+$0x200];
	v2 =	vmul.f32 v2, v12;
	v12 =	vshrl.u32 v20, $0xF;
	v3 =	vmul.f32 v3, v14  }
0x1a5: {  	s23 =	sor.u32 s0, s0;
	v14 =	vld [tilespmem:s26+$0x0];
	v16 =	vshll.u32 v16, $0x11;
	v20 =	vshll.u32 v20, $0x11;
	v13 =	vadd.f32 v19, v15  }
0x1a6: {  	s10 =	sor.u32 $0x380, s23;
	v62 =	vshll.u32 v22, $0x11;
	v15 =	vld [tilespmem:s21+$0x280];
	v4 =	vadd.f32 v4, v8;
	v5 =	vadd.f32 v5, v9  }
0x1a7: {  	s24 =	sor.u32 s20, s13;
	v19 =	vld [tilespmem:s10+$0x18700];
	v8 =	vshrl.u32 v18, $0xF;
	v7 =	vadd.f32 v7, v10;
	v10 =	vshrl.u32 v21, $0xF  }
0x1a8: {  	s25 =	sor.u32 s20, s12;
	v9 =	vld [tilespmem:s24+$0x0];
	v18 =	vshll.u32 v18, $0x11;
	v6 =	vadd.f32 v6, v13;
	v0 =	vadd.f32 v0, v4  }
0x1a9: {  	v21 =	vshll.u32 v21, $0x11;
	v13 =	vld [tilespmem:s25+$0x0];
	v1 =	vadd.f32 v1, v5;
	v3 =	vadd.f32 v3, v7  }
0x1aa: {  	v25 =	vshrl.u32 v11, $0xF;
	v5 =	vshll.u32 v11, $0x11;
	v2 =	vadd.f32 v2, v6;
	v7 =	vld.idx.msk [tilespmem:v17+s2+$0x0], $0xffff  }
0x1ab: {  	s6 =	sor.u32 s20, s6;
	v17 =	vshrl.u32 v22, $0xF;
	v0 =	vadd.f32 v1, v0;
	v24 =	vld.idx.msk [tilespmem:v12+s2+$0x0], $0xffff;
	v35 =	vshrl.u32 v14, $0xF  }
0x1ac: {  	v22 =	vld [tilespmem:s6+$0x0];
	v12 =	vshrl.u32 v23, $0xF;
	v26 =	vshrl.u32 v15, $0xF;
	v61 =	vshrl.u32 v19, $0xF  }
0x1ad: {  	v8 =	vld.idx.msk [tilespmem:v8+s2+$0x0], $0xffff;
	v6 =	vshll.u32 v15, $0x11;
	v63 =	vshrl.u32 v9, $0xF;
	v1 =	vadd.f32 v3, v2  }
0x1ae: {  	v10 =	vld.idx.msk [tilespmem:v10+s2+$0x0], $0xffff;
	v4 =	vshll.u32 v9, $0x11;
	v3 =	vshll.u32 v19, $0x11;
	v33 =	vshrl.u32 v13, $0xF  }
0x1af: {  	v2 =	vshll.u32 v13, $0x11;
	v27 =	vadd.f32 v1, v0;
	v0 =	vshll.u32 v14, $0x11;
	v15 =	vld.idx.msk [tilespmem:v25+s2+$0x0], $0xffff  }
0x1b0: {  	v1 =	vshll.u32 v23, $0x11;
	v25 =	vshrl.u32 v32, $0xF;
	v7 =	vmul.f32 v16, v7;
	v36 =	vld.idx.msk [tilespmem:v17+s2+$0x0], $0xffff  }
0x1b1: {  	s8 =	sshll.u32 s17, $0xB;
	v9 =	vmul.f32 v20, v24;
	v24 =	vshrl.u32 v60, $0xF;
	v20 =	vshrl.u32 v22, $0xF;
	v23 =	vld.idx.msk [tilespmem:v35+s2+$0x0], $0xffff  }
0x1b2: {  	p1 =	por p2, p2;
	s9 =	sand.u32 $0xB00, s8;
	v8 =	vmul.f32 v18, v8;
	v19 =	vld.idx.msk [tilespmem:v26+s2+$0x0], $0xffff;
	v18 =	vshrl.u32 v34, $0xF;
	v13 =	vadd.f32 $0.0e+00, v7  }
0x1b3: {  	s22 =	simm.s32 $0x0;
	s18 =	simm.s32 $0x0;
	s31 =	sadd.s32 $0x1C700, s9;
	v17 =	vld.idx.msk [tilespmem:v61+s2+$0x0], $0xffff;
	v7 =	vmul.f32 v21, v10;
	v16 =	vadd.f32 $0.0e+00, v9;
	v9 =	vshll.u32 v22, $0x11  }
0x1b4: {  	s23 =	smov.u32 s8;
	s28 =	sor.u32 s20, s31;
	s1 =	sor.u32 s19, s31;
	v21 =	vld.idx.msk [tilespmem:v63+s2+$0x0], $0xffff;
	v10 =	vshll.u32 v32, $0x11;
	v11 =	vadd.f32 $0.0e+00, v8;
	v8 =	vshll.u32 v60, $0x11  }
0x1b5: {  	s19 =	simm.s32 $0x1;
	s20 =	simm.s32 $0x0;
	s21 =	simm.s32 $0x0;
	[tilespmem:s1+$0x80] =	vst v27;
	v22 =	vld.idx.msk [tilespmem:v33+s2+$0x0], $0xffff;
	v14 =	vadd.f32 $0.0e+00, v7;
	v7 =	vshll.u32 v34, $0x11;
	v26 =	vmul.f32 v62, v36  }
.LBB2_10:
0x1b6: {  	s1 =	sand.u32 $0x3, s19;
	v5 =	vmul.f32 v5, v15;
	v12 =	vld.idx.msk [tilespmem:v12+s2+$0x0], $0xffff  }
0x1b7: {  	v6 =	vmul.f32 v6, v19;
	s20 =	sadd.s32 $0x100, s20;
	s21 =	sadd.s32 $0x20, s21;
	s1 =	sshll.u32 s1, $0x5;
	v15 =	vadd.f32 v26, v16;
	v16 =	vld.idx.msk [tilespmem:v24+s2+$0x0], $0xffff  }
0x1b8: {  	s24 =	sand.u32 $0x60, s21;
	s4 =	sand.u32 $0xC00, s20;
	s31 =	sadd.s32 $0x10, s21;
	v3 =	vmul.f32 v3, v17;
	v5 =	vadd.f32 v5, v13;
	v13 =	vld.idx.msk [tilespmem:v20+s2+$0x0], $0xffff  }
0x1b9: {  	s1 =	sadd.s32 s1, s20;
	s3 =	sadd.s32 $0x19900, s4;
	s25 =	sand.u32 $0x70, s31;
	v6 =	vadd.f32 v6, v11;
	v4 =	vmul.f32 v4, v21;
	v11 =	vld.idx.msk [tilespmem:v25+s2+$0x0], $0xffff  }
0x1ba: {  	s6 =	sor.u32 s21, s20;
	s7 =	sadd.s32 $0x19980, s4;
	s10 =	sor.u32 s25, s3;
	v3 =	vadd.f32 v3, v14;
	v2 =	vmul.f32 v2, v22;
	v14 =	vld.idx.msk [tilespmem:v18+s2+$0x0], $0xffff  }
0x1bb: {  	s5 =	sor.u32 $0x300, s1;
	s1 =	sadd.s32 $0x19A00, s4;
	v4 =	vadd.f32 v4, v5;
	v0 =	vmul.f32 v0, v23;
	v17 =	vld [tilespmem:s10+$0x0];
	s10 =	sor.u32 s25, s7  }
0x1bc: {  	s13 =	sor.u32 $0x380, s6;
	s11 =	sadd.s32 $0x19A80, s4;
	s6 =	sor.u32 s25, s1;
	v2 =	vadd.f32 v2, v6;
	v1 =	vmul.f32 v1, v12;
	v5 =	vld [tilespmem:s10+$0x0]  }
0x1bd: {  	s26 =	sor.u32 s24, s3;
	s10 =	sadd.s32 $0x19700, s4;
	v0 =	vadd.f32 v0, v15;
	v8 =	vmul.f32 v8, v16;
	v6 =	vld [tilespmem:s6+$0x0];
	s6 =	sor.u32 s25, s11  }
0x1be: {  	s12 =	sadd.s32 $0x19780, s4;
	s3 =	sor.u32 s24, s10;
	s10 =	sor.u32 s25, s10;
	v1 =	vadd.f32 v1, v3;
	v3 =	vmul.f32 v9, v13;
	v12 =	vld [tilespmem:s6+$0x0]  }
0x1bf: {  	s30 =	sor.u32 s24, s12;
	s6 =	sadd.s32 $0x19800, s4;
	v4 =	vadd.f32 v8, v4;
	v8 =	vmul.f32 v10, v11;
	v9 =	vld [tilespmem:s10+$0x0];
	s10 =	sor.u32 s25, s12  }
0x1c0: {  	s14 =	sor.u32 s24, s6;
	s12 =	sadd.s32 $0x19880, s4;
	v2 =	vadd.f32 v3, v2;
	v3 =	vmul.f32 v7, v14;
	v10 =	vld [tilespmem:s10+$0x0];
	s10 =	sor.u32 s25, s6  }
0x1c1: {  	s15 =	sadd.s32 $0x18700, s4;
	s6 =	sor.u32 s24, s12;
	v0 =	vadd.f32 v8, v0;
	v7 =	vld [tilespmem:s10+$0x0];
	s10 =	sor.u32 s25, s12  }
0x1c2: {  	s29 =	sor.u32 s24, s7;
	s4 =	sor.u32 s24, s15;
	s15 =	sor.u32 s25, s15;
	v1 =	vadd.f32 v3, v1;
	v2 =	vadd.f32 v2, v4;
	v8 =	vld [tilespmem:s10+$0x0]  }
0x1c3: {  	s7 =	sor.u32 s24, s11;
	s12 =	sor.u32 s24, s1;
	s1 =	sor.u32 s31, s20;
	v3 =	vld [tilespmem:s15+$0x200]  }
0x1c4: {  	s22 =	sadd.s32 $0x2, s22;
	s1 =	sor.u32 $0x380, s1;
	v0 =	vadd.f32 v1, v0;
	v4 =	vld [tilespmem:s15+$0x280]  }
0x1c5: {  	s10 =	sand.u32 $0x7, s22;
	v1 =	vld [tilespmem:s1+$0x18700]  }
0x1c6: {  	v13 =	vshrl.u32 v17, $0xF;
	s1 =	sshll.u32 s10, $0x4;
	v0 =	vadd.f32 v0, v2;
	v11 =	vld [tilespmem:s15+$0x0]  }
0x1c7: {  	s18 =	sadd.s32 $0x2, s18;
	v14 =	vshrl.u32 v5, $0xF;
	s1 =	sadd.s32 s20, s1;
	v2 =	vld [tilespmem:s15+$0x80]  }
0x1c8: {  	p2 =	slt.u32 s18, $0x1E;
	v16 =	vshrl.u32 v9, $0xF;
	s1 =	sadd.s32 $0x10, s1;
	v15 =	vld [tilespmem:s15+$0x100];
	[tilespmem:s28+$0x80] =	vst v0  }
0x1c9: {  	v18 =	vshrl.u32 v10, $0xF;
	s1 =	sor.u32 $0x300, s1;
	v0 =	vld [tilespmem:s15+$0x180]  }
0x1ca: {  	v20 =	vshrl.u32 v3, $0xF;
	v19 =	vld [tilespmem:s1+$0x18700]  }
0x1cb: {  	v21 =	vshrl.u32 v4, $0xF;
	v13 =	vld.idx.msk [tilespmem:v13+s2+$0x0], $0xffff  }
0x1cc: {  	v22 =	vshrl.u32 v11, $0xF;
	v14 =	vld.idx.msk [tilespmem:v14+s2+$0x0], $0xffff  }
0x1cd: {  	v23 =	vshrl.u32 v2, $0xF;
	v16 =	vld.idx.msk [tilespmem:v16+s2+$0x0], $0xffff  }
0x1ce: {  	v24 =	vshrl.u32 v15, $0xF;
	v18 =	vld.idx.msk [tilespmem:v18+s2+$0x0], $0xffff  }
0x1cf: {  	v25 =	vshrl.u32 v0, $0xF;
	v20 =	vld.idx.msk [tilespmem:v20+s2+$0x0], $0xffff  }
0x1d0: {  	v17 =	vshll.u32 v17, $0x11;
	v26 =	vshrl.u32 v1, $0xF;
	v21 =	vld.idx.msk [tilespmem:v21+s2+$0x0], $0xffff  }
0x1d1: {  	v5 =	vshll.u32 v5, $0x11;
	v28 =	vshll.u32 v6, $0x11;
	v27 =	vshrl.u32 v19, $0xF;
	v22 =	vld.idx.msk [tilespmem:v22+s2+$0x0], $0xffff  }
0x1d2: {  	v30 =	vshll.u32 v12, $0x11;
	v9 =	vshll.u32 v9, $0x11;
	v29 =	vshrl.u32 v7, $0xF;
	v23 =	vld.idx.msk [tilespmem:v23+s2+$0x0], $0xffff  }
0x1d3: {  	v10 =	vshll.u32 v10, $0x11;
	v7 =	vshll.u32 v7, $0x11;
	v31 =	vshrl.u32 v8, $0xF;
	v24 =	vld.idx.msk [tilespmem:v24+s2+$0x0], $0xffff  }
0x1d4: {  	v6 =	vshrl.u32 v6, $0xF;
	v8 =	vshll.u32 v8, $0x11;
	v3 =	vshll.u32 v3, $0x11;
	v25 =	vld.idx.msk [tilespmem:v25+s2+$0x0], $0xffff  }
0x1d5: {  	v12 =	vshrl.u32 v12, $0xF;
	v4 =	vshll.u32 v4, $0x11;
	v1 =	vshll.u32 v1, $0x11;
	v26 =	vld.idx.msk [tilespmem:v26+s2+$0x0], $0xffff  }
0x1d6: {  	v11 =	vshll.u32 v11, $0x11;
	v13 =	vmul.f32 v17, v13;
	v5 =	vmul.f32 v5, v14;
	v27 =	vld.idx.msk [tilespmem:v27+s2+$0x0], $0xffff  }
0x1d7: {  	v2 =	vshll.u32 v2, $0x11;
	v9 =	vmul.f32 v9, v16;
	v10 =	vmul.f32 v10, v18;
	v14 =	vld.idx.msk [tilespmem:v29+s2+$0x0], $0xffff  }
0x1d8: {  	v15 =	vshll.u32 v15, $0x11;
	v3 =	vmul.f32 v3, v20;
	v4 =	vmul.f32 v4, v21;
	v16 =	vld.idx.msk [tilespmem:v31+s2+$0x0], $0xffff  }
0x1d9: {  	v0 =	vshll.u32 v0, $0x11;
	v11 =	vmul.f32 v11, v22;
	v2 =	vmul.f32 v2, v23;
	v6 =	vld.idx.msk [tilespmem:v6+s2+$0x0], $0xffff  }
0x1da: {  	v17 =	vshll.u32 v19, $0x11;
	v15 =	vmul.f32 v15, v24;
	v0 =	vmul.f32 v0, v25;
	v12 =	vld.idx.msk [tilespmem:v12+s2+$0x0], $0xffff  }
0x1db: {  	v11 =	vadd.f32 $0.0e+00, v11;
	v2 =	vadd.f32 $0.0e+00, v2;
	v1 =	vmul.f32 v1, v26;
	v18 =	vld [tilespmem:s4+$0x0]  }
0x1dc: {  	v15 =	vadd.f32 $0.0e+00, v15;
	v0 =	vadd.f32 $0.0e+00, v0;
	v17 =	vmul.f32 v17, v27;
	v19 =	vld [tilespmem:s4+$0x80]  }
0x1dd: {  	v3 =	vadd.f32 v3, v11;
	v2 =	vadd.f32 v4, v2;
	v4 =	vmul.f32 v7, v14;
	v20 =	vld [tilespmem:s4+$0x100]  }
0x1de: {  	v11 =	vadd.f32 v17, v15;
	v0 =	vadd.f32 v1, v0;
	v1 =	vmul.f32 v8, v16;
	v7 =	vld [tilespmem:s4+$0x180]  }
0x1df: {  	v3 =	vadd.f32 v9, v3;
	v2 =	vadd.f32 v10, v2;
	v6 =	vmul.f32 v28, v6;
	v8 =	vld [tilespmem:s5+$0x18700]  }
0x1e0: {  	v4 =	vadd.f32 v4, v11;
	v0 =	vadd.f32 v1, v0;
	v1 =	vmul.f32 v30, v12;
	v9 =	vld [tilespmem:s4+$0x200]  }
0x1e1: {  	v3 =	vadd.f32 v13, v3;
	v2 =	vadd.f32 v5, v2;
	v11 =	vshrl.u32 v18, $0xF;
	v10 =	vld [tilespmem:s4+$0x280]  }
0x1e2: {  	v13 =	vshrl.u32 v19, $0xF;
	v4 =	vadd.f32 v6, v4;
	v0 =	vadd.f32 v1, v0;
	v12 =	vld [tilespmem:s13+$0x18700]  }
0x1e3: {  	v15 =	vshll.u32 v18, $0x11;
	v1 =	vshrl.u32 v20, $0xF;
	v14 =	vshrl.u32 v7, $0xF;
	v16 =	vld [tilespmem:s3+$0x0]  }
0x1e4: {  	s23 =	sadd.s32 $0x40, s23;
	v2 =	vadd.f32 v2, v3;
	v0 =	vadd.f32 v0, v4;
	v17 =	vshrl.u32 v8, $0xF;
	v18 =	vld [tilespmem:s30+$0x0]  }
0x1e5: {  	s1 =	sand.u32 $0xB00, s23;
	v19 =	vshll.u32 v19, $0x11;
	v20 =	vshll.u32 v20, $0x11;
	v21 =	vshrl.u32 v9, $0xF;
	v22 =	vld [tilespmem:s14+$0x0]  }
0x1e6: {  	s1 =	sadd.s32 $0x1C700, s1;
	v7 =	vshll.u32 v7, $0x11;
	v0 =	vadd.f32 v0, v2;
	v23 =	vshrl.u32 v10, $0xF;
	v24 =	vld [tilespmem:s6+$0x0]  }
0x1e7: {  	s28 =	sor.u32 s24, s1;
	s1 =	sor.u32 s25, s1;
	v26 =	vshll.u32 v8, $0x11;
	v5 =	vshll.u32 v9, $0x11;
	v25 =	vshrl.u32 v12, $0xF;
	v8 =	vld.idx.msk [tilespmem:v11+s2+$0x0], $0xffff  }
0x1e8: {  	v6 =	vshll.u32 v10, $0x11;
	v3 =	vshll.u32 v12, $0x11;
	v9 =	vld.idx.msk [tilespmem:v13+s2+$0x0], $0xffff;
	v27 =	vshrl.u32 v16, $0xF;
	[tilespmem:s1+$0x80] =	vst v0  }
0x1e9: {  	v4 =	vshll.u32 v16, $0x11;
	v10 =	vld.idx.msk [tilespmem:v1+s2+$0x0], $0xffff;
	v28 =	vshrl.u32 v18, $0xF;
	v2 =	vshll.u32 v18, $0x11  }
0x1ea: {  	v14 =	vld.idx.msk [tilespmem:v14+s2+$0x0], $0xffff;
	v29 =	vshrl.u32 v22, $0xF;
	v0 =	vshll.u32 v22, $0x11  }
0x1eb: {  	v18 =	vld [tilespmem:s26+$0x0];
	v12 =	vshrl.u32 v24, $0xF;
	v1 =	vshll.u32 v24, $0x11  }
0x1ec: {  	v22 =	vld [tilespmem:s29+$0x0]  }
0x1ed: {  	v8 =	vmul.f32 v15, v8;
	v30 =	vld [tilespmem:s12+$0x0]  }
0x1ee: {  	v9 =	vmul.f32 v19, v9;
	v31 =	vld [tilespmem:s7+$0x0]  }
0x1ef: {  	v13 =	vadd.f32 $0.0e+00, v8;
	v8 =	vmul.f32 v20, v10;
	v32 =	vld.idx.msk [tilespmem:v17+s2+$0x0], $0xffff  }
0x1f0: {  	v11 =	vadd.f32 $0.0e+00, v9;
	v7 =	vmul.f32 v7, v14;
	v15 =	vld.idx.msk [tilespmem:v21+s2+$0x0], $0xffff;
	v24 =	vshrl.u32 v18, $0xF  }
.Ltmp3:
0x1f1: {  	v16 =	vadd.f32 $0.0e+00, v8;
	v8 =	vshll.u32 v18, $0x11;
	v19 =	vld.idx.msk [tilespmem:v23+s2+$0x0], $0xffff;
	v20 =	vshrl.u32 v22, $0xF;
	(pc) =	sbr.rel @p2 .LBB2_10-.Ltmp3, $4  }
0x1f2: {  	v14 =	vadd.f32 $0.0e+00, v7;
	v9 =	vshll.u32 v22, $0x11;
	v17 =	vld.idx.msk [tilespmem:v25+s2+$0x0], $0xffff;
	v25 =	vshrl.u32 v30, $0xF  }
0x1f3: {  	v10 =	vshll.u32 v30, $0x11;
	v18 =	vshrl.u32 v31, $0xF;
	v7 =	vshll.u32 v31, $0x11;
	v21 =	vld.idx.msk [tilespmem:v27+s2+$0x0], $0xffff  }
0x1f4: {  	v22 =	vld.idx.msk [tilespmem:v28+s2+$0x0], $0xffff  }
0x1f5: {  	s19 =	sadd.s32 $0x1, s19;
	v26 =	vmul.f32 v26, v32;
	v23 =	vld.idx.msk [tilespmem:v29+s2+$0x0], $0xffff  }
0x1f6: {  	_ =	sdelay $0x3  }
0x1f7: {  	v12 =	vld.idx.msk [tilespmem:v12+s2+$0x0], $0xffff  }
0x1f8: {  	v24 =	vld.idx.msk [tilespmem:v24+s2+$0x0], $0xffff  }
0x1f9: {  	v5 =	vmul.f32 v5, v15;
	v15 =	vld.idx.msk [tilespmem:v20+s2+$0x0], $0xffff  }
0x1fa: {  	v6 =	vmul.f32 v6, v19;
	v19 =	vld.idx.msk [tilespmem:v25+s2+$0x0], $0xffff  }
0x1fb: {  	v3 =	vmul.f32 v3, v17;
	v5 =	vadd.f32 v5, v13;
	v13 =	vld.idx.msk [tilespmem:v18+s2+$0x0], $0xffff  }
0x1fc: {  	v6 =	vadd.f32 v6, v11;
	v4 =	vmul.f32 v4, v21;
	v2 =	vmul.f32 v2, v22  }
0x1fd: {  	v11 =	vadd.f32 v26, v16;
	v3 =	vadd.f32 v3, v14;
	v0 =	vmul.f32 v0, v23  }
0x1fe: {  	v4 =	vadd.f32 v4, v5;
	v2 =	vadd.f32 v2, v6;
	v1 =	vmul.f32 v1, v12  }
0x1ff: {  	v5 =	vmul.f32 v8, v24;
	v6 =	vmul.f32 v9, v15;
	v0 =	vadd.f32 v0, v11  }
0x200: {  	v1 =	vadd.f32 v1, v3;
	v3 =	vmul.f32 v10, v19;
	v7 =	vmul.f32 v7, v13  }
0x201: {  	v4 =	vadd.f32 v5, v4;
	v2 =	vadd.f32 v6, v2  }
0x202: {  	v0 =	vadd.f32 v3, v0;
	v1 =	vadd.f32 v7, v1;
	_ =	sdelay $0x1  }
0x203: {  	v2 =	vadd.f32 v2, v4;
	v0 =	vadd.f32 v1, v0;
	_ =	sdelay $0x1  }
0x204: {  	s17 =	sshll.u32 s17, $0xE;
	v0 =	vadd.f32 v0, v2  }
0x205: {  	s3 =	simm.s32 $0x18700;
	s1 =	sxor.u32 $0x4000, s17  }
0x206: {  	s20 =	simm.s32 $0x0;
	s21 =	simm.s32 $0x2;
	s1 =	sadd.s32 s1, s16;
	[tilespmem:s28+$0x80] =	vst v0  }
0x207: {  	[tilespmem:s3], [sflag:$0x1] =	stream.linear.gather [spmem:s1], $0x2000, $0x38;
	[tilespmem:$0x1DF00] =	vst v63  }
0x208: {  	s18 =	sand.u32 $0x60, s20;
	s1 =	sand.u32 $0xC00, s20;
	_ =	swait.ge [sflag:s21], $0x2000  }
0x209: {  	s19 =	sor.u32 $0x10, s18;
	s7 =	sadd.s32 $0x1B900, s1;
	[sflag:s21] =	ssyncset.done $0x0  }
0x20a: {  	s6 =	sadd.s32 $0x1B980, s1;
	s22 =	sor.u32 s19, s7;
	[sflag:s21] =	ssyncadd.s32 $0xFFFFE000  }
0x20b: {  	s5 =	sadd.s32 $0x1BA00, s1;
	s4 =	sor.u32 s19, s6;
	v0 =	vld [tilespmem:s22+$0x0]  }
0x20c: {  	s3 =	sadd.s32 $0x1BA80, s1;
	s23 =	sor.u32 s19, s5;
	v1 =	vld [tilespmem:s4+$0x0]  }
0x20d: {  	s14 =	sadd.s32 $0x1B700, s1;
	s24 =	sor.u32 s19, s3;
	v2 =	vld [tilespmem:s23+$0x0]  }
0x20e: {  	s13 =	sadd.s32 $0x1B780, s1;
	s10 =	sor.u32 s19, s14;
	v3 =	vld [tilespmem:s24+$0x0]  }
0x20f: {  	s12 =	sadd.s32 $0x1B800, s1;
	s25 =	sor.u32 s19, s13;
	v4 =	vld [tilespmem:s10+$0x0]  }
0x210: {  	s26 =	sor.u32 s19, s12;
	v5 =	vld [tilespmem:s25+$0x0]  }
0x211: {  	s3 =	sor.u32 s18, s3;
	s21 =	sadd.s32 $0x1AA00, s1;
	v6 =	vld [tilespmem:s26+$0x0]  }
0x212: {  	s20 =	sadd.s32 $0x1AA80, s1;
	s30 =	sor.u32 s19, s21;
	v58 =	vld [tilespmem:s3+$0x0]  }
0x213: {  	s31 =	sadd.s32 $0x1A700, s1;
	s25 =	sor.u32 s19, s20;
	v10 =	vld [tilespmem:s30+$0x0]  }
0x214: {  	s4 =	sadd.s32 $0x1B880, s1;
	s24 =	sor.u32 s19, s31;
	v11 =	vld [tilespmem:s25+$0x0]  }
0x215: {  	s23 =	sadd.s32 $0x1A900, s1;
	s28 =	sor.u32 s19, s4;
	v13 =	vld [tilespmem:s24+$0x0]  }
0x216: {  	s15 =	sadd.s32 $0x1A780, s1;
	s22 =	sadd.s32 $0x1A980, s1;
	s11 =	sor.u32 s19, s23;
	v7 =	vld [tilespmem:s28+$0x0]  }
0x217: {  	s26 =	sadd.s32 $0x1A800, s1;
	s1 =	sadd.s32 $0x1A880, s1;
	s29 =	sor.u32 s19, s22;
	v8 =	vld [tilespmem:s11+$0x0]  }
0x218: {  	s30 =	sor.u32 s19, s1;
	v9 =	vld [tilespmem:s29+$0x0]  }
0x219: {  	s24 =	sor.u32 s18, s12;
	v19 =	vld [tilespmem:s30+$0x0]  }
0x21a: {  	s28 =	sor.u32 s19, s15;
	v55 =	vld [tilespmem:s24+$0x0]  }
0x21b: {  	s29 =	sor.u32 s19, s26;
	v15 =	vld [tilespmem:s28+$0x0];
	v12 =	vshrl.u32 v0, $0xF  }
0x21c: {  	s11 =	sor.u32 s18, s31;
	s31 =	sor.u32 s18, s23;
	s23 =	sor.u32 s18, s13;
	v17 =	vld [tilespmem:s29+$0x0];
	v14 =	vshrl.u32 v1, $0xF  }
0x21d: {  	v54 =	vld [tilespmem:s23+$0x0];
	s28 =	sor.u32 s18, s6;
	v16 =	vshrl.u32 v4, $0xF  }
0x21e: {  	s29 =	sor.u32 s18, s5;
	v56 =	vld [tilespmem:s28+$0x0];
	v18 =	vshrl.u32 v5, $0xF  }
0x21f: {  	v57 =	vld [tilespmem:s29+$0x0];
	v28 =	vshrl.u32 v6, $0xF  }
0x220: {  	v30 =	vshrl.u32 v2, $0xF;
	v12 =	vld.idx.msk [tilespmem:v12+s2+$0x0], $0xffff  }
0x221: {  	v22 =	vshrl.u32 v13, $0xF;
	v14 =	vld.idx.msk [tilespmem:v14+s2+$0x0], $0xffff  }
0x222: {  	v53 =	vshrl.u32 v10, $0xF;
	v16 =	vld.idx.msk [tilespmem:v16+s2+$0x0], $0xffff  }
0x223: {  	v27 =	vshrl.u32 v11, $0xF;
	v18 =	vld.idx.msk [tilespmem:v18+s2+$0x0], $0xffff  }
0x224: {  	v20 =	vshrl.u32 v8, $0xF;
	v28 =	vld.idx.msk [tilespmem:v28+s2+$0x0], $0xffff  }
0x225: {  	v21 =	vshrl.u32 v9, $0xF;
	v30 =	vld.idx.msk [tilespmem:v30+s2+$0x0], $0xffff  }
0x226: {  	v52 =	vshrl.u32 v19, $0xF;
	v22 =	vld.idx.msk [tilespmem:v22+s2+$0x0], $0xffff  }
0x227: {  	v29 =	vshrl.u32 v7, $0xF;
	v26 =	vld.idx.msk [tilespmem:v53+s2+$0x0], $0xffff  }
0x228: {  	v31 =	vshrl.u32 v3, $0xF;
	v23 =	vshrl.u32 v15, $0xF;
	v27 =	vld.idx.msk [tilespmem:v27+s2+$0x0], $0xffff  }
0x229: {  	v0 =	vshll.u32 v0, $0x11;
	v1 =	vshll.u32 v1, $0x11;
	v51 =	vshrl.u32 v17, $0xF;
	v20 =	vld.idx.msk [tilespmem:v20+s2+$0x0], $0xffff  }
0x22a: {  	v2 =	vshll.u32 v2, $0x11;
	v4 =	vshll.u32 v4, $0x11;
	v3 =	vshll.u32 v3, $0x11;
	v21 =	vld.idx.msk [tilespmem:v21+s2+$0x0], $0xffff  }
0x22b: {  	v5 =	vshll.u32 v5, $0x11;
	v6 =	vshll.u32 v6, $0x11;
	v10 =	vshll.u32 v10, $0x11;
	v25 =	vld.idx.msk [tilespmem:v52+s2+$0x0], $0xffff  }
0x22c: {  	v13 =	vshll.u32 v13, $0x11;
	v11 =	vshll.u32 v11, $0x11;
	v8 =	vshll.u32 v8, $0x11;
	v29 =	vld.idx.msk [tilespmem:v29+s2+$0x0], $0xffff  }
0x22d: {  	v7 =	vshll.u32 v7, $0x11;
	v23 =	vld.idx.msk [tilespmem:v23+s2+$0x0], $0xffff;
	v0 =	vmul.f32 v0, v12;
	v1 =	vmul.f32 v1, v14  }
0x22e: {  	v9 =	vshll.u32 v9, $0x11;
	v24 =	vld.idx.msk [tilespmem:v51+s2+$0x0], $0xffff;
	v4 =	vmul.f32 v4, v16;
	v5 =	vmul.f32 v5, v18  }
0x22f: {  	v19 =	vshll.u32 v19, $0x11;
	v12 =	vld.idx.msk [tilespmem:v31+s2+$0x0], $0xffff;
	v6 =	vmul.f32 v6, v28;
	v2 =	vmul.f32 v2, v30  }
0x230: {  	s15 =	sor.u32 s18, s15;
	v61 =	vshrl.u32 v55, $0xF;
	v14 =	vld [tilespmem:s11+$0x0];
	v13 =	vmul.f32 v13, v22;
	v10 =	vmul.f32 v10, v26  }
0x231: {  	s10 =	sor.u32 s18, s26;
	v15 =	vshll.u32 v15, $0x11;
	v16 =	vld [tilespmem:s15+$0x0];
	v11 =	vmul.f32 v11, v27;
	v8 =	vmul.f32 v8, v20  }
0x232: {  	s1 =	sor.u32 s18, s1;
	v17 =	vshll.u32 v17, $0x11;
	v18 =	vld [tilespmem:s10+$0x0];
	v19 =	vmul.f32 v19, v25;
	v15 =	vmul.f32 v15, v23  }
0x233: {  	s11 =	sor.u32 s18, s22;
	v9 =	vmul.f32 v9, v21;
	v20 =	vld [tilespmem:s1+$0x0];
	v17 =	vmul.f32 v17, v24;
	v13 =	vadd.f32 $0.0e+00, v13  }
0x234: {  	v22 =	vld [tilespmem:s11+$0x0];
	v7 =	vmul.f32 v7, v29;
	v19 =	vadd.f32 $0.0e+00, v19;
	v15 =	vadd.f32 $0.0e+00, v15  }
0x235: {  	s15 =	sor.u32 s18, s21;
	s21 =	sor.u32 s18, s20;
	v21 =	vld [tilespmem:s31+$0x0];
	v17 =	vadd.f32 $0.0e+00, v17;
	v8 =	vadd.f32 v8, v13;
	v3 =	vmul.f32 v3, v12  }
0x236: {  	v23 =	vld [tilespmem:s21+$0x0];
	v11 =	vadd.f32 v11, v19;
	v9 =	vadd.f32 v9, v15;
	v15 =	vshrl.u32 v14, $0xF  }
0x237: {  	s22 =	sor.u32 s18, s14;
	v13 =	vld [tilespmem:s15+$0x0];
	v10 =	vadd.f32 v10, v17;
	v17 =	vshrl.u32 v16, $0xF;
	v4 =	vadd.f32 v4, v8  }
0x238: {  	s26 =	sor.u32 s18, s7;
	v19 =	vld [tilespmem:s22+$0x0];
	v7 =	vadd.f32 v7, v11;
	v5 =	vadd.f32 v5, v9;
	v9 =	vshrl.u32 v20, $0xF  }
0x239: {  	s25 =	sor.u32 s18, s4;
	v12 =	vshll.u32 v16, $0x11;
	v8 =	vshrl.u32 v18, $0xF;
	v16 =	vld [tilespmem:s26+$0x0];
	v6 =	vadd.f32 v6, v10  }
0x23a: {  	v11 =	vshrl.u32 v21, $0xF;
	v10 =	vld [tilespmem:s25+$0x0];
	v0 =	vadd.f32 v0, v4;
	v3 =	vadd.f32 v3, v7  }
0x23b: {  	v59 =	vshrl.u32 v54, $0xF;
	v1 =	vadd.f32 v1, v5;
	v2 =	vadd.f32 v2, v6;
	v5 =	vld.idx.msk [tilespmem:v15+s2+$0x0], $0xffff  }
0x23c: {  	v21 =	vshll.u32 v21, $0x11;
	v7 =	vshll.u32 v14, $0x11;
	v6 =	vld.idx.msk [tilespmem:v17+s2+$0x0], $0xffff;
	v15 =	vshrl.u32 v13, $0xF  }
0x23d: {  	v0 =	vadd.f32 v1, v0;
	v1 =	vadd.f32 v3, v2;
	v2 =	vld.idx.msk [tilespmem:v9+s2+$0x0], $0xffff;
	v9 =	vshrl.u32 v22, $0xF  }
0x23e: {  	v14 =	vshll.u32 v18, $0x11;
	v18 =	vshrl.u32 v23, $0xF;
	v4 =	vshll.u32 v19, $0x11;
	v8 =	vld.idx.msk [tilespmem:v8+s2+$0x0], $0xffff  }
0x23f: {  	v17 =	vshll.u32 v20, $0x11;
	v13 =	vshll.u32 v13, $0x11;
	v34 =	vshrl.u32 v16, $0xF;
	v60 =	vld.idx.msk [tilespmem:v11+s2+$0x0], $0xffff  }
0x240: {  	v3 =	vshll.u32 v23, $0x11;
	v23 =	vshrl.u32 v19, $0xF;
	v19 =	vshrl.u32 v57, $0xF  }
0x241: {  	v22 =	vshll.u32 v22, $0x11;
	v63 =	vshrl.u32 v10, $0xF;
	v20 =	vadd.f32 v1, v0;
	v32 =	vld.idx.msk [tilespmem:v15+s2+$0x0], $0xffff  }
0x242: {  	s30 =	sadd.s32 $0x1CB00, s9;
	v1 =	vshll.u32 v54, $0x11;
	v0 =	vshll.u32 v55, $0x11;
	v5 =	vmul.f32 v7, v5;
	v62 =	vld.idx.msk [tilespmem:v9+s2+$0x0], $0xffff  }
0x243: {  	s31 =	sor.u32 s19, s30;
	v6 =	vmul.f32 v12, v6;
	v7 =	vmul.f32 v14, v8;
	v15 =	vld.idx.msk [tilespmem:v18+s2+$0x0], $0xffff;
	v18 =	vshrl.u32 v56, $0xF  }
0x244: {  	v14 =	vld.idx.msk [tilespmem:v61+s2+$0x0], $0xffff;
	[tilespmem:s31+$0x80] =	vst v20;
	v20 =	vshrl.u32 v58, $0xF;
	v8 =	vshll.u32 v57, $0x11;
	v21 =	vmul.f32 v21, v60  }
0x245: {  	v33 =	vadd.f32 $0.0e+00, v5;
	v5 =	vmul.f32 v17, v2;
	v2 =	vshll.u32 v10, $0x11;
	v17 =	vld.idx.msk [tilespmem:v23+s2+$0x0], $0xffff  }
0x246: {  	v11 =	vadd.f32 $0.0e+00, v6;
	v9 =	vadd.f32 $0.0e+00, v7;
	v6 =	vshll.u32 v16, $0x11;
	v16 =	vld.idx.msk [tilespmem:v59+s2+$0x0], $0xffff  }
0x247: {  	s9 =	simm.s32 $0x0;
	v7 =	vshll.u32 v56, $0x11;
	v12 =	vld.idx.msk [tilespmem:v63+s2+$0x0], $0xffff;
	v10 =	vadd.f32 $0.0e+00, v5;
	v23 =	vmul.f32 v22, v62  }
0x248: {  	s19 =	simm.s32 $0x20;
	s26 =	sor.u32 s18, s30;
	s18 =	simm.s32 $0x100;
	v5 =	vshll.u32 v58, $0x11;
	v21 =	vadd.f32 v21, v33;
	v22 =	vmul.f32 v13, v32;
	v13 =	vld.idx.msk [tilespmem:v34+s2+$0x0], $0xffff  }
.LBB2_12:
0x249: {  	s22 =	sand.u32 $0x60, s19;
	s14 =	sand.u32 $0xC00, s18;
	v11 =	vadd.f32 v23, v11;
	v3 =	vmul.f32 v3, v15;
	v15 =	vld.idx.msk [tilespmem:v18+s2+$0x0], $0xffff  }
0x24a: {  	v4 =	vmul.f32 v4, v17;
	s1 =	sadd.s32 $0x1B900, s14;
	s25 =	sor.u32 $0x10, s22;
	v9 =	vadd.f32 v22, v9;
	v18 =	vld.idx.msk [tilespmem:v19+s2+$0x0], $0xffff  }
0x24b: {  	s3 =	sadd.s32 $0x1B980, s14;
	v1 =	vmul.f32 v1, v16;
	s20 =	sor.u32 s22, s1;
	s1 =	sor.u32 s25, s1;
	v3 =	vadd.f32 v3, v10;
	v10 =	vld.idx.msk [tilespmem:v20+s2+$0x0], $0xffff  }
0x24c: {  	s4 =	sadd.s32 $0x1BA00, s14;
	s21 =	sor.u32 s22, s3;
	v4 =	vadd.f32 v4, v21;
	v0 =	vmul.f32 v0, v14;
	v16 =	vld [tilespmem:s1+$0x0];
	s1 =	sor.u32 s25, s3  }
0x24d: {  	s23 =	sor.u32 s22, s4;
	s3 =	sadd.s32 $0x1BA80, s14;
	v1 =	vadd.f32 v1, v11;
	v2 =	vmul.f32 v2, v12;
	v14 =	vld [tilespmem:s1+$0x0];
	s1 =	sor.u32 s25, s4  }
0x24e: {  	s4 =	sadd.s32 $0x1B700, s14;
	s24 =	sor.u32 s22, s3;
	v0 =	vadd.f32 v0, v9;
	v6 =	vmul.f32 v6, v13;
	v11 =	vld [tilespmem:s1+$0x0];
	s1 =	sor.u32 s25, s3  }
0x24f: {  	s7 =	sor.u32 s22, s4;
	s3 =	sadd.s32 $0x1B780, s14;
	s4 =	sor.u32 s25, s4;
	v2 =	vadd.f32 v2, v3;
	v3 =	vmul.f32 v7, v15;
	v9 =	vld [tilespmem:s1+$0x0]  }
0x250: {  	s13 =	sor.u32 s22, s3;
	s1 =	sadd.s32 $0x1B800, s14;
	s3 =	sor.u32 s25, s3;
	v4 =	vadd.f32 v6, v4;
	v6 =	vmul.f32 v8, v18;
	v7 =	vld [tilespmem:s4+$0x0]  }
0x251: {  	s12 =	sor.u32 s22, s1;
	s4 =	sadd.s32 $0x1B880, s14;
	s1 =	sor.u32 s25, s1;
	v1 =	vadd.f32 v3, v1;
	v3 =	vmul.f32 v5, v10;
	v8 =	vld [tilespmem:s3+$0x0]  }
0x252: {  	s5 =	sadd.s32 $0x1A900, s14;
	s28 =	sor.u32 s22, s4;
	v0 =	vadd.f32 v6, v0;
	v5 =	vld [tilespmem:s1+$0x0];
	s1 =	sor.u32 s25, s4  }
0x253: {  	s6 =	sadd.s32 $0x1A980, s14;
	s3 =	sor.u32 s22, s5;
	s5 =	sor.u32 s25, s5;
	v2 =	vadd.f32 v3, v2;
	v1 =	vadd.f32 v1, v4;
	v6 =	vld [tilespmem:s1+$0x0]  }
0x254: {  	s4 =	sor.u32 s22, s6;
	s6 =	sor.u32 s25, s6;
	s1 =	sadd.s32 $0x1AA00, s14;
	v3 =	vld [tilespmem:s5+$0x0]  }
0x255: {  	s10 =	sadd.s32 $0x1AA80, s14;
	s5 =	sor.u32 s22, s1;
	s1 =	sor.u32 s25, s1;
	v0 =	vadd.f32 v2, v0;
	v4 =	vld [tilespmem:s6+$0x0]  }
0x256: {  	s11 =	sadd.s32 $0x1A700, s14;
	s6 =	sor.u32 s22, s10;
	v2 =	vld [tilespmem:s1+$0x0];
	s1 =	sor.u32 s25, s10  }
0x257: {  	s29 =	sor.u32 s22, s11;
	s11 =	sor.u32 s25, s11;
	v12 =	vshrl.u32 v16, $0xF;
	s10 =	sadd.s32 $0x1A780, s14;
	v0 =	vadd.f32 v0, v1;
	v10 =	vld [tilespmem:s1+$0x0]  }
0x258: {  	s9 =	sadd.s32 $0x2, s9;
	v13 =	vshrl.u32 v14, $0xF;
	s1 =	sadd.s32 $0x1A800, s14;
	v1 =	vld [tilespmem:s11+$0x0];
	s11 =	sor.u32 s25, s10  }
0x259: {  	s15 =	sadd.s32 $0x1A880, s14;
	p2 =	slt.u32 s9, $0x1E;
	v17 =	vshrl.u32 v7, $0xF;
	v15 =	vld [tilespmem:s11+$0x0];
	s11 =	sor.u32 s25, s1;
	[tilespmem:s26+$0x80] =	vst v0  }
0x25a: {  	v18 =	vshrl.u32 v8, $0xF;
	s30 =	sor.u32 s22, s10;
	s14 =	sor.u32 s22, s1;
	s1 =	sor.u32 s25, s15;
	v0 =	vld [tilespmem:s11+$0x0]  }
0x25b: {  	s26 =	sor.u32 s22, s15;
	v20 =	vshrl.u32 v3, $0xF;
	v19 =	vld [tilespmem:s1+$0x0]  }
0x25c: {  	v21 =	vshrl.u32 v4, $0xF;
	v12 =	vld.idx.msk [tilespmem:v12+s2+$0x0], $0xffff  }
0x25d: {  	v22 =	vshrl.u32 v1, $0xF;
	v13 =	vld.idx.msk [tilespmem:v13+s2+$0x0], $0xffff  }
0x25e: {  	v23 =	vshrl.u32 v15, $0xF;
	v17 =	vld.idx.msk [tilespmem:v17+s2+$0x0], $0xffff  }
0x25f: {  	v24 =	vshrl.u32 v0, $0xF;
	v18 =	vld.idx.msk [tilespmem:v18+s2+$0x0], $0xffff  }
0x260: {  	v25 =	vshrl.u32 v19, $0xF;
	v20 =	vld.idx.msk [tilespmem:v20+s2+$0x0], $0xffff  }
0x261: {  	v16 =	vshll.u32 v16, $0x11;
	v26 =	vshrl.u32 v2, $0xF;
	v21 =	vld.idx.msk [tilespmem:v21+s2+$0x0], $0xffff  }
0x262: {  	v14 =	vshll.u32 v14, $0x11;
	v28 =	vshll.u32 v11, $0x11;
	v27 =	vshrl.u32 v10, $0xF;
	v22 =	vld.idx.msk [tilespmem:v22+s2+$0x0], $0xffff  }
0x263: {  	v30 =	vshll.u32 v9, $0x11;
	v7 =	vshll.u32 v7, $0x11;
	v29 =	vshrl.u32 v5, $0xF;
	v23 =	vld.idx.msk [tilespmem:v23+s2+$0x0], $0xffff  }
0x264: {  	v8 =	vshll.u32 v8, $0x11;
	v5 =	vshll.u32 v5, $0x11;
	v31 =	vshrl.u32 v6, $0xF;
	v24 =	vld.idx.msk [tilespmem:v24+s2+$0x0], $0xffff  }
0x265: {  	v11 =	vshrl.u32 v11, $0xF;
	v6 =	vshll.u32 v6, $0x11;
	v3 =	vshll.u32 v3, $0x11;
	v25 =	vld.idx.msk [tilespmem:v25+s2+$0x0], $0xffff  }
0x266: {  	v9 =	vshrl.u32 v9, $0xF;
	v4 =	vshll.u32 v4, $0x11;
	v2 =	vshll.u32 v2, $0x11;
	v26 =	vld.idx.msk [tilespmem:v26+s2+$0x0], $0xffff  }
0x267: {  	v1 =	vshll.u32 v1, $0x11;
	v12 =	vmul.f32 v16, v12;
	v13 =	vmul.f32 v14, v13;
	v27 =	vld.idx.msk [tilespmem:v27+s2+$0x0], $0xffff  }
0x268: {  	v14 =	vshll.u32 v15, $0x11;
	v7 =	vmul.f32 v7, v17;
	v8 =	vmul.f32 v8, v18;
	v15 =	vld.idx.msk [tilespmem:v29+s2+$0x0], $0xffff  }
0x269: {  	v0 =	vshll.u32 v0, $0x11;
	v3 =	vmul.f32 v3, v20;
	v4 =	vmul.f32 v4, v21;
	v16 =	vld.idx.msk [tilespmem:v31+s2+$0x0], $0xffff  }
0x26a: {  	v17 =	vshll.u32 v19, $0x11;
	v1 =	vmul.f32 v1, v22;
	v14 =	vmul.f32 v14, v23;
	v11 =	vld.idx.msk [tilespmem:v11+s2+$0x0], $0xffff  }
0x26b: {  	v10 =	vshll.u32 v10, $0x11;
	v0 =	vmul.f32 v0, v24;
	v17 =	vmul.f32 v17, v25;
	v9 =	vld.idx.msk [tilespmem:v9+s2+$0x0], $0xffff  }
0x26c: {  	v1 =	vadd.f32 $0.0e+00, v1;
	v14 =	vadd.f32 $0.0e+00, v14;
	v2 =	vmul.f32 v2, v26;
	v18 =	vld [tilespmem:s29+$0x0]  }
0x26d: {  	v0 =	vadd.f32 $0.0e+00, v0;
	v17 =	vadd.f32 $0.0e+00, v17;
	v10 =	vmul.f32 v10, v27;
	v19 =	vld [tilespmem:s30+$0x0]  }
0x26e: {  	v1 =	vadd.f32 v3, v1;
	v3 =	vadd.f32 v4, v14;
	v4 =	vmul.f32 v5, v15;
	v20 =	vld [tilespmem:s14+$0x0]  }
0x26f: {  	v0 =	vadd.f32 v2, v0;
	v2 =	vadd.f32 v10, v17;
	v6 =	vmul.f32 v6, v16;
	v5 =	vld [tilespmem:s26+$0x0]  }
0x270: {  	v1 =	vadd.f32 v7, v1;
	v3 =	vadd.f32 v8, v3;
	v7 =	vmul.f32 v28, v11;
	v10 =	vld [tilespmem:s3+$0x0]  }
0x271: {  	v0 =	vadd.f32 v4, v0;
	v2 =	vadd.f32 v6, v2;
	v4 =	vmul.f32 v30, v9;
	v8 =	vld [tilespmem:s4+$0x0]  }
0x272: {  	v1 =	vadd.f32 v12, v1;
	v3 =	vadd.f32 v13, v3;
	v9 =	vshrl.u32 v18, $0xF;
	v6 =	vld [tilespmem:s5+$0x0]  }
0x273: {  	v0 =	vadd.f32 v7, v0;
	v12 =	vshrl.u32 v19, $0xF;
	v2 =	vadd.f32 v4, v2;
	v11 =	vld [tilespmem:s6+$0x0]  }
0x274: {  	v13 =	vshll.u32 v18, $0x11;
	v4 =	vshrl.u32 v20, $0xF;
	v7 =	vshrl.u32 v5, $0xF;
	v14 =	vld [tilespmem:s7+$0x0]  }
0x275: {  	s8 =	sadd.s32 $0x40, s8;
	v1 =	vadd.f32 v3, v1;
	v0 =	vadd.f32 v2, v0;
	v15 =	vshrl.u32 v10, $0xF;
	v16 =	vld [tilespmem:s13+$0x0]  }
0x276: {  	s1 =	sand.u32 $0xB00, s8;
	v18 =	vshll.u32 v19, $0x11;
	v19 =	vshll.u32 v20, $0x11;
	v17 =	vshrl.u32 v8, $0xF;
	v2 =	vld [tilespmem:s12+$0x0]  }
0x277: {  	s1 =	sadd.s32 $0x1CB00, s1;
	v5 =	vshll.u32 v5, $0x11;
	v0 =	vadd.f32 v0, v1;
	v20 =	vshrl.u32 v6, $0xF;
	v21 =	vld [tilespmem:s28+$0x0]  }
0x278: {  	s26 =	sor.u32 s22, s1;
	s1 =	sor.u32 s25, s1;
	v23 =	vshll.u32 v10, $0x11;
	v24 =	vshll.u32 v8, $0x11;
	v22 =	vshrl.u32 v11, $0xF;
	v8 =	vld.idx.msk [tilespmem:v9+s2+$0x0], $0xffff  }
0x279: {  	v25 =	vshll.u32 v6, $0x11;
	v3 =	vshll.u32 v11, $0x11;
	v6 =	vld.idx.msk [tilespmem:v12+s2+$0x0], $0xffff;
	v12 =	vshrl.u32 v14, $0xF;
	[tilespmem:s1+$0x80] =	vst v0  }
0x27a: {  	v9 =	vld.idx.msk [tilespmem:v4+s2+$0x0], $0xffff;
	v26 =	vshrl.u32 v16, $0xF;
	v4 =	vshll.u32 v14, $0x11;
	v1 =	vshll.u32 v16, $0x11  }
0x27b: {  	v7 =	vld.idx.msk [tilespmem:v7+s2+$0x0], $0xffff;
	v14 =	vshrl.u32 v2, $0xF;
	v0 =	vshll.u32 v2, $0x11  }
0x27c: {  	v10 =	vld [tilespmem:s20+$0x0];
	v27 =	vshrl.u32 v21, $0xF;
	v2 =	vshll.u32 v21, $0x11  }
0x27d: {  	v16 =	vld [tilespmem:s21+$0x0]  }
0x27e: {  	v8 =	vmul.f32 v13, v8;
	v13 =	vld [tilespmem:s23+$0x0]  }
0x27f: {  	v6 =	vmul.f32 v18, v6;
	v21 =	vld [tilespmem:s24+$0x0]  }
0x280: {  	v29 =	vadd.f32 $0.0e+00, v8;
	v8 =	vmul.f32 v19, v9;
	v28 =	vld.idx.msk [tilespmem:v15+s2+$0x0], $0xffff  }
0x281: {  	v11 =	vadd.f32 $0.0e+00, v6;
	v5 =	vmul.f32 v5, v7;
	v30 =	vld.idx.msk [tilespmem:v17+s2+$0x0], $0xffff;
	v31 =	vshrl.u32 v10, $0xF  }
0x282: {  	v9 =	vadd.f32 $0.0e+00, v8;
	v6 =	vshll.u32 v10, $0x11;
	v32 =	vld.idx.msk [tilespmem:v20+s2+$0x0], $0xffff;
	v18 =	vshrl.u32 v16, $0xF  }
0x283: {  	v10 =	vadd.f32 $0.0e+00, v5;
	v7 =	vshll.u32 v16, $0x11;
	v15 =	vld.idx.msk [tilespmem:v22+s2+$0x0], $0xffff;
	v19 =	vshrl.u32 v13, $0xF  }
.Ltmp4:
0x284: {  	v8 =	vshll.u32 v13, $0x11;
	v20 =	vshrl.u32 v21, $0xF;
	v5 =	vshll.u32 v21, $0x11;
	v17 =	vld.idx.msk [tilespmem:v12+s2+$0x0], $0xffff;
	(pc) =	sbr.rel @p2 .LBB2_12-.Ltmp4, $4  }
0x285: {  	v16 =	vld.idx.msk [tilespmem:v26+s2+$0x0], $0xffff  }
0x286: {  	v13 =	vmul.f32 v23, v28;
	v14 =	vld.idx.msk [tilespmem:v14+s2+$0x0], $0xffff  }
0x287: {  	v23 =	vmul.f32 v24, v30;
	v12 =	vld.idx.msk [tilespmem:v27+s2+$0x0], $0xffff  }
0x288: {  	s18 =	sadd.s32 $0x100, s18;
	s19 =	sadd.s32 $0x20, s19;
	v21 =	vadd.f32 v13, v29;
	v22 =	vmul.f32 v25, v32;
	v13 =	vld.idx.msk [tilespmem:v31+s2+$0x0], $0xffff  }
0x289: {  	_ =	sdelay $0x3  }
0x28a: {  	v18 =	vld.idx.msk [tilespmem:v18+s2+$0x0], $0xffff  }
0x28b: {  	v19 =	vld.idx.msk [tilespmem:v19+s2+$0x0], $0xffff  }
0x28c: {  	v3 =	vmul.f32 v3, v15;
	v62 =	vld.idx.msk [tilespmem:v20+s2+$0x0], $0xffff  }
0x28d: {  	v11 =	vadd.f32 v23, v11;
	v4 =	vmul.f32 v4, v17;
	v1 =	vmul.f32 v1, v16  }
0x28e: {  	v9 =	vadd.f32 v22, v9;
	v3 =	vadd.f32 v3, v10;
	v0 =	vmul.f32 v0, v14  }
0x28f: {  	v4 =	vadd.f32 v4, v21;
	v1 =	vadd.f32 v1, v11;
	v2 =	vmul.f32 v2, v12  }
0x290: {  	v0 =	vadd.f32 v0, v9;
	v6 =	vmul.f32 v6, v13;
	v7 =	vmul.f32 v7, v18  }
0x291: {  	v2 =	vadd.f32 v2, v3;
	v63 =	vmul.f32 v8, v19;
	v5 =	vmul.f32 v5, v62  }
0x292: {  	v4 =	vadd.f32 v6, v4;
	v1 =	vadd.f32 v7, v1  }
0x293: {  	v0 =	vadd.f32 v63, v0;
	v2 =	vadd.f32 v5, v2;
	_ =	sdelay $0x1  }
0x294: {  	v1 =	vadd.f32 v1, v4;
	v0 =	vadd.f32 v2, v0  }
.Ltmp5:
0x295: {  	_ = 	snop;
	(pc) =	sbr.rel @p1 .LBB2_9-.Ltmp5, $4  }
0x296: {  	s1 =	sadd.s32 $0x6000, s17;
	v0 =	vadd.f32 v0, v1  }
0x297: {  	s15 =	smov.u32 s16;
	s3 =	simm.s32 $0x1A700;
	s1 =	sand.u32 $0x6000, s1  }
0x298: {  	s17 =	simm.s32 $0x1;
	p2 =	por $0x0, $0x0;
	s1 =	sadd.s32 s1, s16;
	[tilespmem:s26+$0x80] =	vst v0  }
0x299: {  	[tilespmem:s3], [sflag:$0x2] =	stream.linear.gather [spmem:s1], $0x2000, $0x38;
	[tilespmem:$0x1DF00] =	vst v63  }
0x29a: {  	s0 =	rddreg [dreg:$0xe]  }
0x29b: {  	s1 =	rddreg [dreg:$0x10]  }
0x29c: {  	s0 =	sor.u32 s1, s0  }
0x29d: {  	s29 =	rddreg [dreg:$0x5];
	s0 =	sshrl.u32 s0, $0x3  }
0x29e: {  	s30 =	simm.s32 $0x1C780;
	s0 =	sadd.s32 s29, s0  }
0x29f: {  	[hbm4b:s0+s2] =	stream.linear.scatter [tilespmem:s30], [sflag:$0x4], $0x80, $0x38;
	[tilespmem:$0x1DF00] =	vst v63  }
0x2a0: {  	s3 =	simm.s32 $0x1C880;
	s31 =	sadd.s32 $0x80, s0  }
0x2a1: {  	[hbm4b:s31+s2] =	stream.linear.scatter [tilespmem:s3], [sflag:$0x4], $0x80, $0x38;
	[tilespmem:$0x1DF00] =	vst v63  }
0x2a2: {  	s4 =	simm.s32 $0x1C980;
	s3 =	sadd.s32 $0x100, s0  }
0x2a3: {  	[hbm4b:s3+s2] =	stream.linear.scatter [tilespmem:s4], [sflag:$0x4], $0x80, $0x38;
	[tilespmem:$0x1DF00] =	vst v63  }
0x2a4: {  	s6 =	simm.s32 $0x1CA80;
	s5 =	sadd.s32 $0x180, s0  }
0x2a5: {  	[hbm4b:s5+s2] =	stream.linear.scatter [tilespmem:s6], [sflag:$0x4], $0x80, $0x38;
	[tilespmem:$0x1DF00] =	vst v63  }
0x2a6: {  	s8 =	simm.s32 $0x1CB80;
	s7 =	sadd.s32 $0x200, s0  }
0x2a7: {  	[hbm4b:s7+s2] =	stream.linear.scatter [tilespmem:s8], [sflag:$0x4], $0x80, $0x38;
	[tilespmem:$0x1DF00] =	vst v63  }
0x2a8: {  	s10 =	simm.s32 $0x1CC80;
	s9 =	sadd.s32 $0x280, s0  }
0x2a9: {  	[hbm4b:s9+s2] =	stream.linear.scatter [tilespmem:s10], [sflag:$0x4], $0x80, $0x38;
	[tilespmem:$0x1DF00] =	vst v63  }
0x2aa: {  	s12 =	simm.s32 $0x1CD80;
	s11 =	sadd.s32 $0x300, s0  }
0x2ab: {  	[hbm4b:s11+s2] =	stream.linear.scatter [tilespmem:s12], [sflag:$0x4], $0x80, $0x38;
	[tilespmem:$0x1DF00] =	vst v63  }
0x2ac: {  	s14 =	simm.s32 $0x1CE80;
	s13 =	sadd.s32 $0x380, s0  }
0x2ad: {  	[hbm4b:s13+s2] =	stream.linear.scatter [tilespmem:s14], [sflag:$0x4], $0x80, $0x38;
	[tilespmem:$0x1DF00] =	vst v63  }
0x2ae: {  	s17 =	simm.s32 $0x1CF80;
	s16 =	sadd.s32 $0x400, s0  }
0x2af: {  	[hbm4b:s16+s2] =	stream.linear.scatter [tilespmem:s17], [sflag:$0x4], $0x80, $0x38;
	[tilespmem:$0x1DF00] =	vst v63  }
0x2b0: {  	s19 =	simm.s32 $0x1D080;
	s18 =	sadd.s32 $0x480, s0  }
0x2b1: {  	[hbm4b:s18+s2] =	stream.linear.scatter [tilespmem:s19], [sflag:$0x4], $0x80, $0x38;
	[tilespmem:$0x1DF00] =	vst v63  }
0x2b2: {  	s21 =	simm.s32 $0x1D180;
	s20 =	sadd.s32 $0x500, s0  }
0x2b3: {  	[hbm4b:s20+s2] =	stream.linear.scatter [tilespmem:s21], [sflag:$0x4], $0x80, $0x38;
	[tilespmem:$0x1DF00] =	vst v63  }
0x2b4: {  	s23 =	simm.s32 $0x1D280;
	s22 =	sadd.s32 $0x580, s0;
	s4 =	rddreg [dreg:$0xb]  }
0x2b5: {  	[hbm4b:s22+s2] =	stream.linear.scatter [tilespmem:s23], [sflag:$0x4], $0x80, $0x38;
	[tilespmem:$0x1DF00] =	vst v63  }
0x2b6: {  	s25 =	simm.s32 $0x1D380;
	s24 =	sadd.s32 $0x600, s0;
	s4 =	sadd.s32 $0x1, s4  }
0x2b7: {  	[hbm4b:s24+s2] =	stream.linear.scatter [tilespmem:s25], [sflag:$0x4], $0x80, $0x38;
	[tilespmem:$0x1DF00] =	vst v63  }
0x2b8: {  	s28 =	simm.s32 $0x1D480;
	s26 =	sadd.s32 $0x680, s0;
	p1 =	sne.s32 s4, $0x10  }
0x2b9: {  	[hbm4b:s26+s2] =	stream.linear.scatter [tilespmem:s28], [sflag:$0x4], $0x80, $0x38;
	[tilespmem:$0x1DF00] =	vst v63  }
.Ltmp6:
0x2ba: {  	_ = 	snop;
	(pc) =	sbr.rel @p1 .LBB2_2-.Ltmp6, $4  }
0x2bb: {  	s29 =	sadd.s32 $0x700, s0;
	s30 =	simm.s32 $0x1D580  }
0x2bc: {  	[hbm4b:s29+s2] =	stream.linear.scatter [tilespmem:s30], [sflag:$0x4], $0x80, $0x38;
	[tilespmem:$0x1DF00] =	vst v63  }
0x2bd: {  	s0 =	sadd.s32 $0x780, s0;
	s31 =	simm.s32 $0x1D680;
	s16 =	rddreg [dreg:$0x3]  }
0x2be: {  	[hbm4b:s0+s2] =	stream.linear.scatter [tilespmem:s31], [sflag:$0x4], $0x80, $0x38;
	[tilespmem:$0x1DF00] =	vst v63  }
0x2bf: {  	s0 =	simm.s32 $0x3  }
0x2c0: {  	_ =	swait.ge [sflag:s0], $0x800  }
0x2c1: {  	[sflag:s0] =	ssyncset.done $0x0  }
0x2c2: {  	s29 =	simm.s32 $0x4;
	[sflag:s0] =	ssyncadd.s32 $0xFFFFF800  }
0x2c3: {  	_ =	swait.ge [sflag:s29], $0x800  }
0x2c4: {  	[sflag:s29] =	ssyncset.done $0x0  }
0x2c5: {  	s30 =	simm.s32 $0x1;
	[sflag:s29] =	ssyncadd.s32 $0xFFFFF800  }
0x2c6: {  	_ =	swait.ge [sflag:s30], $0x2000  }
0x2c7: {  	[sflag:s30] =	ssyncset.done $0x0  }
0x2c8: {  	s1 =	simm.s32 $0x2;
	[sflag:s30] =	ssyncadd.s32 $0xFFFFE000  }
0x2c9: {  	_ =	swait.ge [sflag:s1], $0x2000  }
0x2ca: {  	s3 =	rddreg [dreg:$0xa]  }
0x2cb: {  	s31 =	rddreg [dreg:$0x8];
	s3 =	sadd.s32 $0x1, s3  }
0x2cc: {  	p1 =	sne.s32 s3, s31  }
.Ltmp7:
0x2cd: {  	_ = 	snop;
	(pc) =	sbr.rel @p1 .LBB2_1-.Ltmp7, $3  }
0x2ce: {  	_ =	sdelay $0x1  }
0x2cf: {  	[sflag:s1] =	ssyncset.done $0x0  }
0x2d0: {  	[sflag:s1] =	ssyncadd.s32 $0xFFFFE000  }
0x2d1: {  	_ =	sfence.sel $0x180000  }
0x2d2: {  	[bflag:$0x0] =	sbarrier.arrive $0xFFFF  }
0x2d3: {  	_ =	strace $0x90000047  }
0x2d4: {  	[bflag:$0x2] =	sbarrier.arrive $0xFFFF  }
0x2d5: {  	s0 =	rddreg [dreg:$0x2]  }
0x2d6: {  	s0 =	sadd.s32 @!p0 $0x100000, s0  }
0x2d7: {  	[sflag:s0] =	ssyncadd.tile.s32 @!p0 $0x1;
	_ =	shalt  }
.Lfunc_end2:
_tile_overlayer_lowered:
.L_overlay_start_2:
0x2d8: {  	(tag) =	ssettag $0x2  }
0x2d9: {  	s0 =	rddreg [dreg:$0x0];
	s2 =	stileid.u32  }
0x2da: {  	s1 =	rddreg [dreg:$0x1];
	p0 =	sne.s32 s2, $0x0  }
0x2db: {  	s3 =	rddreg [dreg:$0x2];
	[bflag:$0x3] =	sbarrier.arrive $0xFFFF;
	s2 =	simm.s32 @!p0 $0x1C05  }
0x2dc: {  	[timem:s3], [sflag:s2] =	dma.local @!p0 [hbm:s0], s1  }
0x2dd: {  	s0 =	simm.s32 @!p0 $0x5  }
0x2de: {  	_ =	swait.ge @!p0 [sflag:s0], s1  }
0x2df: {  	s1 =	ssub.s32 @!p0 $0x0, s1;
	[sflag:s0] =	ssyncset.done @!p0 $0x0  }
0x2e0: {  	[sflag:s0] =	ssyncadd.s32 @!p0 s1  }
0x2e1: {  	[bflag:$0x3] =	sbarrier.arrive $0xFFFF  }
0x2e2: {  	_ =	shalt  }

</sc_bundles>
